<compile_context>
chip_gen: v7x
topology: tpu7x:2x2x1
jax: 0.10.2.dev20260603
libtpu: 0.0.44.dev20260713+nightly
codegen_flags: <defaults>
</compile_context>

<pallas_src>
import functools

import jax
import jax.numpy as jnp
from jax import lax
from jax.experimental import pallas as pl
from jax.experimental.pallas import tpu as pltpu
from jax.experimental.pallas import tpu_sc as plsc

_B = 4096
_L = 200
_NPOI = 100
_NW = 32
_LANES = 16

_GR = 2
_NG = 3 * (_L // _GR)
_AR = 8
_NA = 12 * (_L // _AR)


def _sdep_t_body(mft_ref, mit_ref, w12t_ref, dw12t_ref, ts12t_ref, out_ref):
    mft = mft_ref[...]
    mit = mit_ref[...]
    hi = lax.Precision.HIGHEST
    locs = jnp.dot(w12t_ref[...], mft, preferred_element_type=jnp.float32,
                   precision=hi)
    dwoh = (lax.broadcasted_iota(jnp.int32, (7, _B), 0) == mit[0:1, :]
            ).astype(jnp.float32)
    tsoh = (lax.broadcasted_iota(jnp.int32, (48, _B), 0) == mit[1:2, :]
            ).astype(jnp.float32)
    out_ref[...] = (locs
                    + jnp.dot(dw12t_ref[...], dwoh,
                              preferred_element_type=jnp.float32, precision=hi)
                    + jnp.dot(ts12t_ref[...], tsoh,
                              preferred_element_type=jnp.float32, precision=hi))


def _score_body(s2_ref, s3_ref, s4_ref, out_ref):
    out_ref[0] = 1.0 / (s2_ref[0] + 1.0)
    out_ref[1] = s3_ref[0]
    out_ref[2] = s4_ref[0]


def _seqcopy_body(sf_ref, out_ref):
    out_ref[0] = sf_ref[0]


def _seqcopy_kernel(sf_t):
    blk = (1, 40, _B)
    return pl.pallas_call(
        _seqcopy_body,
        grid=(5, _L // 40),
        in_specs=[pl.BlockSpec(blk, lambda j, g: (j, g, 0))],
        out_specs=pl.BlockSpec(blk, lambda j, g: (15 + j, g, 0)),
        out_shape=jax.ShapeDtypeStruct((20, _L, _B), jnp.float32),
    )(sf_t)


_SCORE_ROWS = 40


def _score_kernel(sf_t):
    grid = _L // _SCORE_ROWS
    blk = (1, _SCORE_ROWS, _B)
    return pl.pallas_call(
        _score_body,
        grid=(grid,),
        in_specs=[
            pl.BlockSpec(blk, lambda g: (2, g, 0)),
            pl.BlockSpec(blk, lambda g: (3, g, 0)),
            pl.BlockSpec(blk, lambda g: (4, g, 0)),
        ],
        out_specs=pl.BlockSpec((3, _SCORE_ROWS, _B), lambda g: (0, g, 0)),
        out_shape=jax.ShapeDtypeStruct((3, _L, _B), jnp.float32),
    )(sf_t, sf_t, sf_t)


def _sc_build():
    mesh = plsc.VectorSubcoreMesh(core_axis_name="c", subcore_axis_name="s")
    scratch = (
        [pltpu.VMEM((3, _NPOI + 1), jnp.float32)]
        + [pltpu.VMEM((_GR * _B,), jnp.int32) for _ in range(2)]
        + [pltpu.VMEM((_GR, _B), jnp.float32) for _ in range(2)]
        + [pltpu.VMEM_SHARED((12, _AR, _B), jnp.float32)]
        + [pltpu.SemaphoreType.DMA for _ in range(5)]
    )

    @functools.partial(
        pl.kernel, mesh=mesh,
        out_type=(),
        scratch_types=scratch,
        compiler_params=pltpu.CompilerParams(needs_layout_passes=False))
    def sc(sdepT_hbm, si_hbm, lpt_hbm, seqT_hbm,
           lpt_v, sibuf0, sibuf1, gout0, gout1, sdep_s,
           gsem0, gsem1, gosem0, gosem1, asem):
        sibufs = (sibuf0, sibuf1)
        gouts = (gout0, gout1)
        gsems = (gsem0, gsem1)
        gosems = (gosem0, gosem1)
        cid = lax.axis_index("c")
        sid = lax.axis_index("s")
        wid = sid * 2 + cid

        pltpu.sync_copy(lpt_hbm, lpt_v)

        n_g = (_NG - wid + _NW - 1) // _NW
        n_a = (_NA - wid + _NW - 1) // _NW

        def gpar(q):
            return q // (_L // _GR), 12 + q // (_L // _GR), (q % (_L // _GR)) * _GR

        def g_in(q, p):
            _, _, l0 = gpar(q)
            pltpu.async_copy(si_hbm.at[pl.ds(l0 * _B, _GR * _B)], sibufs[p],
                             gsems[p])

        def g_wait_out(p):
            pltpu.make_async_copy(gouts[p], seqT_hbm.at[0, pl.ds(0, _GR), :],
                                  gosems[p]).wait()

        for p in range(2):
            @pl.when(p < n_g)
            def _(p=p):
                g_in(wid + _NW * p, p)

        @pl.when(sid < 12)
        def _():
            for r in range(_AR):
                pltpu.async_copy(sdepT_hbm.at[sid, :], sdep_s.at[sid, r, :],
                                 asem)
            for r in range(_AR):
                pltpu.make_async_copy(sdepT_hbm.at[0, :],
                                      sdep_s.at[0, 0, :], asem).wait()

        plsc.subcore_barrier()

        def a_body(i, carry):
            q = wid + _NW * i
            j = q // (_L // _AR)
            l0 = (q % (_L // _AR)) * _AR

            @pl.when(i >= 6)
            def _():
                pltpu.make_async_copy(sdep_s.at[0],
                                      seqT_hbm.at[0, pl.ds(0, _AR), :],
                                      asem).wait()

            pltpu.async_copy(sdep_s.at[j], seqT_hbm.at[j, pl.ds(l0, _AR), :],
                             asem)
            return carry

        lax.fori_loop(0, n_a, a_body, 0)

        def g_step(i, p):
            q = wid + _NW * i
            lp_row, dstp, l0 = gpar(q)
            pltpu.make_async_copy(si_hbm.at[pl.ds(0, _GR * _B)], sibufs[p],
                                  gsems[p]).wait()

            @pl.when(i >= 2)
            def _():
                g_wait_out(p)

            rowv = jnp.full((_LANES,), lp_row, jnp.int32)

            for r in range(_GR):
                @plsc.parallel_loop(0, _B, _LANES, unroll=16)
                def _(c, r=r):
                    idx = sibufs[p][pl.ds(r * _B + c, _LANES)] + 1
                    gouts[p][r, pl.ds(c, _LANES)] = plsc.load_gather(
                        lpt_v, [rowv, idx])
            pltpu.async_copy(gouts[p], seqT_hbm.at[dstp, pl.ds(l0, _GR), :],
                             gosems[p])

            @pl.when(i + 2 < n_g)
            def _():
                g_in(q + 2 * _NW, p)

        def g_outer(t, carry):
            for p in range(2):
                i = 2 * t + p

                @pl.when(i < n_g)
                def _(i=i, p=p):
                    g_step(i, p)
            return carry

        lax.fori_loop(0, (n_g + 1) // 2, g_outer, 0)

        for p in range(2):
            @pl.when(n_g >= p + 1)
            def _(p=p):
                g_wait_out(p)

        def a_drain(i, carry):
            pltpu.make_async_copy(sdep_s.at[0],
                                  seqT_hbm.at[0, pl.ds(0, _AR), :],
                                  asem).wait()
            return carry

        lax.fori_loop(0, jnp.minimum(n_a, 6), a_drain, 0)

    return sc


_sc_kernel = _sc_build()


def kernel(meta_int, meta_float, seq_int, seq_float, W_locS, dw_table,
           ts_table, lp_table):
    mi_t = jnp.transpose(meta_int.astype(jnp.int32))
    mf_t = jnp.transpose(jnp.squeeze(meta_float, -1))
    si_f = jnp.reshape(seq_int.astype(jnp.int32), (_L * _B,))
    sf_t = jnp.transpose(seq_float, (2, 0, 1))
    lp_t = jnp.transpose(lp_table)
    w12t = jnp.zeros((12, _NPOI), jnp.float32).at[0:3].set(W_locS)
    dw12t = jnp.zeros((12, 7), jnp.float32).at[3:6].set(dw_table.T)
    ts12t = jnp.zeros((12, 48), jnp.float32).at[6:12].set(ts_table.T)
    sdep_t = pl.pallas_call(
        _sdep_t_body,
        out_shape=jax.ShapeDtypeStruct((12, _B), jnp.float32),
    )(mf_t, mi_t, w12t, dw12t, ts12t)
    score_t = _score_kernel(sf_t)
    seq_init = _seqcopy_kernel(sf_t)
    seq_ref = jax.new_ref(seq_init)
    _sc_kernel(sdep_t, si_f, lp_t, seq_ref)
    seq_t = seq_ref[...]
    return (jnp.transpose(sdep_t),
            jnp.transpose(seq_t, (1, 2, 0)),
            jnp.transpose(score_t, (1, 2, 0)))

# --- scband reference (transcript-rebuilt; emitter-appended) ---
"""Pipeline reference for scband-input-module-61976378081856 (READ-ONLY COPY).

The authoritative reference and input builder live on the scoring server;
editing this copy changes nothing except your own understanding.
"""

import jax, jax.numpy as jnp
import numpy as np

NUM_POITYPE = 100
B = 4096
L = 200

def setup_inputs(seed: int = 0) -> dict:
    key = jax.random.key(seed)
    ks = jax.random.split(key, 8)
    meta_int = jax.random.randint(ks[0], (B, 2), 0, 7, dtype=jnp.int32).astype(jnp.int64) if jax.config.jax_enable_x64 else jax.random.randint(ks[0], (B, 2), 0, 7)
    meta_float = jax.random.uniform(ks[1], (B, NUM_POITYPE, 1), dtype=jnp.float32)
    seq_int = jax.random.randint(ks[2], (L, B, 1), 0, NUM_POITYPE)
    seq_float = jax.random.uniform(ks[3], (L, B, 5), dtype=jnp.float32)
    # learned params per init_kwargs (num_poiType=100)
    W_locS = jax.random.normal(ks[4], (3, NUM_POITYPE), dtype=jnp.float32) * 0.02  # nn.Linear(num_poiType, 3, bias=False).weight
    dw_table = jax.random.normal(ks[5], (7, 3), dtype=jnp.float32)                 # day_week_emb
    ts_table = jax.random.normal(ks[6], (48, 6), dtype=jnp.float32)                # tS_depart_emb (24*2)
    lp_table = jax.random.normal(ks[7], (NUM_POITYPE + 1, 3), dtype=jnp.float32)   # locS_point_emb, padding_idx=0
    lp_table = lp_table.at[0].set(0.0)
    return {"meta_int": meta_int, "meta_float": meta_float, "seq_int": seq_int,
            "seq_float": seq_float, "W_locS": W_locS, "dw_table": dw_table,
            "ts_table": ts_table, "lp_table": lp_table}

def loc_importance(ds):
    speed = ds[..., 0]
    dis = ds[..., 1]
    angle = ds[..., 2]
    speed = 1.0 / (speed + 1.0)
    return jnp.stack([speed, dis, angle], axis=-1)

def reference(meta_int, meta_float, seq_int, seq_float, W_locS, dw_table, ts_table, lp_table):
    # locS_map: Linear(num_poiType, 3, bias=False) -> x @ W.T
    locS_depart = jnp.squeeze(meta_float, -1) @ W_locS.T              # [B, 3]
    day_week = jnp.take(dw_table, meta_int[:, 0], axis=0)             # [B, 3]
    tS_depart = jnp.take(ts_table, meta_int[:, 1], axis=0)            # [B, 6]
    s_depart = jnp.concatenate([locS_depart, day_week, tS_depart], axis=-1)  # [B, 12]
    locS_point = jnp.take(lp_table, jnp.squeeze(seq_int, -1) + 1, axis=0)    # [L, B, 3]
    Lq = seq_float.shape[0]
    seq = jnp.concatenate([
        jnp.broadcast_to(s_depart[None, :, :], (Lq,) + s_depart.shape),
        locS_point,
        seq_float,
    ], axis=-1)                                                        # [L, B, 20]
    score = loc_importance(seq_float[:, :, -3:])                       # [L, B, 3]
    return (s_depart, seq, score)

if __name__ == "__main__":
    import jax
    _d = setup_inputs()
    print(jax.jit(kernel)(*tuple(_d.values())))

</pallas_src>

<mosaic_0001>
#map = affine_map<(d0, d1) -> (0, 0)>
#map1 = affine_map<(d0, d1) -> (0)>
#map2 = affine_map<(d0, d1) -> (0, 0, 0)>
module attributes {stable_mosaic.version = 14 : i64} {
  func.func @new_body(%arg0: i32, %arg1: i32, %arg2: memref<12x4096xf32, #tpu.memory_space<hbm>>, %arg3: memref<819200xi32, #tpu.memory_space<hbm>>, %arg4: memref<3x101xf32, #tpu.memory_space<hbm>>, %arg5: memref<20x200x4096xf32, #tpu.memory_space<hbm>>, %arg6: memref<20x200x4096xf32, #tpu.memory_space<hbm>>, %arg7: memref<3x101xf32, #tpu.memory_space<vmem>>, %arg8: memref<8192xi32, #tpu.memory_space<vmem>>, %arg9: memref<8192xi32, #tpu.memory_space<vmem>>, %arg10: memref<2x4096xf32, #tpu.memory_space<vmem>>, %arg11: memref<2x4096xf32, #tpu.memory_space<vmem>>, %arg12: memref<12x8x4096xf32, #tpu.memory_space<vmem_shared>>, %arg13: memref<!tpu.dma_semaphore, #tpu.memory_space<semaphore_mem>>, %arg14: memref<!tpu.dma_semaphore, #tpu.memory_space<semaphore_mem>>, %arg15: memref<!tpu.dma_semaphore, #tpu.memory_space<semaphore_mem>>, %arg16: memref<!tpu.dma_semaphore, #tpu.memory_space<semaphore_mem>>, %arg17: memref<!tpu.dma_semaphore, #tpu.memory_space<semaphore_mem>>) attributes {dimension_semantics = [#tpu.dimension_semantics<core_parallel>, #tpu.dimension_semantics<subcore_parallel>], iteration_bounds = array<i64: 2, 16>, scalar_prefetch = 0 : i64, scratch_operands = 11 : i64, tpu.core_type = #tpu.core_type<sc_vector_subcore>, window_params = [{transform_indices = #map}, {transform_indices = #map1}, {transform_indices = #map}, {transform_indices = #map2}, {transform_indices = #map2}]} {
    %mul3A = arith.constant 2 : i32
    %mul3A_0 = arith.muli %arg1, %mul3A : i32
    %add3A = arith.addi %mul3A_0, %arg0 : i32
    "tpu.region"() ({
      %run_scoped3A = tpu.sem_alloc : memref<!tpu.dma_semaphore, #tpu.memory_space<semaphore_mem>>
      tpu.enqueue_dma source(%arg4 : memref<3x101xf32, #tpu.memory_space<hbm>>) target(%arg7 : memref<3x101xf32, #tpu.memory_space<vmem>>) target_semaphore(%run_scoped3A : memref<!tpu.dma_semaphore, #tpu.memory_space<semaphore_mem>>)
      tpu.wait_dma2 semaphore(%run_scoped3A : memref<!tpu.dma_semaphore, #tpu.memory_space<semaphore_mem>>) src(%arg4 : memref<3x101xf32, #tpu.memory_space<hbm>>) dst(%arg7 : memref<3x101xf32, #tpu.memory_space<vmem>>)
      tpu.yield
    }) : () -> ()
    %sub3A = arith.constant 300 : i32
    %sub3A_1 = arith.subi %sub3A, %add3A : i32
    %add3A_2 = arith.constant 32 : i32
    %add3A_3 = arith.addi %sub3A_1, %add3A_2 : i32
    %sub3A_4 = arith.constant 1 : i32
    %sub3A_5 = arith.subi %add3A_3, %sub3A_4 : i32
    %jit3A = arith.constant 32 : i32
    %div3A = arith.divsi %sub3A_5, %jit3A : i32
    %sign3A = arith.constant 0 : i32
    %sign3A_6 = arith.cmpi sgt, %sub3A_5, %sign3A : i32
    %sign3A_7 = arith.extui %sign3A_6 : i1 to i32
    %sign3A_8 = arith.constant 0 : i32
    %sign3A_9 = arith.cmpi slt, %sub3A_5, %sign3A_8 : i32
    %sign3A_10 = arith.extui %sign3A_9 : i1 to i32
    %sign3A_11 = arith.subi %sign3A_7, %sign3A_10 : i32
    %sign3A_12 = arith.constant 0 : i32
    %sign3A_13 = arith.cmpi sgt, %jit3A, %sign3A_12 : i32
    %sign3A_14 = arith.extui %sign3A_13 : i1 to i32
    %sign3A_15 = arith.constant 0 : i32
    %sign3A_16 = arith.cmpi slt, %jit3A, %sign3A_15 : i32
    %sign3A_17 = arith.extui %sign3A_16 : i1 to i32
    %sign3A_18 = arith.subi %sign3A_14, %sign3A_17 : i32
    %ne3A = arith.cmpi ne, %sign3A_11, %sign3A_18 : i32
    %rem3A = arith.remsi %sub3A_5, %jit3A : i32
    %ne3A_19 = arith.constant 0 : i32
    %ne3A_20 = arith.cmpi ne, %rem3A, %ne3A_19 : i32
    %and3A = arith.andi %ne3A, %ne3A_20 : i1
    %sub3A_21 = arith.constant 1 : i32
    %sub3A_22 = arith.subi %div3A, %sub3A_21 : i32
    %select_n3A = arith.select %and3A, %sub3A_22, %div3A : i32
    %sub3A_23 = arith.constant 300 : i32
    %sub3A_24 = arith.subi %sub3A_23, %add3A : i32
    %add3A_25 = arith.constant 32 : i32
    %add3A_26 = arith.addi %sub3A_24, %add3A_25 : i32
    %sub3A_27 = arith.constant 1 : i32
    %sub3A_28 = arith.subi %add3A_26, %sub3A_27 : i32
    %jit3A_29 = arith.constant 32 : i32
    %div3A_30 = arith.divsi %sub3A_28, %jit3A_29 : i32
    %sign3A_31 = arith.constant 0 : i32
    %sign3A_32 = arith.cmpi sgt, %sub3A_28, %sign3A_31 : i32
    %sign3A_33 = arith.extui %sign3A_32 : i1 to i32
    %sign3A_34 = arith.constant 0 : i32
    %sign3A_35 = arith.cmpi slt, %sub3A_28, %sign3A_34 : i32
    %sign3A_36 = arith.extui %sign3A_35 : i1 to i32
    %sign3A_37 = arith.subi %sign3A_33, %sign3A_36 : i32
    %sign3A_38 = arith.constant 0 : i32
    %sign3A_39 = arith.cmpi sgt, %jit3A_29, %sign3A_38 : i32
    %sign3A_40 = arith.extui %sign3A_39 : i1 to i32
    %sign3A_41 = arith.constant 0 : i32
    %sign3A_42 = arith.cmpi slt, %jit3A_29, %sign3A_41 : i32
    %sign3A_43 = arith.extui %sign3A_42 : i1 to i32
    %sign3A_44 = arith.subi %sign3A_40, %sign3A_43 : i32
    %ne3A_45 = arith.cmpi ne, %sign3A_37, %sign3A_44 : i32
    %rem3A_46 = arith.remsi %sub3A_28, %jit3A_29 : i32
    %ne3A_47 = arith.constant 0 : i32
    %ne3A_48 = arith.cmpi ne, %rem3A_46, %ne3A_47 : i32
    %and3A_49 = arith.andi %ne3A_45, %ne3A_48 : i1
    %sub3A_50 = arith.constant 1 : i32
    %sub3A_51 = arith.subi %div3A_30, %sub3A_50 : i32
    %select_n3A_52 = arith.select %and3A_49, %sub3A_51, %div3A_30 : i32
    %gt3A = arith.constant 0 : i32
    %gt3A_53 = arith.cmpi sgt, %select_n3A, %gt3A : i32
    %convert_element_type3A = arith.extui %gt3A_53 : i1 to i32
    %cond3A = arith.constant 0 : i32
    %cond3A_54 = arith.cmpi ne, %convert_element_type3A, %cond3A : i32
    scf.if %cond3A_54 {
      %add3A_129 = arith.constant 0 : i32
      %add3A_130 = arith.addi %add3A, %add3A_129 : i32
      %jit3A_131 = arith.constant 100 : i32
      %div3A_132 = arith.divsi %add3A_130, %jit3A_131 : i32
      %sign3A_133 = arith.constant 0 : i32
      %sign3A_134 = arith.cmpi sgt, %add3A_130, %sign3A_133 : i32
      %sign3A_135 = arith.extui %sign3A_134 : i1 to i32
      %sign3A_136 = arith.constant 0 : i32
      %sign3A_137 = arith.cmpi slt, %add3A_130, %sign3A_136 : i32
      %sign3A_138 = arith.extui %sign3A_137 : i1 to i32
      %sign3A_139 = arith.subi %sign3A_135, %sign3A_138 : i32
      %sign3A_140 = arith.constant 0 : i32
      %sign3A_141 = arith.cmpi sgt, %jit3A_131, %sign3A_140 : i32
      %sign3A_142 = arith.extui %sign3A_141 : i1 to i32
      %sign3A_143 = arith.constant 0 : i32
      %sign3A_144 = arith.cmpi slt, %jit3A_131, %sign3A_143 : i32
      %sign3A_145 = arith.extui %sign3A_144 : i1 to i32
      %sign3A_146 = arith.subi %sign3A_142, %sign3A_145 : i32
      %ne3A_147 = arith.cmpi ne, %sign3A_139, %sign3A_146 : i32
      %rem3A_148 = arith.remsi %add3A_130, %jit3A_131 : i32
      %ne3A_149 = arith.constant 0 : i32
      %ne3A_150 = arith.cmpi ne, %rem3A_148, %ne3A_149 : i32
      %and3A_151 = arith.andi %ne3A_147, %ne3A_150 : i1
      %sub3A_152 = arith.constant 1 : i32
      %sub3A_153 = arith.subi %div3A_132, %sub3A_152 : i32
      %select_n3A_154 = arith.select %and3A_151, %sub3A_153, %div3A_132 : i32
      %jit3A_155 = arith.constant 100 : i32
      %div3A_156 = arith.divsi %add3A_130, %jit3A_155 : i32
      %sign3A_157 = arith.constant 0 : i32
      %sign3A_158 = arith.cmpi sgt, %add3A_130, %sign3A_157 : i32
      %sign3A_159 = arith.extui %sign3A_158 : i1 to i32
      %sign3A_160 = arith.constant 0 : i32
      %sign3A_161 = arith.cmpi slt, %add3A_130, %sign3A_160 : i32
      %sign3A_162 = arith.extui %sign3A_161 : i1 to i32
      %sign3A_163 = arith.subi %sign3A_159, %sign3A_162 : i32
      %sign3A_164 = arith.constant 0 : i32
      %sign3A_165 = arith.cmpi sgt, %jit3A_155, %sign3A_164 : i32
      %sign3A_166 = arith.extui %sign3A_165 : i1 to i32
      %sign3A_167 = arith.constant 0 : i32
      %sign3A_168 = arith.cmpi slt, %jit3A_155, %sign3A_167 : i32
      %sign3A_169 = arith.extui %sign3A_168 : i1 to i32
      %sign3A_170 = arith.subi %sign3A_166, %sign3A_169 : i32
      %ne3A_171 = arith.cmpi ne, %sign3A_163, %sign3A_170 : i32
      %rem3A_172 = arith.remsi %add3A_130, %jit3A_155 : i32
      %ne3A_173 = arith.constant 0 : i32
      %ne3A_174 = arith.cmpi ne, %rem3A_172, %ne3A_173 : i32
      %and3A_175 = arith.andi %ne3A_171, %ne3A_174 : i1
      %sub3A_176 = arith.constant 1 : i32
      %sub3A_177 = arith.subi %div3A_156, %sub3A_176 : i32
      %select_n3A_178 = arith.select %and3A_175, %sub3A_177, %div3A_156 : i32
      %add3A_179 = arith.constant 12 : i32
      %add3A_180 = arith.addi %add3A_179, %select_n3A_178 : i32
      %jit3A_181 = arith.constant 100 : i32
      %eq3A = arith.constant 0 : i32
      %eq3A_182 = arith.cmpi eq, %jit3A_181, %eq3A : i32
      %jit3A_183 = arith.constant 1 : i32
      %select_n3A_184 = arith.select %eq3A_182, %jit3A_183, %jit3A_181 : i32
      %rem3A_185 = arith.remsi %add3A_130, %select_n3A_184 : i32
      %ne3A_186 = arith.constant 0 : i32
      %ne3A_187 = arith.cmpi ne, %rem3A_185, %ne3A_186 : i32
      %lt3A_188 = arith.constant 0 : i32
      %lt3A_189 = arith.cmpi slt, %rem3A_185, %lt3A_188 : i32
      %lt3A_190 = arith.constant 0 : i32
      %lt3A_191 = arith.cmpi slt, %select_n3A_184, %lt3A_190 : i32
      %ne3A_192 = arith.xori %lt3A_189, %lt3A_191 : i1
      %and3A_193 = arith.andi %ne3A_192, %ne3A_187 : i1
      %add3A_194 = arith.addi %rem3A_185, %select_n3A_184 : i32
      %select_n3A_195 = arith.select %and3A_193, %add3A_194, %rem3A_185 : i32
      %mul3A_196 = arith.constant 2 : i32
      %mul3A_197 = arith.muli %select_n3A_195, %mul3A_196 : i32
      %mul3A_198 = arith.constant 4096 : i32
      %mul3A_199 = arith.muli %mul3A_197, %mul3A_198 : i32
      %dma_start3A = tpu.memref_slice %arg3[%mul3A_199] : memref<819200xi32, #tpu.memory_space<hbm>> -> memref<8192xi32, #tpu.memory_space<hbm>>
      %dma_start3A_200 = tpu.memref_slice %arg3[%mul3A_199] : memref<819200xi32, #tpu.memory_space<hbm>> -> memref<8192xi32, #tpu.memory_space<hbm>>
      tpu.enqueue_dma source(%dma_start3A_200 : memref<8192xi32, #tpu.memory_space<hbm>>) target(%arg8 : memref<8192xi32, #tpu.memory_space<vmem>>) target_semaphore(%arg13 : memref<!tpu.dma_semaphore, #tpu.memory_space<semaphore_mem>>)
    } else {
    }
    %gt3A_55 = arith.constant 1 : i32
    %gt3A_56 = arith.cmpi sgt, %select_n3A, %gt3A_55 : i32
    %convert_element_type3A_57 = arith.extui %gt3A_56 : i1 to i32
    %cond3A_58 = arith.constant 0 : i32
    %cond3A_59 = arith.cmpi ne, %convert_element_type3A_57, %cond3A_58 : i32
    scf.if %cond3A_59 {
      %add3A_129 = arith.constant 32 : i32
      %add3A_130 = arith.addi %add3A, %add3A_129 : i32
      %jit3A_131 = arith.constant 100 : i32
      %div3A_132 = arith.divsi %add3A_130, %jit3A_131 : i32
      %sign3A_133 = arith.constant 0 : i32
      %sign3A_134 = arith.cmpi sgt, %add3A_130, %sign3A_133 : i32
      %sign3A_135 = arith.extui %sign3A_134 : i1 to i32
      %sign3A_136 = arith.constant 0 : i32
      %sign3A_137 = arith.cmpi slt, %add3A_130, %sign3A_136 : i32
      %sign3A_138 = arith.extui %sign3A_137 : i1 to i32
      %sign3A_139 = arith.subi %sign3A_135, %sign3A_138 : i32
      %sign3A_140 = arith.constant 0 : i32
      %sign3A_141 = arith.cmpi sgt, %jit3A_131, %sign3A_140 : i32
      %sign3A_142 = arith.extui %sign3A_141 : i1 to i32
      %sign3A_143 = arith.constant 0 : i32
      %sign3A_144 = arith.cmpi slt, %jit3A_131, %sign3A_143 : i32
      %sign3A_145 = arith.extui %sign3A_144 : i1 to i32
      %sign3A_146 = arith.subi %sign3A_142, %sign3A_145 : i32
      %ne3A_147 = arith.cmpi ne, %sign3A_139, %sign3A_146 : i32
      %rem3A_148 = arith.remsi %add3A_130, %jit3A_131 : i32
      %ne3A_149 = arith.constant 0 : i32
      %ne3A_150 = arith.cmpi ne, %rem3A_148, %ne3A_149 : i32
      %and3A_151 = arith.andi %ne3A_147, %ne3A_150 : i1
      %sub3A_152 = arith.constant 1 : i32
      %sub3A_153 = arith.subi %div3A_132, %sub3A_152 : i32
      %select_n3A_154 = arith.select %and3A_151, %sub3A_153, %div3A_132 : i32
      %jit3A_155 = arith.constant 100 : i32
      %div3A_156 = arith.divsi %add3A_130, %jit3A_155 : i32
      %sign3A_157 = arith.constant 0 : i32
      %sign3A_158 = arith.cmpi sgt, %add3A_130, %sign3A_157 : i32
      %sign3A_159 = arith.extui %sign3A_158 : i1 to i32
      %sign3A_160 = arith.constant 0 : i32
      %sign3A_161 = arith.cmpi slt, %add3A_130, %sign3A_160 : i32
      %sign3A_162 = arith.extui %sign3A_161 : i1 to i32
      %sign3A_163 = arith.subi %sign3A_159, %sign3A_162 : i32
      %sign3A_164 = arith.constant 0 : i32
      %sign3A_165 = arith.cmpi sgt, %jit3A_155, %sign3A_164 : i32
      %sign3A_166 = arith.extui %sign3A_165 : i1 to i32
      %sign3A_167 = arith.constant 0 : i32
      %sign3A_168 = arith.cmpi slt, %jit3A_155, %sign3A_167 : i32
      %sign3A_169 = arith.extui %sign3A_168 : i1 to i32
      %sign3A_170 = arith.subi %sign3A_166, %sign3A_169 : i32
      %ne3A_171 = arith.cmpi ne, %sign3A_163, %sign3A_170 : i32
      %rem3A_172 = arith.remsi %add3A_130, %jit3A_155 : i32
      %ne3A_173 = arith.constant 0 : i32
      %ne3A_174 = arith.cmpi ne, %rem3A_172, %ne3A_173 : i32
      %and3A_175 = arith.andi %ne3A_171, %ne3A_174 : i1
      %sub3A_176 = arith.constant 1 : i32
      %sub3A_177 = arith.subi %div3A_156, %sub3A_176 : i32
      %select_n3A_178 = arith.select %and3A_175, %sub3A_177, %div3A_156 : i32
      %add3A_179 = arith.constant 12 : i32
      %add3A_180 = arith.addi %add3A_179, %select_n3A_178 : i32
      %jit3A_181 = arith.constant 100 : i32
      %eq3A = arith.constant 0 : i32
      %eq3A_182 = arith.cmpi eq, %jit3A_181, %eq3A : i32
      %jit3A_183 = arith.constant 1 : i32
      %select_n3A_184 = arith.select %eq3A_182, %jit3A_183, %jit3A_181 : i32
      %rem3A_185 = arith.remsi %add3A_130, %select_n3A_184 : i32
      %ne3A_186 = arith.constant 0 : i32
      %ne3A_187 = arith.cmpi ne, %rem3A_185, %ne3A_186 : i32
      %lt3A_188 = arith.constant 0 : i32
      %lt3A_189 = arith.cmpi slt, %rem3A_185, %lt3A_188 : i32
      %lt3A_190 = arith.constant 0 : i32
      %lt3A_191 = arith.cmpi slt, %select_n3A_184, %lt3A_190 : i32
      %ne3A_192 = arith.xori %lt3A_189, %lt3A_191 : i1
      %and3A_193 = arith.andi %ne3A_192, %ne3A_187 : i1
      %add3A_194 = arith.addi %rem3A_185, %select_n3A_184 : i32
      %select_n3A_195 = arith.select %and3A_193, %add3A_194, %rem3A_185 : i32
      %mul3A_196 = arith.constant 2 : i32
      %mul3A_197 = arith.muli %select_n3A_195, %mul3A_196 : i32
      %mul3A_198 = arith.constant 4096 : i32
      %mul3A_199 = arith.muli %mul3A_197, %mul3A_198 : i32
      %dma_start3A = tpu.memref_slice %arg3[%mul3A_199] : memref<819200xi32, #tpu.memory_space<hbm>> -> memref<8192xi32, #tpu.memory_space<hbm>>
      %dma_start3A_200 = tpu.memref_slice %arg3[%mul3A_199] : memref<819200xi32, #tpu.memory_space<hbm>> -> memref<8192xi32, #tpu.memory_space<hbm>>
      tpu.enqueue_dma source(%dma_start3A_200 : memref<8192xi32, #tpu.memory_space<hbm>>) target(%arg9 : memref<8192xi32, #tpu.memory_space<vmem>>) target_semaphore(%arg14 : memref<!tpu.dma_semaphore, #tpu.memory_space<semaphore_mem>>)
    } else {
    }
    %lt3A = arith.constant 12 : i32
    %lt3A_60 = arith.cmpi slt, %arg1, %lt3A : i32
    %convert_element_type3A_61 = arith.extui %lt3A_60 : i1 to i32
    %cond3A_62 = arith.constant 0 : i32
    %cond3A_63 = arith.cmpi ne, %convert_element_type3A_61, %cond3A_62 : i32
    scf.if %cond3A_63 {
      %dma_start3A = arith.constant 0 : i32
      %dma_start3A_129 = arith.constant 0 : i32
      %dma_start3A_130 = tpu.memref_slice %arg12[%arg1, %dma_start3A, %dma_start3A_129] : memref<12x8x4096xf32, #tpu.memory_space<vmem_shared>> -> memref<1x1x4096xf32, #tpu.memory_space<vmem_shared>>
      %dma_start3A_131 = tpu.memref_squeeze %dma_start3A_130 : memref<1x1x4096xf32, #tpu.memory_space<vmem_shared>> -> memref<4096xf32, #tpu.memory_space<vmem_shared>>
      %dma_start3A_132 = arith.constant 0 : i32
      %dma_start3A_133 = tpu.memref_slice %arg2[%arg1, %dma_start3A_132] : memref<12x4096xf32, #tpu.memory_space<hbm>> -> memref<1x4096xf32, #tpu.memory_space<hbm>>
      %dma_start3A_134 = tpu.memref_squeeze %dma_start3A_133 : memref<1x4096xf32, #tpu.memory_space<hbm>> -> memref<4096xf32, #tpu.memory_space<hbm>>
      tpu.enqueue_dma source(%dma_start3A_134 : memref<4096xf32, #tpu.memory_space<hbm>>) target(%dma_start3A_131 : memref<4096xf32, #tpu.memory_space<vmem_shared>>) target_semaphore(%arg17 : memref<!tpu.dma_semaphore, #tpu.memory_space<semaphore_mem>>)
      %dma_start3A_135 = arith.constant 1 : i32
      %dma_start3A_136 = arith.constant 0 : i32
      %dma_start3A_137 = tpu.memref_slice %arg12[%arg1, %dma_start3A_135, %dma_start3A_136] : memref<12x8x4096xf32, #tpu.memory_space<vmem_shared>> -> memref<1x1x4096xf32, #tpu.memory_space<vmem_shared>>
      %dma_start3A_138 = tpu.memref_squeeze %dma_start3A_137 : memref<1x1x4096xf32, #tpu.memory_space<vmem_shared>> -> memref<4096xf32, #tpu.memory_space<vmem_shared>>
      %dma_start3A_139 = arith.constant 0 : i32
      %dma_start3A_140 = tpu.memref_slice %arg2[%arg1, %dma_start3A_139] : memref<12x4096xf32, #tpu.memory_space<hbm>> -> memref<1x4096xf32, #tpu.memory_space<hbm>>
      %dma_start3A_141 = tpu.memref_squeeze %dma_start3A_140 : memref<1x4096xf32, #tpu.memory_space<hbm>> -> memref<4096xf32, #tpu.memory_space<hbm>>
      tpu.enqueue_dma source(%dma_start3A_141 : memref<4096xf32, #tpu.memory_space<hbm>>) target(%dma_start3A_138 : memref<4096xf32, #tpu.memory_space<vmem_shared>>) target_semaphore(%arg17 : memref<!tpu.dma_semaphore, #tpu.memory_space<semaphore_mem>>)
      %dma_start3A_142 = arith.constant 2 : i32
      %dma_start3A_143 = arith.constant 0 : i32
      %dma_start3A_144 = tpu.memref_slice %arg12[%arg1, %dma_start3A_142, %dma_start3A_143] : memref<12x8x4096xf32, #tpu.memory_space<vmem_shared>> -> memref<1x1x4096xf32, #tpu.memory_space<vmem_shared>>
      %dma_start3A_145 = tpu.memref_squeeze %dma_start3A_144 : memref<1x1x4096xf32, #tpu.memory_space<vmem_shared>> -> memref<4096xf32, #tpu.memory_space<vmem_shared>>
      %dma_start3A_146 = arith.constant 0 : i32
      %dma_start3A_147 = tpu.memref_slice %arg2[%arg1, %dma_start3A_146] : memref<12x4096xf32, #tpu.memory_space<hbm>> -> memref<1x4096xf32, #tpu.memory_space<hbm>>
      %dma_start3A_148 = tpu.memref_squeeze %dma_start3A_147 : memref<1x4096xf32, #tpu.memory_space<hbm>> -> memref<4096xf32, #tpu.memory_space<hbm>>
      tpu.enqueue_dma source(%dma_start3A_148 : memref<4096xf32, #tpu.memory_space<hbm>>) target(%dma_start3A_145 : memref<4096xf32, #tpu.memory_space<vmem_shared>>) target_semaphore(%arg17 : memref<!tpu.dma_semaphore, #tpu.memory_space<semaphore_mem>>)
      %dma_start3A_149 = arith.constant 3 : i32
      %dma_start3A_150 = arith.constant 0 : i32
      %dma_start3A_151 = tpu.memref_slice %arg12[%arg1, %dma_start3A_149, %dma_start3A_150] : memref<12x8x4096xf32, #tpu.memory_space<vmem_shared>> -> memref<1x1x4096xf32, #tpu.memory_space<vmem_shared>>
      %dma_start3A_152 = tpu.memref_squeeze %dma_start3A_151 : memref<1x1x4096xf32, #tpu.memory_space<vmem_shared>> -> memref<4096xf32, #tpu.memory_space<vmem_shared>>
      %dma_start3A_153 = arith.constant 0 : i32
      %dma_start3A_154 = tpu.memref_slice %arg2[%arg1, %dma_start3A_153] : memref<12x4096xf32, #tpu.memory_space<hbm>> -> memref<1x4096xf32, #tpu.memory_space<hbm>>
      %dma_start3A_155 = tpu.memref_squeeze %dma_start3A_154 : memref<1x4096xf32, #tpu.memory_space<hbm>> -> memref<4096xf32, #tpu.memory_space<hbm>>
      tpu.enqueue_dma source(%dma_start3A_155 : memref<4096xf32, #tpu.memory_space<hbm>>) target(%dma_start3A_152 : memref<4096xf32, #tpu.memory_space<vmem_shared>>) target_semaphore(%arg17 : memref<!tpu.dma_semaphore, #tpu.memory_space<semaphore_mem>>)
      %dma_start3A_156 = arith.constant 4 : i32
      %dma_start3A_157 = arith.constant 0 : i32
      %dma_start3A_158 = tpu.memref_slice %arg12[%arg1, %dma_start3A_156, %dma_start3A_157] : memref<12x8x4096xf32, #tpu.memory_space<vmem_shared>> -> memref<1x1x4096xf32, #tpu.memory_space<vmem_shared>>
      %dma_start3A_159 = tpu.memref_squeeze %dma_start3A_158 : memref<1x1x4096xf32, #tpu.memory_space<vmem_shared>> -> memref<4096xf32, #tpu.memory_space<vmem_shared>>
      %dma_start3A_160 = arith.constant 0 : i32
      %dma_start3A_161 = tpu.memref_slice %arg2[%arg1, %dma_start3A_160] : memref<12x4096xf32, #tpu.memory_space<hbm>> -> memref<1x4096xf32, #tpu.memory_space<hbm>>
      %dma_start3A_162 = tpu.memref_squeeze %dma_start3A_161 : memref<1x4096xf32, #tpu.memory_space<hbm>> -> memref<4096xf32, #tpu.memory_space<hbm>>
      tpu.enqueue_dma source(%dma_start3A_162 : memref<4096xf32, #tpu.memory_space<hbm>>) target(%dma_start3A_159 : memref<4096xf32, #tpu.memory_space<vmem_shared>>) target_semaphore(%arg17 : memref<!tpu.dma_semaphore, #tpu.memory_space<semaphore_mem>>)
      %dma_start3A_163 = arith.constant 5 : i32
      %dma_start3A_164 = arith.constant 0 : i32
      %dma_start3A_165 = tpu.memref_slice %arg12[%arg1, %dma_start3A_163, %dma_start3A_164] : memref<12x8x4096xf32, #tpu.memory_space<vmem_shared>> -> memref<1x1x4096xf32, #tpu.memory_space<vmem_shared>>
      %dma_start3A_166 = tpu.memref_squeeze %dma_start3A_165 : memref<1x1x4096xf32, #tpu.memory_space<vmem_shared>> -> memref<4096xf32, #tpu.memory_space<vmem_shared>>
      %dma_start3A_167 = arith.constant 0 : i32
      %dma_start3A_168 = tpu.memref_slice %arg2[%arg1, %dma_start3A_167] : memref<12x4096xf32, #tpu.memory_space<hbm>> -> memref<1x4096xf32, #tpu.memory_space<hbm>>
      %dma_start3A_169 = tpu.memref_squeeze %dma_start3A_168 : memref<1x4096xf32, #tpu.memory_space<hbm>> -> memref<4096xf32, #tpu.memory_space<hbm>>
      tpu.enqueue_dma source(%dma_start3A_169 : memref<4096xf32, #tpu.memory_space<hbm>>) target(%dma_start3A_166 : memref<4096xf32, #tpu.memory_space<vmem_shared>>) target_semaphore(%arg17 : memref<!tpu.dma_semaphore, #tpu.memory_space<semaphore_mem>>)
      %dma_start3A_170 = arith.constant 6 : i32
      %dma_start3A_171 = arith.constant 0 : i32
      %dma_start3A_172 = tpu.memref_slice %arg12[%arg1, %dma_start3A_170, %dma_start3A_171] : memref<12x8x4096xf32, #tpu.memory_space<vmem_shared>> -> memref<1x1x4096xf32, #tpu.memory_space<vmem_shared>>
      %dma_start3A_173 = tpu.memref_squeeze %dma_start3A_172 : memref<1x1x4096xf32, #tpu.memory_space<vmem_shared>> -> memref<4096xf32, #tpu.memory_space<vmem_shared>>
      %dma_start3A_174 = arith.constant 0 : i32
      %dma_start3A_175 = tpu.memref_slice %arg2[%arg1, %dma_start3A_174] : memref<12x4096xf32, #tpu.memory_space<hbm>> -> memref<1x4096xf32, #tpu.memory_space<hbm>>
      %dma_start3A_176 = tpu.memref_squeeze %dma_start3A_175 : memref<1x4096xf32, #tpu.memory_space<hbm>> -> memref<4096xf32, #tpu.memory_space<hbm>>
      tpu.enqueue_dma source(%dma_start3A_176 : memref<4096xf32, #tpu.memory_space<hbm>>) target(%dma_start3A_173 : memref<4096xf32, #tpu.memory_space<vmem_shared>>) target_semaphore(%arg17 : memref<!tpu.dma_semaphore, #tpu.memory_space<semaphore_mem>>)
      %dma_start3A_177 = arith.constant 7 : i32
      %dma_start3A_178 = arith.constant 0 : i32
      %dma_start3A_179 = tpu.memref_slice %arg12[%arg1, %dma_start3A_177, %dma_start3A_178] : memref<12x8x4096xf32, #tpu.memory_space<vmem_shared>> -> memref<1x1x4096xf32, #tpu.memory_space<vmem_shared>>
      %dma_start3A_180 = tpu.memref_squeeze %dma_start3A_179 : memref<1x1x4096xf32, #tpu.memory_space<vmem_shared>> -> memref<4096xf32, #tpu.memory_space<vmem_shared>>
      %dma_start3A_181 = arith.constant 0 : i32
      %dma_start3A_182 = tpu.memref_slice %arg2[%arg1, %dma_start3A_181] : memref<12x4096xf32, #tpu.memory_space<hbm>> -> memref<1x4096xf32, #tpu.memory_space<hbm>>
      %dma_start3A_183 = tpu.memref_squeeze %dma_start3A_182 : memref<1x4096xf32, #tpu.memory_space<hbm>> -> memref<4096xf32, #tpu.memory_space<hbm>>
      tpu.enqueue_dma source(%dma_start3A_183 : memref<4096xf32, #tpu.memory_space<hbm>>) target(%dma_start3A_180 : memref<4096xf32, #tpu.memory_space<vmem_shared>>) target_semaphore(%arg17 : memref<!tpu.dma_semaphore, #tpu.memory_space<semaphore_mem>>)
      %dma_wait3A = arith.constant 0 : i32
      %dma_wait3A_184 = arith.constant 0 : i32
      %dma_wait3A_185 = arith.constant 0 : i32
      %dma_wait3A_186 = arith.constant 0 : i32
      %dma_wait3A_187 = tpu.memref_slice %arg12[%dma_wait3A_184, %dma_wait3A_185, %dma_wait3A_186] : memref<12x8x4096xf32, #tpu.memory_space<vmem_shared>> -> memref<1x1x4096xf32, #tpu.memory_space<vmem_shared>>
      %dma_wait3A_188 = tpu.memref_squeeze %dma_wait3A_187 : memref<1x1x4096xf32, #tpu.memory_space<vmem_shared>> -> memref<4096xf32, #tpu.memory_space<vmem_shared>>
      %dma_wait3A_189 = arith.constant 0 : i32
      %dma_wait3A_190 = tpu.memref_slice %arg2[%dma_wait3A, %dma_wait3A_189] : memref<12x4096xf32, #tpu.memory_space<hbm>> -> memref<1x4096xf32, #tpu.memory_space<hbm>>
      %dma_wait3A_191 = tpu.memref_squeeze %dma_wait3A_190 : memref<1x4096xf32, #tpu.memory_space<hbm>> -> memref<4096xf32, #tpu.memory_space<hbm>>
      tpu.wait_dma2 semaphore(%arg17 : memref<!tpu.dma_semaphore, #tpu.memory_space<semaphore_mem>>) src(%dma_wait3A_191 : memref<4096xf32, #tpu.memory_space<hbm>>) dst(%dma_wait3A_188 : memref<4096xf32, #tpu.memory_space<vmem_shared>>)
      %dma_wait3A_192 = arith.constant 0 : i32
      %dma_wait3A_193 = arith.constant 0 : i32
      %dma_wait3A_194 = arith.constant 0 : i32
      %dma_wait3A_195 = arith.constant 0 : i32
      %dma_wait3A_196 = tpu.memref_slice %arg12[%dma_wait3A_193, %dma_wait3A_194, %dma_wait3A_195] : memref<12x8x4096xf32, #tpu.memory_space<vmem_shared>> -> memref<1x1x4096xf32, #tpu.memory_space<vmem_shared>>
      %dma_wait3A_197 = tpu.memref_squeeze %dma_wait3A_196 : memref<1x1x4096xf32, #tpu.memory_space<vmem_shared>> -> memref<4096xf32, #tpu.memory_space<vmem_shared>>
      %dma_wait3A_198 = arith.constant 0 : i32
      %dma_wait3A_199 = tpu.memref_slice %arg2[%dma_wait3A_192, %dma_wait3A_198] : memref<12x4096xf32, #tpu.memory_space<hbm>> -> memref<1x4096xf32, #tpu.memory_space<hbm>>
      %dma_wait3A_200 = tpu.memref_squeeze %dma_wait3A_199 : memref<1x4096xf32, #tpu.memory_space<hbm>> -> memref<4096xf32, #tpu.memory_space<hbm>>
      tpu.wait_dma2 semaphore(%arg17 : memref<!tpu.dma_semaphore, #tpu.memory_space<semaphore_mem>>) src(%dma_wait3A_200 : memref<4096xf32, #tpu.memory_space<hbm>>) dst(%dma_wait3A_197 : memref<4096xf32, #tpu.memory_space<vmem_shared>>)
      %dma_wait3A_201 = arith.constant 0 : i32
      %dma_wait3A_202 = arith.constant 0 : i32
      %dma_wait3A_203 = arith.constant 0 : i32
      %dma_wait3A_204 = arith.constant 0 : i32
      %dma_wait3A_205 = tpu.memref_slice %arg12[%dma_wait3A_202, %dma_wait3A_203, %dma_wait3A_204] : memref<12x8x4096xf32, #tpu.memory_space<vmem_shared>> -> memref<1x1x4096xf32, #tpu.memory_space<vmem_shared>>
      %dma_wait3A_206 = tpu.memref_squeeze %dma_wait3A_205 : memref<1x1x4096xf32, #tpu.memory_space<vmem_shared>> -> memref<4096xf32, #tpu.memory_space<vmem_shared>>
      %dma_wait3A_207 = arith.constant 0 : i32
      %dma_wait3A_208 = tpu.memref_slice %arg2[%dma_wait3A_201, %dma_wait3A_207] : memref<12x4096xf32, #tpu.memory_space<hbm>> -> memref<1x4096xf32, #tpu.memory_space<hbm>>
      %dma_wait3A_209 = tpu.memref_squeeze %dma_wait3A_208 : memref<1x4096xf32, #tpu.memory_space<hbm>> -> memref<4096xf32, #tpu.memory_space<hbm>>
      tpu.wait_dma2 semaphore(%arg17 : memref<!tpu.dma_semaphore, #tpu.memory_space<semaphore_mem>>) src(%dma_wait3A_209 : memref<4096xf32, #tpu.memory_space<hbm>>) dst(%dma_wait3A_206 : memref<4096xf32, #tpu.memory_space<vmem_shared>>)
      %dma_wait3A_210 = arith.constant 0 : i32
      %dma_wait3A_211 = arith.constant 0 : i32
      %dma_wait3A_212 = arith.constant 0 : i32
      %dma_wait3A_213 = arith.constant 0 : i32
      %dma_wait3A_214 = tpu.memref_slice %arg12[%dma_wait3A_211, %dma_wait3A_212, %dma_wait3A_213] : memref<12x8x4096xf32, #tpu.memory_space<vmem_shared>> -> memref<1x1x4096xf32, #tpu.memory_space<vmem_shared>>
      %dma_wait3A_215 = tpu.memref_squeeze %dma_wait3A_214 : memref<1x1x4096xf32, #tpu.memory_space<vmem_shared>> -> memref<4096xf32, #tpu.memory_space<vmem_shared>>
      %dma_wait3A_216 = arith.constant 0 : i32
      %dma_wait3A_217 = tpu.memref_slice %arg2[%dma_wait3A_210, %dma_wait3A_216] : memref<12x4096xf32, #tpu.memory_space<hbm>> -> memref<1x4096xf32, #tpu.memory_space<hbm>>
      %dma_wait3A_218 = tpu.memref_squeeze %dma_wait3A_217 : memref<1x4096xf32, #tpu.memory_space<hbm>> -> memref<4096xf32, #tpu.memory_space<hbm>>
      tpu.wait_dma2 semaphore(%arg17 : memref<!tpu.dma_semaphore, #tpu.memory_space<semaphore_mem>>) src(%dma_wait3A_218 : memref<4096xf32, #tpu.memory_space<hbm>>) dst(%dma_wait3A_215 : memref<4096xf32, #tpu.memory_space<vmem_shared>>)
      %dma_wait3A_219 = arith.constant 0 : i32
      %dma_wait3A_220 = arith.constant 0 : i32
      %dma_wait3A_221 = arith.constant 0 : i32
      %dma_wait3A_222 = arith.constant 0 : i32
      %dma_wait3A_223 = tpu.memref_slice %arg12[%dma_wait3A_220, %dma_wait3A_221, %dma_wait3A_222] : memref<12x8x4096xf32, #tpu.memory_space<vmem_shared>> -> memref<1x1x4096xf32, #tpu.memory_space<vmem_shared>>
      %dma_wait3A_224 = tpu.memref_squeeze %dma_wait3A_223 : memref<1x1x4096xf32, #tpu.memory_space<vmem_shared>> -> memref<4096xf32, #tpu.memory_space<vmem_shared>>
      %dma_wait3A_225 = arith.constant 0 : i32
      %dma_wait3A_226 = tpu.memref_slice %arg2[%dma_wait3A_219, %dma_wait3A_225] : memref<12x4096xf32, #tpu.memory_space<hbm>> -> memref<1x4096xf32, #tpu.memory_space<hbm>>
      %dma_wait3A_227 = tpu.memref_squeeze %dma_wait3A_226 : memref<1x4096xf32, #tpu.memory_space<hbm>> -> memref<4096xf32, #tpu.memory_space<hbm>>
      tpu.wait_dma2 semaphore(%arg17 : memref<!tpu.dma_semaphore, #tpu.memory_space<semaphore_mem>>) src(%dma_wait3A_227 : memref<4096xf32, #tpu.memory_space<hbm>>) dst(%dma_wait3A_224 : memref<4096xf32, #tpu.memory_space<vmem_shared>>)
      %dma_wait3A_228 = arith.constant 0 : i32
      %dma_wait3A_229 = arith.constant 0 : i32
      %dma_wait3A_230 = arith.constant 0 : i32
      %dma_wait3A_231 = arith.constant 0 : i32
      %dma_wait3A_232 = tpu.memref_slice %arg12[%dma_wait3A_229, %dma_wait3A_230, %dma_wait3A_231] : memref<12x8x4096xf32, #tpu.memory_space<vmem_shared>> -> memref<1x1x4096xf32, #tpu.memory_space<vmem_shared>>
      %dma_wait3A_233 = tpu.memref_squeeze %dma_wait3A_232 : memref<1x1x4096xf32, #tpu.memory_space<vmem_shared>> -> memref<4096xf32, #tpu.memory_space<vmem_shared>>
      %dma_wait3A_234 = arith.constant 0 : i32
      %dma_wait3A_235 = tpu.memref_slice %arg2[%dma_wait3A_228, %dma_wait3A_234] : memref<12x4096xf32, #tpu.memory_space<hbm>> -> memref<1x4096xf32, #tpu.memory_space<hbm>>
      %dma_wait3A_236 = tpu.memref_squeeze %dma_wait3A_235 : memref<1x4096xf32, #tpu.memory_space<hbm>> -> memref<4096xf32, #tpu.memory_space<hbm>>
      tpu.wait_dma2 semaphore(%arg17 : memref<!tpu.dma_semaphore, #tpu.memory_space<semaphore_mem>>) src(%dma_wait3A_236 : memref<4096xf32, #tpu.memory_space<hbm>>) dst(%dma_wait3A_233 : memref<4096xf32, #tpu.memory_space<vmem_shared>>)
      %dma_wait3A_237 = arith.constant 0 : i32
      %dma_wait3A_238 = arith.constant 0 : i32
      %dma_wait3A_239 = arith.constant 0 : i32
      %dma_wait3A_240 = arith.constant 0 : i32
      %dma_wait3A_241 = tpu.memref_slice %arg12[%dma_wait3A_238, %dma_wait3A_239, %dma_wait3A_240] : memref<12x8x4096xf32, #tpu.memory_space<vmem_shared>> -> memref<1x1x4096xf32, #tpu.memory_space<vmem_shared>>
      %dma_wait3A_242 = tpu.memref_squeeze %dma_wait3A_241 : memref<1x1x4096xf32, #tpu.memory_space<vmem_shared>> -> memref<4096xf32, #tpu.memory_space<vmem_shared>>
      %dma_wait3A_243 = arith.constant 0 : i32
      %dma_wait3A_244 = tpu.memref_slice %arg2[%dma_wait3A_237, %dma_wait3A_243] : memref<12x4096xf32, #tpu.memory_space<hbm>> -> memref<1x4096xf32, #tpu.memory_space<hbm>>
      %dma_wait3A_245 = tpu.memref_squeeze %dma_wait3A_244 : memref<1x4096xf32, #tpu.memory_space<hbm>> -> memref<4096xf32, #tpu.memory_space<hbm>>
      tpu.wait_dma2 semaphore(%arg17 : memref<!tpu.dma_semaphore, #tpu.memory_space<semaphore_mem>>) src(%dma_wait3A_245 : memref<4096xf32, #tpu.memory_space<hbm>>) dst(%dma_wait3A_242 : memref<4096xf32, #tpu.memory_space<vmem_shared>>)
      %dma_wait3A_246 = arith.constant 0 : i32
      %dma_wait3A_247 = arith.constant 0 : i32
      %dma_wait3A_248 = arith.constant 0 : i32
      %dma_wait3A_249 = arith.constant 0 : i32
      %dma_wait3A_250 = tpu.memref_slice %arg12[%dma_wait3A_247, %dma_wait3A_248, %dma_wait3A_249] : memref<12x8x4096xf32, #tpu.memory_space<vmem_shared>> -> memref<1x1x4096xf32, #tpu.memory_space<vmem_shared>>
      %dma_wait3A_251 = tpu.memref_squeeze %dma_wait3A_250 : memref<1x1x4096xf32, #tpu.memory_space<vmem_shared>> -> memref<4096xf32, #tpu.memory_space<vmem_shared>>
      %dma_wait3A_252 = arith.constant 0 : i32
      %dma_wait3A_253 = tpu.memref_slice %arg2[%dma_wait3A_246, %dma_wait3A_252] : memref<12x4096xf32, #tpu.memory_space<hbm>> -> memref<1x4096xf32, #tpu.memory_space<hbm>>
      %dma_wait3A_254 = tpu.memref_squeeze %dma_wait3A_253 : memref<1x4096xf32, #tpu.memory_space<hbm>> -> memref<4096xf32, #tpu.memory_space<hbm>>
      tpu.wait_dma2 semaphore(%arg17 : memref<!tpu.dma_semaphore, #tpu.memory_space<semaphore_mem>>) src(%dma_wait3A_254 : memref<4096xf32, #tpu.memory_space<hbm>>) dst(%dma_wait3A_251 : memref<4096xf32, #tpu.memory_space<vmem_shared>>)
    } else {
    }
    %barrier3A = arith.constant 0 : index
    tpu.barrier barrier_id(%barrier3A)
    %while3A = arith.constant 0 : i32
    %while3A_64 = arith.constant 0 : i32
    %while3A_65 = arith.subi %select_n3A_52, %while3A_64 : i32
    %while3A_66 = arith.addi %while3A_64, %while3A_65 : i32
    %while3A_67 = arith.constant 1 : i32
    %while3A_68 = arith.divsi %while3A_65, %while3A_67 : i32
    %while3A_69 = arith.muli %while3A_68, %while3A_67 : i32
    %while3A_70 = arith.addi %while3A_64, %while3A_69 : i32
    %while3A_71 = arith.constant 1 : i32
    scf.for %while3A_129 = %while3A_64 to %while3A_70 step %while3A_71  : i32 {
      %mul3A_130 = arith.constant 32 : i32
      %mul3A_131 = arith.muli %mul3A_130, %while3A_129 : i32
      %add3A_132 = arith.addi %add3A, %mul3A_131 : i32
      %jit3A_133 = arith.constant 25 : i32
      %div3A_134 = arith.divsi %add3A_132, %jit3A_133 : i32
      %sign3A_135 = arith.constant 0 : i32
      %sign3A_136 = arith.cmpi sgt, %add3A_132, %sign3A_135 : i32
      %sign3A_137 = arith.extui %sign3A_136 : i1 to i32
      %sign3A_138 = arith.constant 0 : i32
      %sign3A_139 = arith.cmpi slt, %add3A_132, %sign3A_138 : i32
      %sign3A_140 = arith.extui %sign3A_139 : i1 to i32
      %sign3A_141 = arith.subi %sign3A_137, %sign3A_140 : i32
      %sign3A_142 = arith.constant 0 : i32
      %sign3A_143 = arith.cmpi sgt, %jit3A_133, %sign3A_142 : i32
      %sign3A_144 = arith.extui %sign3A_143 : i1 to i32
      %sign3A_145 = arith.constant 0 : i32
      %sign3A_146 = arith.cmpi slt, %jit3A_133, %sign3A_145 : i32
      %sign3A_147 = arith.extui %sign3A_146 : i1 to i32
      %sign3A_148 = arith.subi %sign3A_144, %sign3A_147 : i32
      %ne3A_149 = arith.cmpi ne, %sign3A_141, %sign3A_148 : i32
      %rem3A_150 = arith.remsi %add3A_132, %jit3A_133 : i32
      %ne3A_151 = arith.constant 0 : i32
      %ne3A_152 = arith.cmpi ne, %rem3A_150, %ne3A_151 : i32
      %and3A_153 = arith.andi %ne3A_149, %ne3A_152 : i1
      %sub3A_154 = arith.constant 1 : i32
      %sub3A_155 = arith.subi %div3A_134, %sub3A_154 : i32
      %select_n3A_156 = arith.select %and3A_153, %sub3A_155, %div3A_134 : i32
      %jit3A_157 = arith.constant 25 : i32
      %eq3A = arith.constant 0 : i32
      %eq3A_158 = arith.cmpi eq, %jit3A_157, %eq3A : i32
      %jit3A_159 = arith.constant 1 : i32
      %select_n3A_160 = arith.select %eq3A_158, %jit3A_159, %jit3A_157 : i32
      %rem3A_161 = arith.remsi %add3A_132, %select_n3A_160 : i32
      %ne3A_162 = arith.constant 0 : i32
      %ne3A_163 = arith.cmpi ne, %rem3A_161, %ne3A_162 : i32
      %lt3A_164 = arith.constant 0 : i32
      %lt3A_165 = arith.cmpi slt, %rem3A_161, %lt3A_164 : i32
      %lt3A_166 = arith.constant 0 : i32
      %lt3A_167 = arith.cmpi slt, %select_n3A_160, %lt3A_166 : i32
      %ne3A_168 = arith.xori %lt3A_165, %lt3A_167 : i1
      %and3A_169 = arith.andi %ne3A_168, %ne3A_163 : i1
      %add3A_170 = arith.addi %rem3A_161, %select_n3A_160 : i32
      %select_n3A_171 = arith.select %and3A_169, %add3A_170, %rem3A_161 : i32
      %mul3A_172 = arith.constant 8 : i32
      %mul3A_173 = arith.muli %select_n3A_171, %mul3A_172 : i32
      %ge3A_174 = arith.constant 6 : i32
      %ge3A_175 = arith.cmpi sge, %while3A_129, %ge3A_174 : i32
      %convert_element_type3A_176 = arith.extui %ge3A_175 : i1 to i32
      %cond3A_177 = arith.constant 0 : i32
      %cond3A_178 = arith.cmpi ne, %convert_element_type3A_176, %cond3A_177 : i32
      scf.if %cond3A_178 {
        %dma_wait3A = arith.constant 0 : i32
        %dma_wait3A_185 = arith.constant 0 : i32
        %dma_wait3A_186 = arith.constant 0 : i32
        %dma_wait3A_187 = arith.constant 0 : i32
        %dma_wait3A_188 = tpu.memref_slice %arg5[%dma_wait3A_185, %dma_wait3A_186, %dma_wait3A_187] : memref<20x200x4096xf32, #tpu.memory_space<hbm>> -> memref<1x8x4096xf32, #tpu.memory_space<hbm>>
        %dma_wait3A_189 = tpu.memref_squeeze %dma_wait3A_188 : memref<1x8x4096xf32, #tpu.memory_space<hbm>> -> memref<8x4096xf32, #tpu.memory_space<hbm>>
        %dma_wait3A_190 = arith.constant 0 : i32
        %dma_wait3A_191 = arith.constant 0 : i32
        %dma_wait3A_192 = tpu.memref_slice %arg12[%dma_wait3A, %dma_wait3A_190, %dma_wait3A_191] : memref<12x8x4096xf32, #tpu.memory_space<vmem_shared>> -> memref<1x8x4096xf32, #tpu.memory_space<vmem_shared>>
        %dma_wait3A_193 = tpu.memref_squeeze %dma_wait3A_192 : memref<1x8x4096xf32, #tpu.memory_space<vmem_shared>> -> memref<8x4096xf32, #tpu.memory_space<vmem_shared>>
        tpu.wait_dma2 semaphore(%arg17 : memref<!tpu.dma_semaphore, #tpu.memory_space<semaphore_mem>>) src(%dma_wait3A_193 : memref<8x4096xf32, #tpu.memory_space<vmem_shared>>) dst(%dma_wait3A_189 : memref<8x4096xf32, #tpu.memory_space<hbm>>)
      } else {
      }
      %dma_start3A = arith.constant 0 : i32
      %dma_start3A_179 = tpu.memref_slice %arg5[%select_n3A_156, %mul3A_173, %dma_start3A] : memref<20x200x4096xf32, #tpu.memory_space<hbm>> -> memref<1x8x4096xf32, #tpu.memory_space<hbm>>
      %dma_start3A_180 = tpu.memref_squeeze %dma_start3A_179 : memref<1x8x4096xf32, #tpu.memory_space<hbm>> -> memref<8x4096xf32, #tpu.memory_space<hbm>>
      %dma_start3A_181 = arith.constant 0 : i32
      %dma_start3A_182 = arith.constant 0 : i32
      %dma_start3A_183 = tpu.memref_slice %arg12[%select_n3A_156, %dma_start3A_181, %dma_start3A_182] : memref<12x8x4096xf32, #tpu.memory_space<vmem_shared>> -> memref<1x8x4096xf32, #tpu.memory_space<vmem_shared>>
      %dma_start3A_184 = tpu.memref_squeeze %dma_start3A_183 : memref<1x8x4096xf32, #tpu.memory_space<vmem_shared>> -> memref<8x4096xf32, #tpu.memory_space<vmem_shared>>
      tpu.enqueue_dma source(%dma_start3A_184 : memref<8x4096xf32, #tpu.memory_space<vmem_shared>>) target(%dma_start3A_180 : memref<8x4096xf32, #tpu.memory_space<hbm>>) target_semaphore(%arg17 : memref<!tpu.dma_semaphore, #tpu.memory_space<semaphore_mem>>)
    }
    %while3A_72 = arith.constant 1 : i32
    scf.for %while3A_129 = %while3A_70 to %while3A_66 step %while3A_72  : i32 {
      %mul3A_130 = arith.constant 32 : i32
      %mul3A_131 = arith.muli %mul3A_130, %while3A_129 : i32
      %add3A_132 = arith.addi %add3A, %mul3A_131 : i32
      %jit3A_133 = arith.constant 25 : i32
      %div3A_134 = arith.divsi %add3A_132, %jit3A_133 : i32
      %sign3A_135 = arith.constant 0 : i32
      %sign3A_136 = arith.cmpi sgt, %add3A_132, %sign3A_135 : i32
      %sign3A_137 = arith.extui %sign3A_136 : i1 to i32
      %sign3A_138 = arith.constant 0 : i32
      %sign3A_139 = arith.cmpi slt, %add3A_132, %sign3A_138 : i32
      %sign3A_140 = arith.extui %sign3A_139 : i1 to i32
      %sign3A_141 = arith.subi %sign3A_137, %sign3A_140 : i32
      %sign3A_142 = arith.constant 0 : i32
      %sign3A_143 = arith.cmpi sgt, %jit3A_133, %sign3A_142 : i32
      %sign3A_144 = arith.extui %sign3A_143 : i1 to i32
      %sign3A_145 = arith.constant 0 : i32
      %sign3A_146 = arith.cmpi slt, %jit3A_133, %sign3A_145 : i32
      %sign3A_147 = arith.extui %sign3A_146 : i1 to i32
      %sign3A_148 = arith.subi %sign3A_144, %sign3A_147 : i32
      %ne3A_149 = arith.cmpi ne, %sign3A_141, %sign3A_148 : i32
      %rem3A_150 = arith.remsi %add3A_132, %jit3A_133 : i32
      %ne3A_151 = arith.constant 0 : i32
      %ne3A_152 = arith.cmpi ne, %rem3A_150, %ne3A_151 : i32
      %and3A_153 = arith.andi %ne3A_149, %ne3A_152 : i1
      %sub3A_154 = arith.constant 1 : i32
      %sub3A_155 = arith.subi %div3A_134, %sub3A_154 : i32
      %select_n3A_156 = arith.select %and3A_153, %sub3A_155, %div3A_134 : i32
      %jit3A_157 = arith.constant 25 : i32
      %eq3A = arith.constant 0 : i32
      %eq3A_158 = arith.cmpi eq, %jit3A_157, %eq3A : i32
      %jit3A_159 = arith.constant 1 : i32
      %select_n3A_160 = arith.select %eq3A_158, %jit3A_159, %jit3A_157 : i32
      %rem3A_161 = arith.remsi %add3A_132, %select_n3A_160 : i32
      %ne3A_162 = arith.constant 0 : i32
      %ne3A_163 = arith.cmpi ne, %rem3A_161, %ne3A_162 : i32
      %lt3A_164 = arith.constant 0 : i32
      %lt3A_165 = arith.cmpi slt, %rem3A_161, %lt3A_164 : i32
      %lt3A_166 = arith.constant 0 : i32
      %lt3A_167 = arith.cmpi slt, %select_n3A_160, %lt3A_166 : i32
      %ne3A_168 = arith.xori %lt3A_165, %lt3A_167 : i1
      %and3A_169 = arith.andi %ne3A_168, %ne3A_163 : i1
      %add3A_170 = arith.addi %rem3A_161, %select_n3A_160 : i32
      %select_n3A_171 = arith.select %and3A_169, %add3A_170, %rem3A_161 : i32
      %mul3A_172 = arith.constant 8 : i32
      %mul3A_173 = arith.muli %select_n3A_171, %mul3A_172 : i32
      %ge3A_174 = arith.constant 6 : i32
      %ge3A_175 = arith.cmpi sge, %while3A_129, %ge3A_174 : i32
      %convert_element_type3A_176 = arith.extui %ge3A_175 : i1 to i32
      %cond3A_177 = arith.constant 0 : i32
      %cond3A_178 = arith.cmpi ne, %convert_element_type3A_176, %cond3A_177 : i32
      scf.if %cond3A_178 {
        %dma_wait3A = arith.constant 0 : i32
        %dma_wait3A_185 = arith.constant 0 : i32
        %dma_wait3A_186 = arith.constant 0 : i32
        %dma_wait3A_187 = arith.constant 0 : i32
        %dma_wait3A_188 = tpu.memref_slice %arg5[%dma_wait3A_185, %dma_wait3A_186, %dma_wait3A_187] : memref<20x200x4096xf32, #tpu.memory_space<hbm>> -> memref<1x8x4096xf32, #tpu.memory_space<hbm>>
        %dma_wait3A_189 = tpu.memref_squeeze %dma_wait3A_188 : memref<1x8x4096xf32, #tpu.memory_space<hbm>> -> memref<8x4096xf32, #tpu.memory_space<hbm>>
        %dma_wait3A_190 = arith.constant 0 : i32
        %dma_wait3A_191 = arith.constant 0 : i32
        %dma_wait3A_192 = tpu.memref_slice %arg12[%dma_wait3A, %dma_wait3A_190, %dma_wait3A_191] : memref<12x8x4096xf32, #tpu.memory_space<vmem_shared>> -> memref<1x8x4096xf32, #tpu.memory_space<vmem_shared>>
        %dma_wait3A_193 = tpu.memref_squeeze %dma_wait3A_192 : memref<1x8x4096xf32, #tpu.memory_space<vmem_shared>> -> memref<8x4096xf32, #tpu.memory_space<vmem_shared>>
        tpu.wait_dma2 semaphore(%arg17 : memref<!tpu.dma_semaphore, #tpu.memory_space<semaphore_mem>>) src(%dma_wait3A_193 : memref<8x4096xf32, #tpu.memory_space<vmem_shared>>) dst(%dma_wait3A_189 : memref<8x4096xf32, #tpu.memory_space<hbm>>)
      } else {
      }
      %dma_start3A = arith.constant 0 : i32
      %dma_start3A_179 = tpu.memref_slice %arg5[%select_n3A_156, %mul3A_173, %dma_start3A] : memref<20x200x4096xf32, #tpu.memory_space<hbm>> -> memref<1x8x4096xf32, #tpu.memory_space<hbm>>
      %dma_start3A_180 = tpu.memref_squeeze %dma_start3A_179 : memref<1x8x4096xf32, #tpu.memory_space<hbm>> -> memref<8x4096xf32, #tpu.memory_space<hbm>>
      %dma_start3A_181 = arith.constant 0 : i32
      %dma_start3A_182 = arith.constant 0 : i32
      %dma_start3A_183 = tpu.memref_slice %arg12[%select_n3A_156, %dma_start3A_181, %dma_start3A_182] : memref<12x8x4096xf32, #tpu.memory_space<vmem_shared>> -> memref<1x8x4096xf32, #tpu.memory_space<vmem_shared>>
      %dma_start3A_184 = tpu.memref_squeeze %dma_start3A_183 : memref<1x8x4096xf32, #tpu.memory_space<vmem_shared>> -> memref<8x4096xf32, #tpu.memory_space<vmem_shared>>
      tpu.enqueue_dma source(%dma_start3A_184 : memref<8x4096xf32, #tpu.memory_space<vmem_shared>>) target(%dma_start3A_180 : memref<8x4096xf32, #tpu.memory_space<hbm>>) target_semaphore(%arg17 : memref<!tpu.dma_semaphore, #tpu.memory_space<semaphore_mem>>)
    }
    %add3A_73 = arith.constant 1 : i32
    %add3A_74 = arith.addi %select_n3A, %add3A_73 : i32
    %jit3A_75 = arith.constant 2 : i32
    %div3A_76 = arith.divsi %add3A_74, %jit3A_75 : i32
    %sign3A_77 = arith.constant 0 : i32
    %sign3A_78 = arith.cmpi sgt, %add3A_74, %sign3A_77 : i32
    %sign3A_79 = arith.extui %sign3A_78 : i1 to i32
    %sign3A_80 = arith.constant 0 : i32
    %sign3A_81 = arith.cmpi slt, %add3A_74, %sign3A_80 : i32
    %sign3A_82 = arith.extui %sign3A_81 : i1 to i32
    %sign3A_83 = arith.subi %sign3A_79, %sign3A_82 : i32
    %sign3A_84 = arith.constant 0 : i32
    %sign3A_85 = arith.cmpi sgt, %jit3A_75, %sign3A_84 : i32
    %sign3A_86 = arith.extui %sign3A_85 : i1 to i32
    %sign3A_87 = arith.constant 0 : i32
    %sign3A_88 = arith.cmpi slt, %jit3A_75, %sign3A_87 : i32
    %sign3A_89 = arith.extui %sign3A_88 : i1 to i32
    %sign3A_90 = arith.subi %sign3A_86, %sign3A_89 : i32
    %ne3A_91 = arith.cmpi ne, %sign3A_83, %sign3A_90 : i32
    %rem3A_92 = arith.remsi %add3A_74, %jit3A_75 : i32
    %ne3A_93 = arith.constant 0 : i32
    %ne3A_94 = arith.cmpi ne, %rem3A_92, %ne3A_93 : i32
    %and3A_95 = arith.andi %ne3A_91, %ne3A_94 : i1
    %sub3A_96 = arith.constant 1 : i32
    %sub3A_97 = arith.subi %div3A_76, %sub3A_96 : i32
    %select_n3A_98 = arith.select %and3A_95, %sub3A_97, %div3A_76 : i32
    %while3A_99 = arith.constant 0 : i32
    %while3A_100 = arith.constant 0 : i32
    %while3A_101 = arith.subi %select_n3A_98, %while3A_100 : i32
    %while3A_102 = arith.addi %while3A_100, %while3A_101 : i32
    %while3A_103 = arith.constant 1 : i32
    %while3A_104 = arith.divsi %while3A_101, %while3A_103 : i32
    %while3A_105 = arith.muli %while3A_104, %while3A_103 : i32
    %while3A_106 = arith.addi %while3A_100, %while3A_105 : i32
    %while3A_107 = arith.constant 1 : i32
    scf.for %while3A_129 = %while3A_100 to %while3A_106 step %while3A_107  : i32 {
      %mul3A_130 = arith.constant 2 : i32
      %mul3A_131 = arith.muli %mul3A_130, %while3A_129 : i32
      %add3A_132 = arith.constant 0 : i32
      %add3A_133 = arith.addi %mul3A_131, %add3A_132 : i32
      %lt3A_134 = arith.cmpi slt, %add3A_133, %select_n3A : i32
      %convert_element_type3A_135 = arith.extui %lt3A_134 : i1 to i32
      %cond3A_136 = arith.constant 0 : i32
      %cond3A_137 = arith.cmpi ne, %convert_element_type3A_135, %cond3A_136 : i32
      scf.if %cond3A_137 {
        %mul3A_146 = arith.constant 32 : i32
        %mul3A_147 = arith.muli %mul3A_146, %add3A_133 : i32
        %add3A_148 = arith.addi %add3A, %mul3A_147 : i32
        %jit3A_149 = arith.constant 100 : i32
        %div3A_150 = arith.divsi %add3A_148, %jit3A_149 : i32
        %sign3A_151 = arith.constant 0 : i32
        %sign3A_152 = arith.cmpi sgt, %add3A_148, %sign3A_151 : i32
        %sign3A_153 = arith.extui %sign3A_152 : i1 to i32
        %sign3A_154 = arith.constant 0 : i32
        %sign3A_155 = arith.cmpi slt, %add3A_148, %sign3A_154 : i32
        %sign3A_156 = arith.extui %sign3A_155 : i1 to i32
        %sign3A_157 = arith.subi %sign3A_153, %sign3A_156 : i32
        %sign3A_158 = arith.constant 0 : i32
        %sign3A_159 = arith.cmpi sgt, %jit3A_149, %sign3A_158 : i32
        %sign3A_160 = arith.extui %sign3A_159 : i1 to i32
        %sign3A_161 = arith.constant 0 : i32
        %sign3A_162 = arith.cmpi slt, %jit3A_149, %sign3A_161 : i32
        %sign3A_163 = arith.extui %sign3A_162 : i1 to i32
        %sign3A_164 = arith.subi %sign3A_160, %sign3A_163 : i32
        %ne3A_165 = arith.cmpi ne, %sign3A_157, %sign3A_164 : i32
        %rem3A_166 = arith.remsi %add3A_148, %jit3A_149 : i32
        %ne3A_167 = arith.constant 0 : i32
        %ne3A_168 = arith.cmpi ne, %rem3A_166, %ne3A_167 : i32
        %and3A_169 = arith.andi %ne3A_165, %ne3A_168 : i1
        %sub3A_170 = arith.constant 1 : i32
        %sub3A_171 = arith.subi %div3A_150, %sub3A_170 : i32
        %select_n3A_172 = arith.select %and3A_169, %sub3A_171, %div3A_150 : i32
        %jit3A_173 = arith.constant 100 : i32
        %div3A_174 = arith.divsi %add3A_148, %jit3A_173 : i32
        %sign3A_175 = arith.constant 0 : i32
        %sign3A_176 = arith.cmpi sgt, %add3A_148, %sign3A_175 : i32
        %sign3A_177 = arith.extui %sign3A_176 : i1 to i32
        %sign3A_178 = arith.constant 0 : i32
        %sign3A_179 = arith.cmpi slt, %add3A_148, %sign3A_178 : i32
        %sign3A_180 = arith.extui %sign3A_179 : i1 to i32
        %sign3A_181 = arith.subi %sign3A_177, %sign3A_180 : i32
        %sign3A_182 = arith.constant 0 : i32
        %sign3A_183 = arith.cmpi sgt, %jit3A_173, %sign3A_182 : i32
        %sign3A_184 = arith.extui %sign3A_183 : i1 to i32
        %sign3A_185 = arith.constant 0 : i32
        %sign3A_186 = arith.cmpi slt, %jit3A_173, %sign3A_185 : i32
        %sign3A_187 = arith.extui %sign3A_186 : i1 to i32
        %sign3A_188 = arith.subi %sign3A_184, %sign3A_187 : i32
        %ne3A_189 = arith.cmpi ne, %sign3A_181, %sign3A_188 : i32
        %rem3A_190 = arith.remsi %add3A_148, %jit3A_173 : i32
        %ne3A_191 = arith.constant 0 : i32
        %ne3A_192 = arith.cmpi ne, %rem3A_190, %ne3A_191 : i32
        %and3A_193 = arith.andi %ne3A_189, %ne3A_192 : i1
        %sub3A_194 = arith.constant 1 : i32
        %sub3A_195 = arith.subi %div3A_174, %sub3A_194 : i32
        %select_n3A_196 = arith.select %and3A_193, %sub3A_195, %div3A_174 : i32
        %add3A_197 = arith.constant 12 : i32
        %add3A_198 = arith.addi %add3A_197, %select_n3A_196 : i32
        %jit3A_199 = arith.constant 100 : i32
        %eq3A = arith.constant 0 : i32
        %eq3A_200 = arith.cmpi eq, %jit3A_199, %eq3A : i32
        %jit3A_201 = arith.constant 1 : i32
        %select_n3A_202 = arith.select %eq3A_200, %jit3A_201, %jit3A_199 : i32
        %rem3A_203 = arith.remsi %add3A_148, %select_n3A_202 : i32
        %ne3A_204 = arith.constant 0 : i32
        %ne3A_205 = arith.cmpi ne, %rem3A_203, %ne3A_204 : i32
        %lt3A_206 = arith.constant 0 : i32
        %lt3A_207 = arith.cmpi slt, %rem3A_203, %lt3A_206 : i32
        %lt3A_208 = arith.constant 0 : i32
        %lt3A_209 = arith.cmpi slt, %select_n3A_202, %lt3A_208 : i32
        %ne3A_210 = arith.xori %lt3A_207, %lt3A_209 : i1
        %and3A_211 = arith.andi %ne3A_210, %ne3A_205 : i1
        %add3A_212 = arith.addi %rem3A_203, %select_n3A_202 : i32
        %select_n3A_213 = arith.select %and3A_211, %add3A_212, %rem3A_203 : i32
        %mul3A_214 = arith.constant 2 : i32
        %mul3A_215 = arith.muli %select_n3A_213, %mul3A_214 : i32
        %dma_wait3A = arith.constant 0 : i32
        %dma_wait3A_216 = tpu.memref_slice %arg3[%dma_wait3A] : memref<819200xi32, #tpu.memory_space<hbm>> -> memref<8192xi32, #tpu.memory_space<hbm>>
        %dma_wait3A_217 = arith.constant 0 : i32
        %dma_wait3A_218 = tpu.memref_slice %arg3[%dma_wait3A_217] : memref<819200xi32, #tpu.memory_space<hbm>> -> memref<8192xi32, #tpu.memory_space<hbm>>
        tpu.wait_dma2 semaphore(%arg13 : memref<!tpu.dma_semaphore, #tpu.memory_space<semaphore_mem>>) src(%dma_wait3A_218 : memref<8192xi32, #tpu.memory_space<hbm>>) dst(%arg8 : memref<8192xi32, #tpu.memory_space<vmem>>)
        %ge3A_219 = arith.constant 2 : i32
        %ge3A_220 = arith.cmpi sge, %add3A_133, %ge3A_219 : i32
        %convert_element_type3A_221 = arith.extui %ge3A_220 : i1 to i32
        %cond3A_222 = arith.constant 0 : i32
        %cond3A_223 = arith.cmpi ne, %convert_element_type3A_221, %cond3A_222 : i32
        scf.if %cond3A_223 {
          %dma_wait3A_240 = arith.constant 0 : i32
          %dma_wait3A_241 = arith.constant 0 : i32
          %dma_wait3A_242 = arith.constant 0 : i32
          %dma_wait3A_243 = tpu.memref_slice %arg5[%dma_wait3A_240, %dma_wait3A_241, %dma_wait3A_242] : memref<20x200x4096xf32, #tpu.memory_space<hbm>> -> memref<1x2x4096xf32, #tpu.memory_space<hbm>>
          %dma_wait3A_244 = tpu.memref_squeeze %dma_wait3A_243 : memref<1x2x4096xf32, #tpu.memory_space<hbm>> -> memref<2x4096xf32, #tpu.memory_space<hbm>>
          %dma_wait3A_245 = arith.constant 0 : i32
          %dma_wait3A_246 = arith.constant 0 : i32
          %dma_wait3A_247 = tpu.memref_slice %arg5[%dma_wait3A_240, %dma_wait3A_245, %dma_wait3A_246] : memref<20x200x4096xf32, #tpu.memory_space<hbm>> -> memref<1x2x4096xf32, #tpu.memory_space<hbm>>
          %dma_wait3A_248 = tpu.memref_squeeze %dma_wait3A_247 : memref<1x2x4096xf32, #tpu.memory_space<hbm>> -> memref<2x4096xf32, #tpu.memory_space<hbm>>
          tpu.wait_dma2 semaphore(%arg15 : memref<!tpu.dma_semaphore, #tpu.memory_space<semaphore_mem>>) src(%arg10 : memref<2x4096xf32, #tpu.memory_space<vmem>>) dst(%dma_wait3A_248 : memref<2x4096xf32, #tpu.memory_space<hbm>>)
        } else {
        }
        %broadcast_in_dim3A = vector.broadcast %select_n3A_172 : i32 to vector<16xi32>
        %parallel_loop3A = arith.constant 0 : i32
        %parallel_loop3A_224 = arith.constant 4096 : i32
        %parallel_loop3A_225 = arith.constant 16 : i32
        scf.for %parallel_loop3A_240 = %parallel_loop3A to %parallel_loop3A_224 step %parallel_loop3A_225  : i32 {
          %parallel_loop3A_241 = arith.constant 0 : i32
          %parallel_loop3A_242 = arith.addi %parallel_loop3A_241, %parallel_loop3A_240 : i32
          %parallel_loop3A_243 = arith.index_cast %parallel_loop3A_242 : i32 to index
          %parallel_loop3A_244 = tpu.vector_load %arg8[%parallel_loop3A_243] {strides = array<i32>} : memref<8192xi32, #tpu.memory_space<vmem>>, vector<16xi32>,
          %parallel_loop3A_245 = arith.constant 1 : i32
          %parallel_loop3A_246 = vector.broadcast %parallel_loop3A_245 : i32 to vector<16xi32>
          %parallel_loop3A_247 = arith.addi %parallel_loop3A_244, %parallel_loop3A_246 : vector<16xi32>
          %parallel_loop3A_248 = tpu.vector_load_idx %arg7[%broadcast_in_dim3A, %parallel_loop3A_247] : memref<3x101xf32, #tpu.memory_space<vmem>>[vector<16xi32>, vector<16xi32>], vector<16xf32>,
          %parallel_loop3A_249 = arith.constant 0 : i32
          %parallel_loop3A_250 = arith.index_cast %parallel_loop3A_249 : i32 to index
          %parallel_loop3A_251 = arith.index_cast %parallel_loop3A_240 : i32 to index
          %parallel_loop3A_252 = tpu.vector_load %arg10[%parallel_loop3A_250, %parallel_loop3A_251] {strides = array<i32>} : memref<2x4096xf32, #tpu.memory_space<vmem>>, vector<16xf32>,
          tpu.vector_store %arg10[%parallel_loop3A_250, %parallel_loop3A_251], %parallel_loop3A_248 {strides = array<i32>} : memref<2x4096xf32, #tpu.memory_space<vmem>>, vector<16xf32>,
        } {sc.loop_unroll_factor = 16 : i64, sc.parallel_access}
        %parallel_loop3A_226 = arith.constant 0 : i32
        %parallel_loop3A_227 = arith.constant 4096 : i32
        %parallel_loop3A_228 = arith.constant 16 : i32
        scf.for %parallel_loop3A_240 = %parallel_loop3A_226 to %parallel_loop3A_227 step %parallel_loop3A_228  : i32 {
          %parallel_loop3A_241 = arith.constant 4096 : i32
          %parallel_loop3A_242 = arith.addi %parallel_loop3A_241, %parallel_loop3A_240 : i32
          %parallel_loop3A_243 = arith.index_cast %parallel_loop3A_242 : i32 to index
          %parallel_loop3A_244 = tpu.vector_load %arg8[%parallel_loop3A_243] {strides = array<i32>} : memref<8192xi32, #tpu.memory_space<vmem>>, vector<16xi32>,
          %parallel_loop3A_245 = arith.constant 1 : i32
          %parallel_loop3A_246 = vector.broadcast %parallel_loop3A_245 : i32 to vector<16xi32>
          %parallel_loop3A_247 = arith.addi %parallel_loop3A_244, %parallel_loop3A_246 : vector<16xi32>
          %parallel_loop3A_248 = tpu.vector_load_idx %arg7[%broadcast_in_dim3A, %parallel_loop3A_247] : memref<3x101xf32, #tpu.memory_space<vmem>>[vector<16xi32>, vector<16xi32>], vector<16xf32>,
          %parallel_loop3A_249 = arith.constant 1 : i32
          %parallel_loop3A_250 = arith.index_cast %parallel_loop3A_249 : i32 to index
          %parallel_loop3A_251 = arith.index_cast %parallel_loop3A_240 : i32 to index
          %parallel_loop3A_252 = tpu.vector_load %arg10[%parallel_loop3A_250, %parallel_loop3A_251] {strides = array<i32>} : memref<2x4096xf32, #tpu.memory_space<vmem>>, vector<16xf32>,
          tpu.vector_store %arg10[%parallel_loop3A_250, %parallel_loop3A_251], %parallel_loop3A_248 {strides = array<i32>} : memref<2x4096xf32, #tpu.memory_space<vmem>>, vector<16xf32>,
        } {sc.loop_unroll_factor = 16 : i64, sc.parallel_access}
        %dma_start3A = arith.constant 0 : i32
        %dma_start3A_229 = tpu.memref_slice %arg5[%add3A_198, %mul3A_215, %dma_start3A] : memref<20x200x4096xf32, #tpu.memory_space<hbm>> -> memref<1x2x4096xf32, #tpu.memory_space<hbm>>
        %dma_start3A_230 = tpu.memref_squeeze %dma_start3A_229 : memref<1x2x4096xf32, #tpu.memory_space<hbm>> -> memref<2x4096xf32, #tpu.memory_space<hbm>>
        %dma_start3A_231 = arith.constant 0 : i32
        %dma_start3A_232 = tpu.memref_slice %arg5[%add3A_198, %mul3A_215, %dma_start3A_231] : memref<20x200x4096xf32, #tpu.memory_space<hbm>> -> memref<1x2x4096xf32, #tpu.memory_space<hbm>>
        %dma_start3A_233 = tpu.memref_squeeze %dma_start3A_232 : memref<1x2x4096xf32, #tpu.memory_space<hbm>> -> memref<2x4096xf32, #tpu.memory_space<hbm>>
        tpu.enqueue_dma source(%arg10 : memref<2x4096xf32, #tpu.memory_space<vmem>>) target(%dma_start3A_233 : memref<2x4096xf32, #tpu.memory_space<hbm>>) target_semaphore(%arg15 : memref<!tpu.dma_semaphore, #tpu.memory_space<semaphore_mem>>)
        %add3A_234 = arith.constant 2 : i32
        %add3A_235 = arith.addi %add3A_133, %add3A_234 : i32
        %lt3A_236 = arith.cmpi slt, %add3A_235, %select_n3A : i32
        %convert_element_type3A_237 = arith.extui %lt3A_236 : i1 to i32
        %cond3A_238 = arith.constant 0 : i32
        %cond3A_239 = arith.cmpi ne, %convert_element_type3A_237, %cond3A_238 : i32
        scf.if %cond3A_239 {
          %add3A_240 = arith.constant 64 : i32
          %add3A_241 = arith.addi %add3A_148, %add3A_240 : i32
          %jit3A_242 = arith.constant 100 : i32
          %div3A_243 = arith.divsi %add3A_241, %jit3A_242 : i32
          %sign3A_244 = arith.constant 0 : i32
          %sign3A_245 = arith.cmpi sgt, %add3A_241, %sign3A_244 : i32
          %sign3A_246 = arith.extui %sign3A_245 : i1 to i32
          %sign3A_247 = arith.constant 0 : i32
          %sign3A_248 = arith.cmpi slt, %add3A_241, %sign3A_247 : i32
          %sign3A_249 = arith.extui %sign3A_248 : i1 to i32
          %sign3A_250 = arith.subi %sign3A_246, %sign3A_249 : i32
          %sign3A_251 = arith.constant 0 : i32
          %sign3A_252 = arith.cmpi sgt, %jit3A_242, %sign3A_251 : i32
          %sign3A_253 = arith.extui %sign3A_252 : i1 to i32
          %sign3A_254 = arith.constant 0 : i32
          %sign3A_255 = arith.cmpi slt, %jit3A_242, %sign3A_254 : i32
          %sign3A_256 = arith.extui %sign3A_255 : i1 to i32
          %sign3A_257 = arith.subi %sign3A_253, %sign3A_256 : i32
          %ne3A_258 = arith.cmpi ne, %sign3A_250, %sign3A_257 : i32
          %rem3A_259 = arith.remsi %add3A_241, %jit3A_242 : i32
          %ne3A_260 = arith.constant 0 : i32
          %ne3A_261 = arith.cmpi ne, %rem3A_259, %ne3A_260 : i32
          %and3A_262 = arith.andi %ne3A_258, %ne3A_261 : i1
          %sub3A_263 = arith.constant 1 : i32
          %sub3A_264 = arith.subi %div3A_243, %sub3A_263 : i32
          %select_n3A_265 = arith.select %and3A_262, %sub3A_264, %div3A_243 : i32
          %jit3A_266 = arith.constant 100 : i32
          %div3A_267 = arith.divsi %add3A_241, %jit3A_266 : i32
          %sign3A_268 = arith.constant 0 : i32
          %sign3A_269 = arith.cmpi sgt, %add3A_241, %sign3A_268 : i32
          %sign3A_270 = arith.extui %sign3A_269 : i1 to i32
          %sign3A_271 = arith.constant 0 : i32
          %sign3A_272 = arith.cmpi slt, %add3A_241, %sign3A_271 : i32
          %sign3A_273 = arith.extui %sign3A_272 : i1 to i32
          %sign3A_274 = arith.subi %sign3A_270, %sign3A_273 : i32
          %sign3A_275 = arith.constant 0 : i32
          %sign3A_276 = arith.cmpi sgt, %jit3A_266, %sign3A_275 : i32
          %sign3A_277 = arith.extui %sign3A_276 : i1 to i32
          %sign3A_278 = arith.constant 0 : i32
          %sign3A_279 = arith.cmpi slt, %jit3A_266, %sign3A_278 : i32
          %sign3A_280 = arith.extui %sign3A_279 : i1 to i32
          %sign3A_281 = arith.subi %sign3A_277, %sign3A_280 : i32
          %ne3A_282 = arith.cmpi ne, %sign3A_274, %sign3A_281 : i32
          %rem3A_283 = arith.remsi %add3A_241, %jit3A_266 : i32
          %ne3A_284 = arith.constant 0 : i32
          %ne3A_285 = arith.cmpi ne, %rem3A_283, %ne3A_284 : i32
          %and3A_286 = arith.andi %ne3A_282, %ne3A_285 : i1
          %sub3A_287 = arith.constant 1 : i32
          %sub3A_288 = arith.subi %div3A_267, %sub3A_287 : i32
          %select_n3A_289 = arith.select %and3A_286, %sub3A_288, %div3A_267 : i32
          %add3A_290 = arith.constant 12 : i32
          %add3A_291 = arith.addi %add3A_290, %select_n3A_289 : i32
          %jit3A_292 = arith.constant 100 : i32
          %eq3A_293 = arith.constant 0 : i32
          %eq3A_294 = arith.cmpi eq, %jit3A_292, %eq3A_293 : i32
          %jit3A_295 = arith.constant 1 : i32
          %select_n3A_296 = arith.select %eq3A_294, %jit3A_295, %jit3A_292 : i32
          %rem3A_297 = arith.remsi %add3A_241, %select_n3A_296 : i32
          %ne3A_298 = arith.constant 0 : i32
          %ne3A_299 = arith.cmpi ne, %rem3A_297, %ne3A_298 : i32
          %lt3A_300 = arith.constant 0 : i32
          %lt3A_301 = arith.cmpi slt, %rem3A_297, %lt3A_300 : i32
          %lt3A_302 = arith.constant 0 : i32
          %lt3A_303 = arith.cmpi slt, %select_n3A_296, %lt3A_302 : i32
          %ne3A_304 = arith.xori %lt3A_301, %lt3A_303 : i1
          %and3A_305 = arith.andi %ne3A_304, %ne3A_299 : i1
          %add3A_306 = arith.addi %rem3A_297, %select_n3A_296 : i32
          %select_n3A_307 = arith.select %and3A_305, %add3A_306, %rem3A_297 : i32
          %mul3A_308 = arith.constant 2 : i32
          %mul3A_309 = arith.muli %select_n3A_307, %mul3A_308 : i32
          %mul3A_310 = arith.constant 4096 : i32
          %mul3A_311 = arith.muli %mul3A_309, %mul3A_310 : i32
          %dma_start3A_312 = tpu.memref_slice %arg3[%mul3A_311] : memref<819200xi32, #tpu.memory_space<hbm>> -> memref<8192xi32, #tpu.memory_space<hbm>>
          %dma_start3A_313 = tpu.memref_slice %arg3[%mul3A_311] : memref<819200xi32, #tpu.memory_space<hbm>> -> memref<8192xi32, #tpu.memory_space<hbm>>
          tpu.enqueue_dma source(%dma_start3A_313 : memref<8192xi32, #tpu.memory_space<hbm>>) target(%arg8 : memref<8192xi32, #tpu.memory_space<vmem>>) target_semaphore(%arg13 : memref<!tpu.dma_semaphore, #tpu.memory_space<semaphore_mem>>)
        } else {
        }
      } else {
      }
      %mul3A_138 = arith.constant 2 : i32
      %mul3A_139 = arith.muli %mul3A_138, %while3A_129 : i32
      %add3A_140 = arith.constant 1 : i32
      %add3A_141 = arith.addi %mul3A_139, %add3A_140 : i32
      %lt3A_142 = arith.cmpi slt, %add3A_141, %select_n3A : i32
      %convert_element_type3A_143 = arith.extui %lt3A_142 : i1 to i32
      %cond3A_144 = arith.constant 0 : i32
      %cond3A_145 = arith.cmpi ne, %convert_element_type3A_143, %cond3A_144 : i32
      scf.if %cond3A_145 {
        %mul3A_146 = arith.constant 32 : i32
        %mul3A_147 = arith.muli %mul3A_146, %add3A_141 : i32
        %add3A_148 = arith.addi %add3A, %mul3A_147 : i32
        %jit3A_149 = arith.constant 100 : i32
        %div3A_150 = arith.divsi %add3A_148, %jit3A_149 : i32
        %sign3A_151 = arith.constant 0 : i32
        %sign3A_152 = arith.cmpi sgt, %add3A_148, %sign3A_151 : i32
        %sign3A_153 = arith.extui %sign3A_152 : i1 to i32
        %sign3A_154 = arith.constant 0 : i32
        %sign3A_155 = arith.cmpi slt, %add3A_148, %sign3A_154 : i32
        %sign3A_156 = arith.extui %sign3A_155 : i1 to i32
        %sign3A_157 = arith.subi %sign3A_153, %sign3A_156 : i32
        %sign3A_158 = arith.constant 0 : i32
        %sign3A_159 = arith.cmpi sgt, %jit3A_149, %sign3A_158 : i32
        %sign3A_160 = arith.extui %sign3A_159 : i1 to i32
        %sign3A_161 = arith.constant 0 : i32
        %sign3A_162 = arith.cmpi slt, %jit3A_149, %sign3A_161 : i32
        %sign3A_163 = arith.extui %sign3A_162 : i1 to i32
        %sign3A_164 = arith.subi %sign3A_160, %sign3A_163 : i32
        %ne3A_165 = arith.cmpi ne, %sign3A_157, %sign3A_164 : i32
        %rem3A_166 = arith.remsi %add3A_148, %jit3A_149 : i32
        %ne3A_167 = arith.constant 0 : i32
        %ne3A_168 = arith.cmpi ne, %rem3A_166, %ne3A_167 : i32
        %and3A_169 = arith.andi %ne3A_165, %ne3A_168 : i1
        %sub3A_170 = arith.constant 1 : i32
        %sub3A_171 = arith.subi %div3A_150, %sub3A_170 : i32
        %select_n3A_172 = arith.select %and3A_169, %sub3A_171, %div3A_150 : i32
        %jit3A_173 = arith.constant 100 : i32
        %div3A_174 = arith.divsi %add3A_148, %jit3A_173 : i32
        %sign3A_175 = arith.constant 0 : i32
        %sign3A_176 = arith.cmpi sgt, %add3A_148, %sign3A_175 : i32
        %sign3A_177 = arith.extui %sign3A_176 : i1 to i32
        %sign3A_178 = arith.constant 0 : i32
        %sign3A_179 = arith.cmpi slt, %add3A_148, %sign3A_178 : i32
        %sign3A_180 = arith.extui %sign3A_179 : i1 to i32
        %sign3A_181 = arith.subi %sign3A_177, %sign3A_180 : i32
        %sign3A_182 = arith.constant 0 : i32
        %sign3A_183 = arith.cmpi sgt, %jit3A_173, %sign3A_182 : i32
        %sign3A_184 = arith.extui %sign3A_183 : i1 to i32
        %sign3A_185 = arith.constant 0 : i32
        %sign3A_186 = arith.cmpi slt, %jit3A_173, %sign3A_185 : i32
        %sign3A_187 = arith.extui %sign3A_186 : i1 to i32
        %sign3A_188 = arith.subi %sign3A_184, %sign3A_187 : i32
        %ne3A_189 = arith.cmpi ne, %sign3A_181, %sign3A_188 : i32
        %rem3A_190 = arith.remsi %add3A_148, %jit3A_173 : i32
        %ne3A_191 = arith.constant 0 : i32
        %ne3A_192 = arith.cmpi ne, %rem3A_190, %ne3A_191 : i32
        %and3A_193 = arith.andi %ne3A_189, %ne3A_192 : i1
        %sub3A_194 = arith.constant 1 : i32
        %sub3A_195 = arith.subi %div3A_174, %sub3A_194 : i32
        %select_n3A_196 = arith.select %and3A_193, %sub3A_195, %div3A_174 : i32
        %add3A_197 = arith.constant 12 : i32
        %add3A_198 = arith.addi %add3A_197, %select_n3A_196 : i32
        %jit3A_199 = arith.constant 100 : i32
        %eq3A = arith.constant 0 : i32
        %eq3A_200 = arith.cmpi eq, %jit3A_199, %eq3A : i32
        %jit3A_201 = arith.constant 1 : i32
        %select_n3A_202 = arith.select %eq3A_200, %jit3A_201, %jit3A_199 : i32
        %rem3A_203 = arith.remsi %add3A_148, %select_n3A_202 : i32
        %ne3A_204 = arith.constant 0 : i32
        %ne3A_205 = arith.cmpi ne, %rem3A_203, %ne3A_204 : i32
        %lt3A_206 = arith.constant 0 : i32
        %lt3A_207 = arith.cmpi slt, %rem3A_203, %lt3A_206 : i32
        %lt3A_208 = arith.constant 0 : i32
        %lt3A_209 = arith.cmpi slt, %select_n3A_202, %lt3A_208 : i32
        %ne3A_210 = arith.xori %lt3A_207, %lt3A_209 : i1
        %and3A_211 = arith.andi %ne3A_210, %ne3A_205 : i1
        %add3A_212 = arith.addi %rem3A_203, %select_n3A_202 : i32
        %select_n3A_213 = arith.select %and3A_211, %add3A_212, %rem3A_203 : i32
        %mul3A_214 = arith.constant 2 : i32
        %mul3A_215 = arith.muli %select_n3A_213, %mul3A_214 : i32
        %dma_wait3A = arith.constant 0 : i32
        %dma_wait3A_216 = tpu.memref_slice %arg3[%dma_wait3A] : memref<819200xi32, #tpu.memory_space<hbm>> -> memref<8192xi32, #tpu.memory_space<hbm>>
        %dma_wait3A_217 = arith.constant 0 : i32
        %dma_wait3A_218 = tpu.memref_slice %arg3[%dma_wait3A_217] : memref<819200xi32, #tpu.memory_space<hbm>> -> memref<8192xi32, #tpu.memory_space<hbm>>
        tpu.wait_dma2 semaphore(%arg14 : memref<!tpu.dma_semaphore, #tpu.memory_space<semaphore_mem>>) src(%dma_wait3A_218 : memref<8192xi32, #tpu.memory_space<hbm>>) dst(%arg9 : memref<8192xi32, #tpu.memory_space<vmem>>)
        %ge3A_219 = arith.constant 2 : i32
        %ge3A_220 = arith.cmpi sge, %add3A_141, %ge3A_219 : i32
        %convert_element_type3A_221 = arith.extui %ge3A_220 : i1 to i32
        %cond3A_222 = arith.constant 0 : i32
        %cond3A_223 = arith.cmpi ne, %convert_element_type3A_221, %cond3A_222 : i32
        scf.if %cond3A_223 {
          %dma_wait3A_240 = arith.constant 0 : i32
          %dma_wait3A_241 = arith.constant 0 : i32
          %dma_wait3A_242 = arith.constant 0 : i32
          %dma_wait3A_243 = tpu.memref_slice %arg5[%dma_wait3A_240, %dma_wait3A_241, %dma_wait3A_242] : memref<20x200x4096xf32, #tpu.memory_space<hbm>> -> memref<1x2x4096xf32, #tpu.memory_space<hbm>>
          %dma_wait3A_244 = tpu.memref_squeeze %dma_wait3A_243 : memref<1x2x4096xf32, #tpu.memory_space<hbm>> -> memref<2x4096xf32, #tpu.memory_space<hbm>>
          %dma_wait3A_245 = arith.constant 0 : i32
          %dma_wait3A_246 = arith.constant 0 : i32
          %dma_wait3A_247 = tpu.memref_slice %arg5[%dma_wait3A_240, %dma_wait3A_245, %dma_wait3A_246] : memref<20x200x4096xf32, #tpu.memory_space<hbm>> -> memref<1x2x4096xf32, #tpu.memory_space<hbm>>
          %dma_wait3A_248 = tpu.memref_squeeze %dma_wait3A_247 : memref<1x2x4096xf32, #tpu.memory_space<hbm>> -> memref<2x4096xf32, #tpu.memory_space<hbm>>
          tpu.wait_dma2 semaphore(%arg16 : memref<!tpu.dma_semaphore, #tpu.memory_space<semaphore_mem>>) src(%arg11 : memref<2x4096xf32, #tpu.memory_space<vmem>>) dst(%dma_wait3A_248 : memref<2x4096xf32, #tpu.memory_space<hbm>>)
        } else {
        }
        %broadcast_in_dim3A = vector.broadcast %select_n3A_172 : i32 to vector<16xi32>
        %parallel_loop3A = arith.constant 0 : i32
        %parallel_loop3A_224 = arith.constant 4096 : i32
        %parallel_loop3A_225 = arith.constant 16 : i32
        scf.for %parallel_loop3A_240 = %parallel_loop3A to %parallel_loop3A_224 step %parallel_loop3A_225  : i32 {
          %parallel_loop3A_241 = arith.constant 0 : i32
          %parallel_loop3A_242 = arith.addi %parallel_loop3A_241, %parallel_loop3A_240 : i32
          %parallel_loop3A_243 = arith.index_cast %parallel_loop3A_242 : i32 to index
          %parallel_loop3A_244 = tpu.vector_load %arg9[%parallel_loop3A_243] {strides = array<i32>} : memref<8192xi32, #tpu.memory_space<vmem>>, vector<16xi32>,
          %parallel_loop3A_245 = arith.constant 1 : i32
          %parallel_loop3A_246 = vector.broadcast %parallel_loop3A_245 : i32 to vector<16xi32>
          %parallel_loop3A_247 = arith.addi %parallel_loop3A_244, %parallel_loop3A_246 : vector<16xi32>
          %parallel_loop3A_248 = tpu.vector_load_idx %arg7[%broadcast_in_dim3A, %parallel_loop3A_247] : memref<3x101xf32, #tpu.memory_space<vmem>>[vector<16xi32>, vector<16xi32>], vector<16xf32>,
          %parallel_loop3A_249 = arith.constant 0 : i32
          %parallel_loop3A_250 = arith.index_cast %parallel_loop3A_249 : i32 to index
          %parallel_loop3A_251 = arith.index_cast %parallel_loop3A_240 : i32 to index
          %parallel_loop3A_252 = tpu.vector_load %arg11[%parallel_loop3A_250, %parallel_loop3A_251] {strides = array<i32>} : memref<2x4096xf32, #tpu.memory_space<vmem>>, vector<16xf32>,
          tpu.vector_store %arg11[%parallel_loop3A_250, %parallel_loop3A_251], %parallel_loop3A_248 {strides = array<i32>} : memref<2x4096xf32, #tpu.memory_space<vmem>>, vector<16xf32>,
        } {sc.loop_unroll_factor = 16 : i64, sc.parallel_access}
        %parallel_loop3A_226 = arith.constant 0 : i32
        %parallel_loop3A_227 = arith.constant 4096 : i32
        %parallel_loop3A_228 = arith.constant 16 : i32
        scf.for %parallel_loop3A_240 = %parallel_loop3A_226 to %parallel_loop3A_227 step %parallel_loop3A_228  : i32 {
          %parallel_loop3A_241 = arith.constant 4096 : i32
          %parallel_loop3A_242 = arith.addi %parallel_loop3A_241, %parallel_loop3A_240 : i32
          %parallel_loop3A_243 = arith.index_cast %parallel_loop3A_242 : i32 to index
          %parallel_loop3A_244 = tpu.vector_load %arg9[%parallel_loop3A_243] {strides = array<i32>} : memref<8192xi32, #tpu.memory_space<vmem>>, vector<16xi32>,
          %parallel_loop3A_245 = arith.constant 1 : i32
          %parallel_loop3A_246 = vector.broadcast %parallel_loop3A_245 : i32 to vector<16xi32>
          %parallel_loop3A_247 = arith.addi %parallel_loop3A_244, %parallel_loop3A_246 : vector<16xi32>
          %parallel_loop3A_248 = tpu.vector_load_idx %arg7[%broadcast_in_dim3A, %parallel_loop3A_247] : memref<3x101xf32, #tpu.memory_space<vmem>>[vector<16xi32>, vector<16xi32>], vector<16xf32>,
          %parallel_loop3A_249 = arith.constant 1 : i32
          %parallel_loop3A_250 = arith.index_cast %parallel_loop3A_249 : i32 to index
          %parallel_loop3A_251 = arith.index_cast %parallel_loop3A_240 : i32 to index
          %parallel_loop3A_252 = tpu.vector_load %arg11[%parallel_loop3A_250, %parallel_loop3A_251] {strides = array<i32>} : memref<2x4096xf32, #tpu.memory_space<vmem>>, vector<16xf32>,
          tpu.vector_store %arg11[%parallel_loop3A_250, %parallel_loop3A_251], %parallel_loop3A_248 {strides = array<i32>} : memref<2x4096xf32, #tpu.memory_space<vmem>>, vector<16xf32>,
        } {sc.loop_unroll_factor = 16 : i64, sc.parallel_access}
        %dma_start3A = arith.constant 0 : i32
        %dma_start3A_229 = tpu.memref_slice %arg5[%add3A_198, %mul3A_215, %dma_start3A] : memref<20x200x4096xf32, #tpu.memory_space<hbm>> -> memref<1x2x4096xf32, #tpu.memory_space<hbm>>
        %dma_start3A_230 = tpu.memref_squeeze %dma_start3A_229 : memref<1x2x4096xf32, #tpu.memory_space<hbm>> -> memref<2x4096xf32, #tpu.memory_space<hbm>>
        %dma_start3A_231 = arith.constant 0 : i32
        %dma_start3A_232 = tpu.memref_slice %arg5[%add3A_198, %mul3A_215, %dma_start3A_231] : memref<20x200x4096xf32, #tpu.memory_space<hbm>> -> memref<1x2x4096xf32, #tpu.memory_space<hbm>>
        %dma_start3A_233 = tpu.memref_squeeze %dma_start3A_232 : memref<1x2x4096xf32, #tpu.memory_space<hbm>> -> memref<2x4096xf32, #tpu.memory_space<hbm>>
        tpu.enqueue_dma source(%arg11 : memref<2x4096xf32, #tpu.memory_space<vmem>>) target(%dma_start3A_233 : memref<2x4096xf32, #tpu.memory_space<hbm>>) target_semaphore(%arg16 : memref<!tpu.dma_semaphore, #tpu.memory_space<semaphore_mem>>)
        %add3A_234 = arith.constant 2 : i32
        %add3A_235 = arith.addi %add3A_141, %add3A_234 : i32
        %lt3A_236 = arith.cmpi slt, %add3A_235, %select_n3A : i32
        %convert_element_type3A_237 = arith.extui %lt3A_236 : i1 to i32
        %cond3A_238 = arith.constant 0 : i32
        %cond3A_239 = arith.cmpi ne, %convert_element_type3A_237, %cond3A_238 : i32
        scf.if %cond3A_239 {
          %add3A_240 = arith.constant 64 : i32
          %add3A_241 = arith.addi %add3A_148, %add3A_240 : i32
          %jit3A_242 = arith.constant 100 : i32
          %div3A_243 = arith.divsi %add3A_241, %jit3A_242 : i32
          %sign3A_244 = arith.constant 0 : i32
          %sign3A_245 = arith.cmpi sgt, %add3A_241, %sign3A_244 : i32
          %sign3A_246 = arith.extui %sign3A_245 : i1 to i32
          %sign3A_247 = arith.constant 0 : i32
          %sign3A_248 = arith.cmpi slt, %add3A_241, %sign3A_247 : i32
          %sign3A_249 = arith.extui %sign3A_248 : i1 to i32
          %sign3A_250 = arith.subi %sign3A_246, %sign3A_249 : i32
          %sign3A_251 = arith.constant 0 : i32
          %sign3A_252 = arith.cmpi sgt, %jit3A_242, %sign3A_251 : i32
          %sign3A_253 = arith.extui %sign3A_252 : i1 to i32
          %sign3A_254 = arith.constant 0 : i32
          %sign3A_255 = arith.cmpi slt, %jit3A_242, %sign3A_254 : i32
          %sign3A_256 = arith.extui %sign3A_255 : i1 to i32
          %sign3A_257 = arith.subi %sign3A_253, %sign3A_256 : i32
          %ne3A_258 = arith.cmpi ne, %sign3A_250, %sign3A_257 : i32
          %rem3A_259 = arith.remsi %add3A_241, %jit3A_242 : i32
          %ne3A_260 = arith.constant 0 : i32
          %ne3A_261 = arith.cmpi ne, %rem3A_259, %ne3A_260 : i32
          %and3A_262 = arith.andi %ne3A_258, %ne3A_261 : i1
          %sub3A_263 = arith.constant 1 : i32
          %sub3A_264 = arith.subi %div3A_243, %sub3A_263 : i32
          %select_n3A_265 = arith.select %and3A_262, %sub3A_264, %div3A_243 : i32
          %jit3A_266 = arith.constant 100 : i32
          %div3A_267 = arith.divsi %add3A_241, %jit3A_266 : i32
          %sign3A_268 = arith.constant 0 : i32
          %sign3A_269 = arith.cmpi sgt, %add3A_241, %sign3A_268 : i32
          %sign3A_270 = arith.extui %sign3A_269 : i1 to i32
          %sign3A_271 = arith.constant 0 : i32
          %sign3A_272 = arith.cmpi slt, %add3A_241, %sign3A_271 : i32
          %sign3A_273 = arith.extui %sign3A_272 : i1 to i32
          %sign3A_274 = arith.subi %sign3A_270, %sign3A_273 : i32
          %sign3A_275 = arith.constant 0 : i32
          %sign3A_276 = arith.cmpi sgt, %jit3A_266, %sign3A_275 : i32
          %sign3A_277 = arith.extui %sign3A_276 : i1 to i32
          %sign3A_278 = arith.constant 0 : i32
          %sign3A_279 = arith.cmpi slt, %jit3A_266, %sign3A_278 : i32
          %sign3A_280 = arith.extui %sign3A_279 : i1 to i32
          %sign3A_281 = arith.subi %sign3A_277, %sign3A_280 : i32
          %ne3A_282 = arith.cmpi ne, %sign3A_274, %sign3A_281 : i32
          %rem3A_283 = arith.remsi %add3A_241, %jit3A_266 : i32
          %ne3A_284 = arith.constant 0 : i32
          %ne3A_285 = arith.cmpi ne, %rem3A_283, %ne3A_284 : i32
          %and3A_286 = arith.andi %ne3A_282, %ne3A_285 : i1
          %sub3A_287 = arith.constant 1 : i32
          %sub3A_288 = arith.subi %div3A_267, %sub3A_287 : i32
          %select_n3A_289 = arith.select %and3A_286, %sub3A_288, %div3A_267 : i32
          %add3A_290 = arith.constant 12 : i32
          %add3A_291 = arith.addi %add3A_290, %select_n3A_289 : i32
          %jit3A_292 = arith.constant 100 : i32
          %eq3A_293 = arith.constant 0 : i32
          %eq3A_294 = arith.cmpi eq, %jit3A_292, %eq3A_293 : i32
          %jit3A_295 = arith.constant 1 : i32
          %select_n3A_296 = arith.select %eq3A_294, %jit3A_295, %jit3A_292 : i32
          %rem3A_297 = arith.remsi %add3A_241, %select_n3A_296 : i32
          %ne3A_298 = arith.constant 0 : i32
          %ne3A_299 = arith.cmpi ne, %rem3A_297, %ne3A_298 : i32
          %lt3A_300 = arith.constant 0 : i32
          %lt3A_301 = arith.cmpi slt, %rem3A_297, %lt3A_300 : i32
          %lt3A_302 = arith.constant 0 : i32
          %lt3A_303 = arith.cmpi slt, %select_n3A_296, %lt3A_302 : i32
          %ne3A_304 = arith.xori %lt3A_301, %lt3A_303 : i1
          %and3A_305 = arith.andi %ne3A_304, %ne3A_299 : i1
          %add3A_306 = arith.addi %rem3A_297, %select_n3A_296 : i32
          %select_n3A_307 = arith.select %and3A_305, %add3A_306, %rem3A_297 : i32
          %mul3A_308 = arith.constant 2 : i32
          %mul3A_309 = arith.muli %select_n3A_307, %mul3A_308 : i32
          %mul3A_310 = arith.constant 4096 : i32
          %mul3A_311 = arith.muli %mul3A_309, %mul3A_310 : i32
          %dma_start3A_312 = tpu.memref_slice %arg3[%mul3A_311] : memref<819200xi32, #tpu.memory_space<hbm>> -> memref<8192xi32, #tpu.memory_space<hbm>>
          %dma_start3A_313 = tpu.memref_slice %arg3[%mul3A_311] : memref<819200xi32, #tpu.memory_space<hbm>> -> memref<8192xi32, #tpu.memory_space<hbm>>
          tpu.enqueue_dma source(%dma_start3A_313 : memref<8192xi32, #tpu.memory_space<hbm>>) target(%arg9 : memref<8192xi32, #tpu.memory_space<vmem>>) target_semaphore(%arg14 : memref<!tpu.dma_semaphore, #tpu.memory_space<semaphore_mem>>)
        } else {
        }
      } else {
      }
    }
    %while3A_108 = arith.constant 1 : i32
    scf.for %while3A_129 = %while3A_106 to %while3A_102 step %while3A_108  : i32 {
      %mul3A_130 = arith.constant 2 : i32
      %mul3A_131 = arith.muli %mul3A_130, %while3A_129 : i32
      %add3A_132 = arith.constant 0 : i32
      %add3A_133 = arith.addi %mul3A_131, %add3A_132 : i32
      %lt3A_134 = arith.cmpi slt, %add3A_133, %select_n3A : i32
      %convert_element_type3A_135 = arith.extui %lt3A_134 : i1 to i32
      %cond3A_136 = arith.constant 0 : i32
      %cond3A_137 = arith.cmpi ne, %convert_element_type3A_135, %cond3A_136 : i32
      scf.if %cond3A_137 {
        %mul3A_146 = arith.constant 32 : i32
        %mul3A_147 = arith.muli %mul3A_146, %add3A_133 : i32
        %add3A_148 = arith.addi %add3A, %mul3A_147 : i32
        %jit3A_149 = arith.constant 100 : i32
        %div3A_150 = arith.divsi %add3A_148, %jit3A_149 : i32
        %sign3A_151 = arith.constant 0 : i32
        %sign3A_152 = arith.cmpi sgt, %add3A_148, %sign3A_151 : i32
        %sign3A_153 = arith.extui %sign3A_152 : i1 to i32
        %sign3A_154 = arith.constant 0 : i32
        %sign3A_155 = arith.cmpi slt, %add3A_148, %sign3A_154 : i32
        %sign3A_156 = arith.extui %sign3A_155 : i1 to i32
        %sign3A_157 = arith.subi %sign3A_153, %sign3A_156 : i32
        %sign3A_158 = arith.constant 0 : i32
        %sign3A_159 = arith.cmpi sgt, %jit3A_149, %sign3A_158 : i32
        %sign3A_160 = arith.extui %sign3A_159 : i1 to i32
        %sign3A_161 = arith.constant 0 : i32
        %sign3A_162 = arith.cmpi slt, %jit3A_149, %sign3A_161 : i32
        %sign3A_163 = arith.extui %sign3A_162 : i1 to i32
        %sign3A_164 = arith.subi %sign3A_160, %sign3A_163 : i32
        %ne3A_165 = arith.cmpi ne, %sign3A_157, %sign3A_164 : i32
        %rem3A_166 = arith.remsi %add3A_148, %jit3A_149 : i32
        %ne3A_167 = arith.constant 0 : i32
        %ne3A_168 = arith.cmpi ne, %rem3A_166, %ne3A_167 : i32
        %and3A_169 = arith.andi %ne3A_165, %ne3A_168 : i1
        %sub3A_170 = arith.constant 1 : i32
        %sub3A_171 = arith.subi %div3A_150, %sub3A_170 : i32
        %select_n3A_172 = arith.select %and3A_169, %sub3A_171, %div3A_150 : i32
        %jit3A_173 = arith.constant 100 : i32
        %div3A_174 = arith.divsi %add3A_148, %jit3A_173 : i32
        %sign3A_175 = arith.constant 0 : i32
        %sign3A_176 = arith.cmpi sgt, %add3A_148, %sign3A_175 : i32
        %sign3A_177 = arith.extui %sign3A_176 : i1 to i32
        %sign3A_178 = arith.constant 0 : i32
        %sign3A_179 = arith.cmpi slt, %add3A_148, %sign3A_178 : i32
        %sign3A_180 = arith.extui %sign3A_179 : i1 to i32
        %sign3A_181 = arith.subi %sign3A_177, %sign3A_180 : i32
        %sign3A_182 = arith.constant 0 : i32
        %sign3A_183 = arith.cmpi sgt, %jit3A_173, %sign3A_182 : i32
        %sign3A_184 = arith.extui %sign3A_183 : i1 to i32
        %sign3A_185 = arith.constant 0 : i32
        %sign3A_186 = arith.cmpi slt, %jit3A_173, %sign3A_185 : i32
        %sign3A_187 = arith.extui %sign3A_186 : i1 to i32
        %sign3A_188 = arith.subi %sign3A_184, %sign3A_187 : i32
        %ne3A_189 = arith.cmpi ne, %sign3A_181, %sign3A_188 : i32
        %rem3A_190 = arith.remsi %add3A_148, %jit3A_173 : i32
        %ne3A_191 = arith.constant 0 : i32
        %ne3A_192 = arith.cmpi ne, %rem3A_190, %ne3A_191 : i32
        %and3A_193 = arith.andi %ne3A_189, %ne3A_192 : i1
        %sub3A_194 = arith.constant 1 : i32
        %sub3A_195 = arith.subi %div3A_174, %sub3A_194 : i32
        %select_n3A_196 = arith.select %and3A_193, %sub3A_195, %div3A_174 : i32
        %add3A_197 = arith.constant 12 : i32
        %add3A_198 = arith.addi %add3A_197, %select_n3A_196 : i32
        %jit3A_199 = arith.constant 100 : i32
        %eq3A = arith.constant 0 : i32
        %eq3A_200 = arith.cmpi eq, %jit3A_199, %eq3A : i32
        %jit3A_201 = arith.constant 1 : i32
        %select_n3A_202 = arith.select %eq3A_200, %jit3A_201, %jit3A_199 : i32
        %rem3A_203 = arith.remsi %add3A_148, %select_n3A_202 : i32
        %ne3A_204 = arith.constant 0 : i32
        %ne3A_205 = arith.cmpi ne, %rem3A_203, %ne3A_204 : i32
        %lt3A_206 = arith.constant 0 : i32
        %lt3A_207 = arith.cmpi slt, %rem3A_203, %lt3A_206 : i32
        %lt3A_208 = arith.constant 0 : i32
        %lt3A_209 = arith.cmpi slt, %select_n3A_202, %lt3A_208 : i32
        %ne3A_210 = arith.xori %lt3A_207, %lt3A_209 : i1
        %and3A_211 = arith.andi %ne3A_210, %ne3A_205 : i1
        %add3A_212 = arith.addi %rem3A_203, %select_n3A_202 : i32
        %select_n3A_213 = arith.select %and3A_211, %add3A_212, %rem3A_203 : i32
        %mul3A_214 = arith.constant 2 : i32
        %mul3A_215 = arith.muli %select_n3A_213, %mul3A_214 : i32
        %dma_wait3A = arith.constant 0 : i32
        %dma_wait3A_216 = tpu.memref_slice %arg3[%dma_wait3A] : memref<819200xi32, #tpu.memory_space<hbm>> -> memref<8192xi32, #tpu.memory_space<hbm>>
        %dma_wait3A_217 = arith.constant 0 : i32
        %dma_wait3A_218 = tpu.memref_slice %arg3[%dma_wait3A_217] : memref<819200xi32, #tpu.memory_space<hbm>> -> memref<8192xi32, #tpu.memory_space<hbm>>
        tpu.wait_dma2 semaphore(%arg13 : memref<!tpu.dma_semaphore, #tpu.memory_space<semaphore_mem>>) src(%dma_wait3A_218 : memref<8192xi32, #tpu.memory_space<hbm>>) dst(%arg8 : memref<8192xi32, #tpu.memory_space<vmem>>)
        %ge3A_219 = arith.constant 2 : i32
        %ge3A_220 = arith.cmpi sge, %add3A_133, %ge3A_219 : i32
        %convert_element_type3A_221 = arith.extui %ge3A_220 : i1 to i32
        %cond3A_222 = arith.constant 0 : i32
        %cond3A_223 = arith.cmpi ne, %convert_element_type3A_221, %cond3A_222 : i32
        scf.if %cond3A_223 {
          %dma_wait3A_240 = arith.constant 0 : i32
          %dma_wait3A_241 = arith.constant 0 : i32
          %dma_wait3A_242 = arith.constant 0 : i32
          %dma_wait3A_243 = tpu.memref_slice %arg5[%dma_wait3A_240, %dma_wait3A_241, %dma_wait3A_242] : memref<20x200x4096xf32, #tpu.memory_space<hbm>> -> memref<1x2x4096xf32, #tpu.memory_space<hbm>>
          %dma_wait3A_244 = tpu.memref_squeeze %dma_wait3A_243 : memref<1x2x4096xf32, #tpu.memory_space<hbm>> -> memref<2x4096xf32, #tpu.memory_space<hbm>>
          %dma_wait3A_245 = arith.constant 0 : i32
          %dma_wait3A_246 = arith.constant 0 : i32
          %dma_wait3A_247 = tpu.memref_slice %arg5[%dma_wait3A_240, %dma_wait3A_245, %dma_wait3A_246] : memref<20x200x4096xf32, #tpu.memory_space<hbm>> -> memref<1x2x4096xf32, #tpu.memory_space<hbm>>
          %dma_wait3A_248 = tpu.memref_squeeze %dma_wait3A_247 : memref<1x2x4096xf32, #tpu.memory_space<hbm>> -> memref<2x4096xf32, #tpu.memory_space<hbm>>
          tpu.wait_dma2 semaphore(%arg15 : memref<!tpu.dma_semaphore, #tpu.memory_space<semaphore_mem>>) src(%arg10 : memref<2x4096xf32, #tpu.memory_space<vmem>>) dst(%dma_wait3A_248 : memref<2x4096xf32, #tpu.memory_space<hbm>>)
        } else {
        }
        %broadcast_in_dim3A = vector.broadcast %select_n3A_172 : i32 to vector<16xi32>
        %parallel_loop3A = arith.constant 0 : i32
        %parallel_loop3A_224 = arith.constant 4096 : i32
        %parallel_loop3A_225 = arith.constant 16 : i32
        scf.for %parallel_loop3A_240 = %parallel_loop3A to %parallel_loop3A_224 step %parallel_loop3A_225  : i32 {
          %parallel_loop3A_241 = arith.constant 0 : i32
          %parallel_loop3A_242 = arith.addi %parallel_loop3A_241, %parallel_loop3A_240 : i32
          %parallel_loop3A_243 = arith.index_cast %parallel_loop3A_242 : i32 to index
          %parallel_loop3A_244 = tpu.vector_load %arg8[%parallel_loop3A_243] {strides = array<i32>} : memref<8192xi32, #tpu.memory_space<vmem>>, vector<16xi32>,
          %parallel_loop3A_245 = arith.constant 1 : i32
          %parallel_loop3A_246 = vector.broadcast %parallel_loop3A_245 : i32 to vector<16xi32>
          %parallel_loop3A_247 = arith.addi %parallel_loop3A_244, %parallel_loop3A_246 : vector<16xi32>
          %parallel_loop3A_248 = tpu.vector_load_idx %arg7[%broadcast_in_dim3A, %parallel_loop3A_247] : memref<3x101xf32, #tpu.memory_space<vmem>>[vector<16xi32>, vector<16xi32>], vector<16xf32>,
          %parallel_loop3A_249 = arith.constant 0 : i32
          %parallel_loop3A_250 = arith.index_cast %parallel_loop3A_249 : i32 to index
          %parallel_loop3A_251 = arith.index_cast %parallel_loop3A_240 : i32 to index
          %parallel_loop3A_252 = tpu.vector_load %arg10[%parallel_loop3A_250, %parallel_loop3A_251] {strides = array<i32>} : memref<2x4096xf32, #tpu.memory_space<vmem>>, vector<16xf32>,
          tpu.vector_store %arg10[%parallel_loop3A_250, %parallel_loop3A_251], %parallel_loop3A_248 {strides = array<i32>} : memref<2x4096xf32, #tpu.memory_space<vmem>>, vector<16xf32>,
        } {sc.loop_unroll_factor = 16 : i64, sc.parallel_access}
        %parallel_loop3A_226 = arith.constant 0 : i32
        %parallel_loop3A_227 = arith.constant 4096 : i32
        %parallel_loop3A_228 = arith.constant 16 : i32
        scf.for %parallel_loop3A_240 = %parallel_loop3A_226 to %parallel_loop3A_227 step %parallel_loop3A_228  : i32 {
          %parallel_loop3A_241 = arith.constant 4096 : i32
          %parallel_loop3A_242 = arith.addi %parallel_loop3A_241, %parallel_loop3A_240 : i32
          %parallel_loop3A_243 = arith.index_cast %parallel_loop3A_242 : i32 to index
          %parallel_loop3A_244 = tpu.vector_load %arg8[%parallel_loop3A_243] {strides = array<i32>} : memref<8192xi32, #tpu.memory_space<vmem>>, vector<16xi32>,
          %parallel_loop3A_245 = arith.constant 1 : i32
          %parallel_loop3A_246 = vector.broadcast %parallel_loop3A_245 : i32 to vector<16xi32>
          %parallel_loop3A_247 = arith.addi %parallel_loop3A_244, %parallel_loop3A_246 : vector<16xi32>
          %parallel_loop3A_248 = tpu.vector_load_idx %arg7[%broadcast_in_dim3A, %parallel_loop3A_247] : memref<3x101xf32, #tpu.memory_space<vmem>>[vector<16xi32>, vector<16xi32>], vector<16xf32>,
          %parallel_loop3A_249 = arith.constant 1 : i32
          %parallel_loop3A_250 = arith.index_cast %parallel_loop3A_249 : i32 to index
          %parallel_loop3A_251 = arith.index_cast %parallel_loop3A_240 : i32 to index
          %parallel_loop3A_252 = tpu.vector_load %arg10[%parallel_loop3A_250, %parallel_loop3A_251] {strides = array<i32>} : memref<2x4096xf32, #tpu.memory_space<vmem>>, vector<16xf32>,
          tpu.vector_store %arg10[%parallel_loop3A_250, %parallel_loop3A_251], %parallel_loop3A_248 {strides = array<i32>} : memref<2x4096xf32, #tpu.memory_space<vmem>>, vector<16xf32>,
        } {sc.loop_unroll_factor = 16 : i64, sc.parallel_access}
        %dma_start3A = arith.constant 0 : i32
        %dma_start3A_229 = tpu.memref_slice %arg5[%add3A_198, %mul3A_215, %dma_start3A] : memref<20x200x4096xf32, #tpu.memory_space<hbm>> -> memref<1x2x4096xf32, #tpu.memory_space<hbm>>
        %dma_start3A_230 = tpu.memref_squeeze %dma_start3A_229 : memref<1x2x4096xf32, #tpu.memory_space<hbm>> -> memref<2x4096xf32, #tpu.memory_space<hbm>>
        %dma_start3A_231 = arith.constant 0 : i32
        %dma_start3A_232 = tpu.memref_slice %arg5[%add3A_198, %mul3A_215, %dma_start3A_231] : memref<20x200x4096xf32, #tpu.memory_space<hbm>> -> memref<1x2x4096xf32, #tpu.memory_space<hbm>>
        %dma_start3A_233 = tpu.memref_squeeze %dma_start3A_232 : memref<1x2x4096xf32, #tpu.memory_space<hbm>> -> memref<2x4096xf32, #tpu.memory_space<hbm>>
        tpu.enqueue_dma source(%arg10 : memref<2x4096xf32, #tpu.memory_space<vmem>>) target(%dma_start3A_233 : memref<2x4096xf32, #tpu.memory_space<hbm>>) target_semaphore(%arg15 : memref<!tpu.dma_semaphore, #tpu.memory_space<semaphore_mem>>)
        %add3A_234 = arith.constant 2 : i32
        %add3A_235 = arith.addi %add3A_133, %add3A_234 : i32
        %lt3A_236 = arith.cmpi slt, %add3A_235, %select_n3A : i32
        %convert_element_type3A_237 = arith.extui %lt3A_236 : i1 to i32
        %cond3A_238 = arith.constant 0 : i32
        %cond3A_239 = arith.cmpi ne, %convert_element_type3A_237, %cond3A_238 : i32
        scf.if %cond3A_239 {
          %add3A_240 = arith.constant 64 : i32
          %add3A_241 = arith.addi %add3A_148, %add3A_240 : i32
          %jit3A_242 = arith.constant 100 : i32
          %div3A_243 = arith.divsi %add3A_241, %jit3A_242 : i32
          %sign3A_244 = arith.constant 0 : i32
          %sign3A_245 = arith.cmpi sgt, %add3A_241, %sign3A_244 : i32
          %sign3A_246 = arith.extui %sign3A_245 : i1 to i32
          %sign3A_247 = arith.constant 0 : i32
          %sign3A_248 = arith.cmpi slt, %add3A_241, %sign3A_247 : i32
          %sign3A_249 = arith.extui %sign3A_248 : i1 to i32
          %sign3A_250 = arith.subi %sign3A_246, %sign3A_249 : i32
          %sign3A_251 = arith.constant 0 : i32
          %sign3A_252 = arith.cmpi sgt, %jit3A_242, %sign3A_251 : i32
          %sign3A_253 = arith.extui %sign3A_252 : i1 to i32
          %sign3A_254 = arith.constant 0 : i32
          %sign3A_255 = arith.cmpi slt, %jit3A_242, %sign3A_254 : i32
          %sign3A_256 = arith.extui %sign3A_255 : i1 to i32
          %sign3A_257 = arith.subi %sign3A_253, %sign3A_256 : i32
          %ne3A_258 = arith.cmpi ne, %sign3A_250, %sign3A_257 : i32
          %rem3A_259 = arith.remsi %add3A_241, %jit3A_242 : i32
          %ne3A_260 = arith.constant 0 : i32
          %ne3A_261 = arith.cmpi ne, %rem3A_259, %ne3A_260 : i32
          %and3A_262 = arith.andi %ne3A_258, %ne3A_261 : i1
          %sub3A_263 = arith.constant 1 : i32
          %sub3A_264 = arith.subi %div3A_243, %sub3A_263 : i32
          %select_n3A_265 = arith.select %and3A_262, %sub3A_264, %div3A_243 : i32
          %jit3A_266 = arith.constant 100 : i32
          %div3A_267 = arith.divsi %add3A_241, %jit3A_266 : i32
          %sign3A_268 = arith.constant 0 : i32
          %sign3A_269 = arith.cmpi sgt, %add3A_241, %sign3A_268 : i32
          %sign3A_270 = arith.extui %sign3A_269 : i1 to i32
          %sign3A_271 = arith.constant 0 : i32
          %sign3A_272 = arith.cmpi slt, %add3A_241, %sign3A_271 : i32
          %sign3A_273 = arith.extui %sign3A_272 : i1 to i32
          %sign3A_274 = arith.subi %sign3A_270, %sign3A_273 : i32
          %sign3A_275 = arith.constant 0 : i32
          %sign3A_276 = arith.cmpi sgt, %jit3A_266, %sign3A_275 : i32
          %sign3A_277 = arith.extui %sign3A_276 : i1 to i32
          %sign3A_278 = arith.constant 0 : i32
          %sign3A_279 = arith.cmpi slt, %jit3A_266, %sign3A_278 : i32
          %sign3A_280 = arith.extui %sign3A_279 : i1 to i32
          %sign3A_281 = arith.subi %sign3A_277, %sign3A_280 : i32
          %ne3A_282 = arith.cmpi ne, %sign3A_274, %sign3A_281 : i32
          %rem3A_283 = arith.remsi %add3A_241, %jit3A_266 : i32
          %ne3A_284 = arith.constant 0 : i32
          %ne3A_285 = arith.cmpi ne, %rem3A_283, %ne3A_284 : i32
          %and3A_286 = arith.andi %ne3A_282, %ne3A_285 : i1
          %sub3A_287 = arith.constant 1 : i32
          %sub3A_288 = arith.subi %div3A_267, %sub3A_287 : i32
          %select_n3A_289 = arith.select %and3A_286, %sub3A_288, %div3A_267 : i32
          %add3A_290 = arith.constant 12 : i32
          %add3A_291 = arith.addi %add3A_290, %select_n3A_289 : i32
          %jit3A_292 = arith.constant 100 : i32
          %eq3A_293 = arith.constant 0 : i32
          %eq3A_294 = arith.cmpi eq, %jit3A_292, %eq3A_293 : i32
          %jit3A_295 = arith.constant 1 : i32
          %select_n3A_296 = arith.select %eq3A_294, %jit3A_295, %jit3A_292 : i32
          %rem3A_297 = arith.remsi %add3A_241, %select_n3A_296 : i32
          %ne3A_298 = arith.constant 0 : i32
          %ne3A_299 = arith.cmpi ne, %rem3A_297, %ne3A_298 : i32
          %lt3A_300 = arith.constant 0 : i32
          %lt3A_301 = arith.cmpi slt, %rem3A_297, %lt3A_300 : i32
          %lt3A_302 = arith.constant 0 : i32
          %lt3A_303 = arith.cmpi slt, %select_n3A_296, %lt3A_302 : i32
          %ne3A_304 = arith.xori %lt3A_301, %lt3A_303 : i1
          %and3A_305 = arith.andi %ne3A_304, %ne3A_299 : i1
          %add3A_306 = arith.addi %rem3A_297, %select_n3A_296 : i32
          %select_n3A_307 = arith.select %and3A_305, %add3A_306, %rem3A_297 : i32
          %mul3A_308 = arith.constant 2 : i32
          %mul3A_309 = arith.muli %select_n3A_307, %mul3A_308 : i32
          %mul3A_310 = arith.constant 4096 : i32
          %mul3A_311 = arith.muli %mul3A_309, %mul3A_310 : i32
          %dma_start3A_312 = tpu.memref_slice %arg3[%mul3A_311] : memref<819200xi32, #tpu.memory_space<hbm>> -> memref<8192xi32, #tpu.memory_space<hbm>>
          %dma_start3A_313 = tpu.memref_slice %arg3[%mul3A_311] : memref<819200xi32, #tpu.memory_space<hbm>> -> memref<8192xi32, #tpu.memory_space<hbm>>
          tpu.enqueue_dma source(%dma_start3A_313 : memref<8192xi32, #tpu.memory_space<hbm>>) target(%arg8 : memref<8192xi32, #tpu.memory_space<vmem>>) target_semaphore(%arg13 : memref<!tpu.dma_semaphore, #tpu.memory_space<semaphore_mem>>)
        } else {
        }
      } else {
      }
      %mul3A_138 = arith.constant 2 : i32
      %mul3A_139 = arith.muli %mul3A_138, %while3A_129 : i32
      %add3A_140 = arith.constant 1 : i32
      %add3A_141 = arith.addi %mul3A_139, %add3A_140 : i32
      %lt3A_142 = arith.cmpi slt, %add3A_141, %select_n3A : i32
      %convert_element_type3A_143 = arith.extui %lt3A_142 : i1 to i32
      %cond3A_144 = arith.constant 0 : i32
      %cond3A_145 = arith.cmpi ne, %convert_element_type3A_143, %cond3A_144 : i32
      scf.if %cond3A_145 {
        %mul3A_146 = arith.constant 32 : i32
        %mul3A_147 = arith.muli %mul3A_146, %add3A_141 : i32
        %add3A_148 = arith.addi %add3A, %mul3A_147 : i32
        %jit3A_149 = arith.constant 100 : i32
        %div3A_150 = arith.divsi %add3A_148, %jit3A_149 : i32
        %sign3A_151 = arith.constant 0 : i32
        %sign3A_152 = arith.cmpi sgt, %add3A_148, %sign3A_151 : i32
        %sign3A_153 = arith.extui %sign3A_152 : i1 to i32
        %sign3A_154 = arith.constant 0 : i32
        %sign3A_155 = arith.cmpi slt, %add3A_148, %sign3A_154 : i32
        %sign3A_156 = arith.extui %sign3A_155 : i1 to i32
        %sign3A_157 = arith.subi %sign3A_153, %sign3A_156 : i32
        %sign3A_158 = arith.constant 0 : i32
        %sign3A_159 = arith.cmpi sgt, %jit3A_149, %sign3A_158 : i32
        %sign3A_160 = arith.extui %sign3A_159 : i1 to i32
        %sign3A_161 = arith.constant 0 : i32
        %sign3A_162 = arith.cmpi slt, %jit3A_149, %sign3A_161 : i32
        %sign3A_163 = arith.extui %sign3A_162 : i1 to i32
        %sign3A_164 = arith.subi %sign3A_160, %sign3A_163 : i32
        %ne3A_165 = arith.cmpi ne, %sign3A_157, %sign3A_164 : i32
        %rem3A_166 = arith.remsi %add3A_148, %jit3A_149 : i32
        %ne3A_167 = arith.constant 0 : i32
        %ne3A_168 = arith.cmpi ne, %rem3A_166, %ne3A_167 : i32
        %and3A_169 = arith.andi %ne3A_165, %ne3A_168 : i1
        %sub3A_170 = arith.constant 1 : i32
        %sub3A_171 = arith.subi %div3A_150, %sub3A_170 : i32
        %select_n3A_172 = arith.select %and3A_169, %sub3A_171, %div3A_150 : i32
        %jit3A_173 = arith.constant 100 : i32
        %div3A_174 = arith.divsi %add3A_148, %jit3A_173 : i32
        %sign3A_175 = arith.constant 0 : i32
        %sign3A_176 = arith.cmpi sgt, %add3A_148, %sign3A_175 : i32
        %sign3A_177 = arith.extui %sign3A_176 : i1 to i32
        %sign3A_178 = arith.constant 0 : i32
        %sign3A_179 = arith.cmpi slt, %add3A_148, %sign3A_178 : i32
        %sign3A_180 = arith.extui %sign3A_179 : i1 to i32
        %sign3A_181 = arith.subi %sign3A_177, %sign3A_180 : i32
        %sign3A_182 = arith.constant 0 : i32
        %sign3A_183 = arith.cmpi sgt, %jit3A_173, %sign3A_182 : i32
        %sign3A_184 = arith.extui %sign3A_183 : i1 to i32
        %sign3A_185 = arith.constant 0 : i32
        %sign3A_186 = arith.cmpi slt, %jit3A_173, %sign3A_185 : i32
        %sign3A_187 = arith.extui %sign3A_186 : i1 to i32
        %sign3A_188 = arith.subi %sign3A_184, %sign3A_187 : i32
        %ne3A_189 = arith.cmpi ne, %sign3A_181, %sign3A_188 : i32
        %rem3A_190 = arith.remsi %add3A_148, %jit3A_173 : i32
        %ne3A_191 = arith.constant 0 : i32
        %ne3A_192 = arith.cmpi ne, %rem3A_190, %ne3A_191 : i32
        %and3A_193 = arith.andi %ne3A_189, %ne3A_192 : i1
        %sub3A_194 = arith.constant 1 : i32
        %sub3A_195 = arith.subi %div3A_174, %sub3A_194 : i32
        %select_n3A_196 = arith.select %and3A_193, %sub3A_195, %div3A_174 : i32
        %add3A_197 = arith.constant 12 : i32
        %add3A_198 = arith.addi %add3A_197, %select_n3A_196 : i32
        %jit3A_199 = arith.constant 100 : i32
        %eq3A = arith.constant 0 : i32
        %eq3A_200 = arith.cmpi eq, %jit3A_199, %eq3A : i32
        %jit3A_201 = arith.constant 1 : i32
        %select_n3A_202 = arith.select %eq3A_200, %jit3A_201, %jit3A_199 : i32
        %rem3A_203 = arith.remsi %add3A_148, %select_n3A_202 : i32
        %ne3A_204 = arith.constant 0 : i32
        %ne3A_205 = arith.cmpi ne, %rem3A_203, %ne3A_204 : i32
        %lt3A_206 = arith.constant 0 : i32
        %lt3A_207 = arith.cmpi slt, %rem3A_203, %lt3A_206 : i32
        %lt3A_208 = arith.constant 0 : i32
        %lt3A_209 = arith.cmpi slt, %select_n3A_202, %lt3A_208 : i32
        %ne3A_210 = arith.xori %lt3A_207, %lt3A_209 : i1
        %and3A_211 = arith.andi %ne3A_210, %ne3A_205 : i1
        %add3A_212 = arith.addi %rem3A_203, %select_n3A_202 : i32
        %select_n3A_213 = arith.select %and3A_211, %add3A_212, %rem3A_203 : i32
        %mul3A_214 = arith.constant 2 : i32
        %mul3A_215 = arith.muli %select_n3A_213, %mul3A_214 : i32
        %dma_wait3A = arith.constant 0 : i32
        %dma_wait3A_216 = tpu.memref_slice %arg3[%dma_wait3A] : memref<819200xi32, #tpu.memory_space<hbm>> -> memref<8192xi32, #tpu.memory_space<hbm>>
        %dma_wait3A_217 = arith.constant 0 : i32
        %dma_wait3A_218 = tpu.memref_slice %arg3[%dma_wait3A_217] : memref<819200xi32, #tpu.memory_space<hbm>> -> memref<8192xi32, #tpu.memory_space<hbm>>
        tpu.wait_dma2 semaphore(%arg14 : memref<!tpu.dma_semaphore, #tpu.memory_space<semaphore_mem>>) src(%dma_wait3A_218 : memref<8192xi32, #tpu.memory_space<hbm>>) dst(%arg9 : memref<8192xi32, #tpu.memory_space<vmem>>)
        %ge3A_219 = arith.constant 2 : i32
        %ge3A_220 = arith.cmpi sge, %add3A_141, %ge3A_219 : i32
        %convert_element_type3A_221 = arith.extui %ge3A_220 : i1 to i32
        %cond3A_222 = arith.constant 0 : i32
        %cond3A_223 = arith.cmpi ne, %convert_element_type3A_221, %cond3A_222 : i32
        scf.if %cond3A_223 {
          %dma_wait3A_240 = arith.constant 0 : i32
          %dma_wait3A_241 = arith.constant 0 : i32
          %dma_wait3A_242 = arith.constant 0 : i32
          %dma_wait3A_243 = tpu.memref_slice %arg5[%dma_wait3A_240, %dma_wait3A_241, %dma_wait3A_242] : memref<20x200x4096xf32, #tpu.memory_space<hbm>> -> memref<1x2x4096xf32, #tpu.memory_space<hbm>>
          %dma_wait3A_244 = tpu.memref_squeeze %dma_wait3A_243 : memref<1x2x4096xf32, #tpu.memory_space<hbm>> -> memref<2x4096xf32, #tpu.memory_space<hbm>>
          %dma_wait3A_245 = arith.constant 0 : i32
          %dma_wait3A_246 = arith.constant 0 : i32
          %dma_wait3A_247 = tpu.memref_slice %arg5[%dma_wait3A_240, %dma_wait3A_245, %dma_wait3A_246] : memref<20x200x4096xf32, #tpu.memory_space<hbm>> -> memref<1x2x4096xf32, #tpu.memory_space<hbm>>
          %dma_wait3A_248 = tpu.memref_squeeze %dma_wait3A_247 : memref<1x2x4096xf32, #tpu.memory_space<hbm>> -> memref<2x4096xf32, #tpu.memory_space<hbm>>
          tpu.wait_dma2 semaphore(%arg16 : memref<!tpu.dma_semaphore, #tpu.memory_space<semaphore_mem>>) src(%arg11 : memref<2x4096xf32, #tpu.memory_space<vmem>>) dst(%dma_wait3A_248 : memref<2x4096xf32, #tpu.memory_space<hbm>>)
        } else {
        }
        %broadcast_in_dim3A = vector.broadcast %select_n3A_172 : i32 to vector<16xi32>
        %parallel_loop3A = arith.constant 0 : i32
        %parallel_loop3A_224 = arith.constant 4096 : i32
        %parallel_loop3A_225 = arith.constant 16 : i32
        scf.for %parallel_loop3A_240 = %parallel_loop3A to %parallel_loop3A_224 step %parallel_loop3A_225  : i32 {
          %parallel_loop3A_241 = arith.constant 0 : i32
          %parallel_loop3A_242 = arith.addi %parallel_loop3A_241, %parallel_loop3A_240 : i32
          %parallel_loop3A_243 = arith.index_cast %parallel_loop3A_242 : i32 to index
          %parallel_loop3A_244 = tpu.vector_load %arg9[%parallel_loop3A_243] {strides = array<i32>} : memref<8192xi32, #tpu.memory_space<vmem>>, vector<16xi32>,
          %parallel_loop3A_245 = arith.constant 1 : i32
          %parallel_loop3A_246 = vector.broadcast %parallel_loop3A_245 : i32 to vector<16xi32>
          %parallel_loop3A_247 = arith.addi %parallel_loop3A_244, %parallel_loop3A_246 : vector<16xi32>
          %parallel_loop3A_248 = tpu.vector_load_idx %arg7[%broadcast_in_dim3A, %parallel_loop3A_247] : memref<3x101xf32, #tpu.memory_space<vmem>>[vector<16xi32>, vector<16xi32>], vector<16xf32>,
          %parallel_loop3A_249 = arith.constant 0 : i32
          %parallel_loop3A_250 = arith.index_cast %parallel_loop3A_249 : i32 to index
          %parallel_loop3A_251 = arith.index_cast %parallel_loop3A_240 : i32 to index
          %parallel_loop3A_252 = tpu.vector_load %arg11[%parallel_loop3A_250, %parallel_loop3A_251] {strides = array<i32>} : memref<2x4096xf32, #tpu.memory_space<vmem>>, vector<16xf32>,
          tpu.vector_store %arg11[%parallel_loop3A_250, %parallel_loop3A_251], %parallel_loop3A_248 {strides = array<i32>} : memref<2x4096xf32, #tpu.memory_space<vmem>>, vector<16xf32>,
        } {sc.loop_unroll_factor = 16 : i64, sc.parallel_access}
        %parallel_loop3A_226 = arith.constant 0 : i32
        %parallel_loop3A_227 = arith.constant 4096 : i32
        %parallel_loop3A_228 = arith.constant 16 : i32
        scf.for %parallel_loop3A_240 = %parallel_loop3A_226 to %parallel_loop3A_227 step %parallel_loop3A_228  : i32 {
          %parallel_loop3A_241 = arith.constant 4096 : i32
          %parallel_loop3A_242 = arith.addi %parallel_loop3A_241, %parallel_loop3A_240 : i32
          %parallel_loop3A_243 = arith.index_cast %parallel_loop3A_242 : i32 to index
          %parallel_loop3A_244 = tpu.vector_load %arg9[%parallel_loop3A_243] {strides = array<i32>} : memref<8192xi32, #tpu.memory_space<vmem>>, vector<16xi32>,
          %parallel_loop3A_245 = arith.constant 1 : i32
          %parallel_loop3A_246 = vector.broadcast %parallel_loop3A_245 : i32 to vector<16xi32>
          %parallel_loop3A_247 = arith.addi %parallel_loop3A_244, %parallel_loop3A_246 : vector<16xi32>
          %parallel_loop3A_248 = tpu.vector_load_idx %arg7[%broadcast_in_dim3A, %parallel_loop3A_247] : memref<3x101xf32, #tpu.memory_space<vmem>>[vector<16xi32>, vector<16xi32>], vector<16xf32>,
          %parallel_loop3A_249 = arith.constant 1 : i32
          %parallel_loop3A_250 = arith.index_cast %parallel_loop3A_249 : i32 to index
          %parallel_loop3A_251 = arith.index_cast %parallel_loop3A_240 : i32 to index
          %parallel_loop3A_252 = tpu.vector_load %arg11[%parallel_loop3A_250, %parallel_loop3A_251] {strides = array<i32>} : memref<2x4096xf32, #tpu.memory_space<vmem>>, vector<16xf32>,
          tpu.vector_store %arg11[%parallel_loop3A_250, %parallel_loop3A_251], %parallel_loop3A_248 {strides = array<i32>} : memref<2x4096xf32, #tpu.memory_space<vmem>>, vector<16xf32>,
        } {sc.loop_unroll_factor = 16 : i64, sc.parallel_access}
        %dma_start3A = arith.constant 0 : i32
        %dma_start3A_229 = tpu.memref_slice %arg5[%add3A_198, %mul3A_215, %dma_start3A] : memref<20x200x4096xf32, #tpu.memory_space<hbm>> -> memref<1x2x4096xf32, #tpu.memory_space<hbm>>
        %dma_start3A_230 = tpu.memref_squeeze %dma_start3A_229 : memref<1x2x4096xf32, #tpu.memory_space<hbm>> -> memref<2x4096xf32, #tpu.memory_space<hbm>>
        %dma_start3A_231 = arith.constant 0 : i32
        %dma_start3A_232 = tpu.memref_slice %arg5[%add3A_198, %mul3A_215, %dma_start3A_231] : memref<20x200x4096xf32, #tpu.memory_space<hbm>> -> memref<1x2x4096xf32, #tpu.memory_space<hbm>>
        %dma_start3A_233 = tpu.memref_squeeze %dma_start3A_232 : memref<1x2x4096xf32, #tpu.memory_space<hbm>> -> memref<2x4096xf32, #tpu.memory_space<hbm>>
        tpu.enqueue_dma source(%arg11 : memref<2x4096xf32, #tpu.memory_space<vmem>>) target(%dma_start3A_233 : memref<2x4096xf32, #tpu.memory_space<hbm>>) target_semaphore(%arg16 : memref<!tpu.dma_semaphore, #tpu.memory_space<semaphore_mem>>)
        %add3A_234 = arith.constant 2 : i32
        %add3A_235 = arith.addi %add3A_141, %add3A_234 : i32
        %lt3A_236 = arith.cmpi slt, %add3A_235, %select_n3A : i32
        %convert_element_type3A_237 = arith.extui %lt3A_236 : i1 to i32
        %cond3A_238 = arith.constant 0 : i32
        %cond3A_239 = arith.cmpi ne, %convert_element_type3A_237, %cond3A_238 : i32
        scf.if %cond3A_239 {
          %add3A_240 = arith.constant 64 : i32
          %add3A_241 = arith.addi %add3A_148, %add3A_240 : i32
          %jit3A_242 = arith.constant 100 : i32
          %div3A_243 = arith.divsi %add3A_241, %jit3A_242 : i32
          %sign3A_244 = arith.constant 0 : i32
          %sign3A_245 = arith.cmpi sgt, %add3A_241, %sign3A_244 : i32
          %sign3A_246 = arith.extui %sign3A_245 : i1 to i32
          %sign3A_247 = arith.constant 0 : i32
          %sign3A_248 = arith.cmpi slt, %add3A_241, %sign3A_247 : i32
          %sign3A_249 = arith.extui %sign3A_248 : i1 to i32
          %sign3A_250 = arith.subi %sign3A_246, %sign3A_249 : i32
          %sign3A_251 = arith.constant 0 : i32
          %sign3A_252 = arith.cmpi sgt, %jit3A_242, %sign3A_251 : i32
          %sign3A_253 = arith.extui %sign3A_252 : i1 to i32
          %sign3A_254 = arith.constant 0 : i32
          %sign3A_255 = arith.cmpi slt, %jit3A_242, %sign3A_254 : i32
          %sign3A_256 = arith.extui %sign3A_255 : i1 to i32
          %sign3A_257 = arith.subi %sign3A_253, %sign3A_256 : i32
          %ne3A_258 = arith.cmpi ne, %sign3A_250, %sign3A_257 : i32
          %rem3A_259 = arith.remsi %add3A_241, %jit3A_242 : i32
          %ne3A_260 = arith.constant 0 : i32
          %ne3A_261 = arith.cmpi ne, %rem3A_259, %ne3A_260 : i32
          %and3A_262 = arith.andi %ne3A_258, %ne3A_261 : i1
          %sub3A_263 = arith.constant 1 : i32
          %sub3A_264 = arith.subi %div3A_243, %sub3A_263 : i32
          %select_n3A_265 = arith.select %and3A_262, %sub3A_264, %div3A_243 : i32
          %jit3A_266 = arith.constant 100 : i32
          %div3A_267 = arith.divsi %add3A_241, %jit3A_266 : i32
          %sign3A_268 = arith.constant 0 : i32
          %sign3A_269 = arith.cmpi sgt, %add3A_241, %sign3A_268 : i32
          %sign3A_270 = arith.extui %sign3A_269 : i1 to i32
          %sign3A_271 = arith.constant 0 : i32
          %sign3A_272 = arith.cmpi slt, %add3A_241, %sign3A_271 : i32
          %sign3A_273 = arith.extui %sign3A_272 : i1 to i32
          %sign3A_274 = arith.subi %sign3A_270, %sign3A_273 : i32
          %sign3A_275 = arith.constant 0 : i32
          %sign3A_276 = arith.cmpi sgt, %jit3A_266, %sign3A_275 : i32
          %sign3A_277 = arith.extui %sign3A_276 : i1 to i32
          %sign3A_278 = arith.constant 0 : i32
          %sign3A_279 = arith.cmpi slt, %jit3A_266, %sign3A_278 : i32
          %sign3A_280 = arith.extui %sign3A_279 : i1 to i32
          %sign3A_281 = arith.subi %sign3A_277, %sign3A_280 : i32
          %ne3A_282 = arith.cmpi ne, %sign3A_274, %sign3A_281 : i32
          %rem3A_283 = arith.remsi %add3A_241, %jit3A_266 : i32
          %ne3A_284 = arith.constant 0 : i32
          %ne3A_285 = arith.cmpi ne, %rem3A_283, %ne3A_284 : i32
          %and3A_286 = arith.andi %ne3A_282, %ne3A_285 : i1
          %sub3A_287 = arith.constant 1 : i32
          %sub3A_288 = arith.subi %div3A_267, %sub3A_287 : i32
          %select_n3A_289 = arith.select %and3A_286, %sub3A_288, %div3A_267 : i32
          %add3A_290 = arith.constant 12 : i32
          %add3A_291 = arith.addi %add3A_290, %select_n3A_289 : i32
          %jit3A_292 = arith.constant 100 : i32
          %eq3A_293 = arith.constant 0 : i32
          %eq3A_294 = arith.cmpi eq, %jit3A_292, %eq3A_293 : i32
          %jit3A_295 = arith.constant 1 : i32
          %select_n3A_296 = arith.select %eq3A_294, %jit3A_295, %jit3A_292 : i32
          %rem3A_297 = arith.remsi %add3A_241, %select_n3A_296 : i32
          %ne3A_298 = arith.constant 0 : i32
          %ne3A_299 = arith.cmpi ne, %rem3A_297, %ne3A_298 : i32
          %lt3A_300 = arith.constant 0 : i32
          %lt3A_301 = arith.cmpi slt, %rem3A_297, %lt3A_300 : i32
          %lt3A_302 = arith.constant 0 : i32
          %lt3A_303 = arith.cmpi slt, %select_n3A_296, %lt3A_302 : i32
          %ne3A_304 = arith.xori %lt3A_301, %lt3A_303 : i1
          %and3A_305 = arith.andi %ne3A_304, %ne3A_299 : i1
          %add3A_306 = arith.addi %rem3A_297, %select_n3A_296 : i32
          %select_n3A_307 = arith.select %and3A_305, %add3A_306, %rem3A_297 : i32
          %mul3A_308 = arith.constant 2 : i32
          %mul3A_309 = arith.muli %select_n3A_307, %mul3A_308 : i32
          %mul3A_310 = arith.constant 4096 : i32
          %mul3A_311 = arith.muli %mul3A_309, %mul3A_310 : i32
          %dma_start3A_312 = tpu.memref_slice %arg3[%mul3A_311] : memref<819200xi32, #tpu.memory_space<hbm>> -> memref<8192xi32, #tpu.memory_space<hbm>>
          %dma_start3A_313 = tpu.memref_slice %arg3[%mul3A_311] : memref<819200xi32, #tpu.memory_space<hbm>> -> memref<8192xi32, #tpu.memory_space<hbm>>
          tpu.enqueue_dma source(%dma_start3A_313 : memref<8192xi32, #tpu.memory_space<hbm>>) target(%arg9 : memref<8192xi32, #tpu.memory_space<vmem>>) target_semaphore(%arg14 : memref<!tpu.dma_semaphore, #tpu.memory_space<semaphore_mem>>)
        } else {
        }
      } else {
      }
    }
    %ge3A = arith.constant 1 : i32
    %ge3A_109 = arith.cmpi sge, %select_n3A, %ge3A : i32
    %convert_element_type3A_110 = arith.extui %ge3A_109 : i1 to i32
    %cond3A_111 = arith.constant 0 : i32
    %cond3A_112 = arith.cmpi ne, %convert_element_type3A_110, %cond3A_111 : i32
    scf.if %cond3A_112 {
      %dma_wait3A = arith.constant 0 : i32
      %dma_wait3A_129 = arith.constant 0 : i32
      %dma_wait3A_130 = arith.constant 0 : i32
      %dma_wait3A_131 = tpu.memref_slice %arg5[%dma_wait3A, %dma_wait3A_129, %dma_wait3A_130] : memref<20x200x4096xf32, #tpu.memory_space<hbm>> -> memref<1x2x4096xf32, #tpu.memory_space<hbm>>
      %dma_wait3A_132 = tpu.memref_squeeze %dma_wait3A_131 : memref<1x2x4096xf32, #tpu.memory_space<hbm>> -> memref<2x4096xf32, #tpu.memory_space<hbm>>
      %dma_wait3A_133 = arith.constant 0 : i32
      %dma_wait3A_134 = arith.constant 0 : i32
      %dma_wait3A_135 = tpu.memref_slice %arg5[%dma_wait3A, %dma_wait3A_133, %dma_wait3A_134] : memref<20x200x4096xf32, #tpu.memory_space<hbm>> -> memref<1x2x4096xf32, #tpu.memory_space<hbm>>
      %dma_wait3A_136 = tpu.memref_squeeze %dma_wait3A_135 : memref<1x2x4096xf32, #tpu.memory_space<hbm>> -> memref<2x4096xf32, #tpu.memory_space<hbm>>
      tpu.wait_dma2 semaphore(%arg15 : memref<!tpu.dma_semaphore, #tpu.memory_space<semaphore_mem>>) src(%arg10 : memref<2x4096xf32, #tpu.memory_space<vmem>>) dst(%dma_wait3A_136 : memref<2x4096xf32, #tpu.memory_space<hbm>>)
    } else {
    }
    %ge3A_113 = arith.constant 2 : i32
    %ge3A_114 = arith.cmpi sge, %select_n3A, %ge3A_113 : i32
    %convert_element_type3A_115 = arith.extui %ge3A_114 : i1 to i32
    %cond3A_116 = arith.constant 0 : i32
    %cond3A_117 = arith.cmpi ne, %convert_element_type3A_115, %cond3A_116 : i32
    scf.if %cond3A_117 {
      %dma_wait3A = arith.constant 0 : i32
      %dma_wait3A_129 = arith.constant 0 : i32
      %dma_wait3A_130 = arith.constant 0 : i32
      %dma_wait3A_131 = tpu.memref_slice %arg5[%dma_wait3A, %dma_wait3A_129, %dma_wait3A_130] : memref<20x200x4096xf32, #tpu.memory_space<hbm>> -> memref<1x2x4096xf32, #tpu.memory_space<hbm>>
      %dma_wait3A_132 = tpu.memref_squeeze %dma_wait3A_131 : memref<1x2x4096xf32, #tpu.memory_space<hbm>> -> memref<2x4096xf32, #tpu.memory_space<hbm>>
      %dma_wait3A_133 = arith.constant 0 : i32
      %dma_wait3A_134 = arith.constant 0 : i32
      %dma_wait3A_135 = tpu.memref_slice %arg5[%dma_wait3A, %dma_wait3A_133, %dma_wait3A_134] : memref<20x200x4096xf32, #tpu.memory_space<hbm>> -> memref<1x2x4096xf32, #tpu.memory_space<hbm>>
      %dma_wait3A_136 = tpu.memref_squeeze %dma_wait3A_135 : memref<1x2x4096xf32, #tpu.memory_space<hbm>> -> memref<2x4096xf32, #tpu.memory_space<hbm>>
      tpu.wait_dma2 semaphore(%arg16 : memref<!tpu.dma_semaphore, #tpu.memory_space<semaphore_mem>>) src(%arg11 : memref<2x4096xf32, #tpu.memory_space<vmem>>) dst(%dma_wait3A_136 : memref<2x4096xf32, #tpu.memory_space<hbm>>)
    } else {
    }
    %min3A = arith.constant 6 : i32
    %min3A_118 = arith.minsi %select_n3A_52, %min3A : i32
    %while3A_119 = arith.constant 0 : i32
    %while3A_120 = arith.constant 0 : i32
    %while3A_121 = arith.subi %min3A_118, %while3A_120 : i32
    %while3A_122 = arith.addi %while3A_120, %while3A_121 : i32
    %while3A_123 = arith.constant 1 : i32
    %while3A_124 = arith.divsi %while3A_121, %while3A_123 : i32
    %while3A_125 = arith.muli %while3A_124, %while3A_123 : i32
    %while3A_126 = arith.addi %while3A_120, %while3A_125 : i32
    %while3A_127 = arith.constant 1 : i32
    scf.for %while3A_129 = %while3A_120 to %while3A_126 step %while3A_127  : i32 {
      %dma_wait3A = arith.constant 0 : i32
      %dma_wait3A_130 = arith.constant 0 : i32
      %dma_wait3A_131 = arith.constant 0 : i32
      %dma_wait3A_132 = arith.constant 0 : i32
      %dma_wait3A_133 = tpu.memref_slice %arg5[%dma_wait3A_130, %dma_wait3A_131, %dma_wait3A_132] : memref<20x200x4096xf32, #tpu.memory_space<hbm>> -> memref<1x8x4096xf32, #tpu.memory_space<hbm>>
      %dma_wait3A_134 = tpu.memref_squeeze %dma_wait3A_133 : memref<1x8x4096xf32, #tpu.memory_space<hbm>> -> memref<8x4096xf32, #tpu.memory_space<hbm>>
      %dma_wait3A_135 = arith.constant 0 : i32
      %dma_wait3A_136 = arith.constant 0 : i32
      %dma_wait3A_137 = tpu.memref_slice %arg12[%dma_wait3A, %dma_wait3A_135, %dma_wait3A_136] : memref<12x8x4096xf32, #tpu.memory_space<vmem_shared>> -> memref<1x8x4096xf32, #tpu.memory_space<vmem_shared>>
      %dma_wait3A_138 = tpu.memref_squeeze %dma_wait3A_137 : memref<1x8x4096xf32, #tpu.memory_space<vmem_shared>> -> memref<8x4096xf32, #tpu.memory_space<vmem_shared>>
      tpu.wait_dma2 semaphore(%arg17 : memref<!tpu.dma_semaphore, #tpu.memory_space<semaphore_mem>>) src(%dma_wait3A_138 : memref<8x4096xf32, #tpu.memory_space<vmem_shared>>) dst(%dma_wait3A_134 : memref<8x4096xf32, #tpu.memory_space<hbm>>)
    }
    %while3A_128 = arith.constant 1 : i32
    scf.for %while3A_129 = %while3A_126 to %while3A_122 step %while3A_128  : i32 {
      %dma_wait3A = arith.constant 0 : i32
      %dma_wait3A_130 = arith.constant 0 : i32
      %dma_wait3A_131 = arith.constant 0 : i32
      %dma_wait3A_132 = arith.constant 0 : i32
      %dma_wait3A_133 = tpu.memref_slice %arg5[%dma_wait3A_130, %dma_wait3A_131, %dma_wait3A_132] : memref<20x200x4096xf32, #tpu.memory_space<hbm>> -> memref<1x8x4096xf32, #tpu.memory_space<hbm>>
      %dma_wait3A_134 = tpu.memref_squeeze %dma_wait3A_133 : memref<1x8x4096xf32, #tpu.memory_space<hbm>> -> memref<8x4096xf32, #tpu.memory_space<hbm>>
      %dma_wait3A_135 = arith.constant 0 : i32
      %dma_wait3A_136 = arith.constant 0 : i32
      %dma_wait3A_137 = tpu.memref_slice %arg12[%dma_wait3A, %dma_wait3A_135, %dma_wait3A_136] : memref<12x8x4096xf32, #tpu.memory_space<vmem_shared>> -> memref<1x8x4096xf32, #tpu.memory_space<vmem_shared>>
      %dma_wait3A_138 = tpu.memref_squeeze %dma_wait3A_137 : memref<1x8x4096xf32, #tpu.memory_space<vmem_shared>> -> memref<8x4096xf32, #tpu.memory_space<vmem_shared>>
      tpu.wait_dma2 semaphore(%arg17 : memref<!tpu.dma_semaphore, #tpu.memory_space<semaphore_mem>>) src(%dma_wait3A_138 : memref<8x4096xf32, #tpu.memory_space<vmem_shared>>) dst(%dma_wait3A_134 : memref<8x4096xf32, #tpu.memory_space<hbm>>)
    }
    return
  }
}

module attributes {stable_mosaic.version = 14 : i64} {
  func.func @_seqcopy_body(%arg0: i32, %arg1: i32, %arg2: memref<1x40x4096xf32, #tpu.memory_space<vmem>>, %arg3: memref<1x40x4096xf32, #tpu.memory_space<vmem>>) attributes {dimension_semantics = [#tpu.dimension_semantics<arbitrary>, #tpu.dimension_semantics<arbitrary>], iteration_bounds = array<i64: 5, 5>, scalar_prefetch = 0 : i64, scratch_operands = 0 : i64, tpu.core_type = #tpu.core_type<tc>, window_params = [{transform_indices = @transform_0, window_bounds = array<i64: 1, 40, 4096>}, {transform_indices = @transform_1, window_bounds = array<i64: 1, 40, 4096>}]} {
    %get3A = arith.constant 0 : index
    %get3A_0 = arith.constant 0 : index
    %get3A_1 = arith.constant 0 : index
    %get3A_2 = vector.load %arg2[%get3A, %get3A_0, %get3A_1] : memref<1x40x4096xf32, #tpu.memory_space<vmem>>, vector<1x40x4096xf32>
    %get3A_3 = vector.shape_cast %get3A_2 : vector<1x40x4096xf32> to vector<40x4096xf32>
    %swap3A = arith.constant 0 : index
    %swap3A_4 = arith.constant 0 : index
    %swap3A_5 = arith.constant 0 : index
    %swap3A_6 = vector.load %arg3[%swap3A, %swap3A_4, %swap3A_5] : memref<1x40x4096xf32, #tpu.memory_space<vmem>>, vector<1x40x4096xf32>
    %swap3A_7 = vector.shape_cast %swap3A_6 : vector<1x40x4096xf32> to vector<40x4096xf32>
    %swap3A_8 = vector.shape_cast %get3A_3 : vector<40x4096xf32> to vector<1x40x4096xf32>
    tpu.vector_store %arg3[%swap3A, %swap3A_4, %swap3A_5], %swap3A_8 {strides = array<i32>} : memref<1x40x4096xf32, #tpu.memory_space<vmem>>, vector<1x40x4096xf32>,
    return
  }
  func.func @transform_0(%arg0: i32, %arg1: i32) -> (i32, i32, i32) {
    %c0_i32 = arith.constant 0 : i32
    %c0_i32_0 = arith.constant 0 : i32
    return %arg0, %arg1, %c0_i32 : i32, i32, i32
  }
  func.func @transform_1(%arg0: i32, %arg1: i32) -> (i32, i32, i32) {
    %add3A = arith.constant 15 : i32
    %add3A_0 = arith.addi %add3A, %arg0 : i32
    %c0_i32 = arith.constant 0 : i32
    %c0_i32_1 = arith.constant 0 : i32
    return %add3A_0, %arg1, %c0_i32 : i32, i32, i32
  }
}

module attributes {stable_mosaic.version = 14 : i64} {
  func.func @_sdep_t_body(%arg0: memref<100x4096xf32, #tpu.memory_space<vmem>>, %arg1: memref<2x4096xi32, #tpu.memory_space<vmem>>, %arg2: memref<12x100xf32, #tpu.memory_space<vmem>>, %arg3: memref<12x7xf32, #tpu.memory_space<vmem>>, %arg4: memref<12x48xf32, #tpu.memory_space<vmem>>, %arg5: memref<12x4096xf32, #tpu.memory_space<vmem>>) attributes {dimension_semantics = [], scalar_prefetch = 0 : i64, scratch_operands = 0 : i64, tpu.core_type = #tpu.core_type<tc>} {
    %get3A = arith.constant 0 : index
    %get3A_0 = arith.constant 0 : index
    %get3A_1 = vector.load %arg0[%get3A, %get3A_0] : memref<100x4096xf32, #tpu.memory_space<vmem>>, vector<100x4096xf32>
    %get3A_2 = arith.constant 0 : index
    %get3A_3 = arith.constant 0 : index
    %get3A_4 = vector.load %arg1[%get3A_2, %get3A_3] : memref<2x4096xi32, #tpu.memory_space<vmem>>, vector<2x4096xi32>
    %get3A_5 = arith.constant 0 : index
    %get3A_6 = arith.constant 0 : index
    %get3A_7 = vector.load %arg2[%get3A_5, %get3A_6] : memref<12x100xf32, #tpu.memory_space<vmem>>, vector<12x100xf32>
    %dot_general3A = arith.constant dense<0.000000e+00> : vector<12x4096xf32>
    %dot_general3A_8 = tpu.matmul %get3A_7, %get3A_1, %dot_general3A {dimension_numbers = #tpu.dot_dimension_numbers<[1], [0], [0], [1], [0, 0, 1, 1], [], []>, precision = #tpu.contract_precision<fp32>, transpose_lhs_hint = false} : vector<12x100xf32>, vector<100x4096xf32>, vector<12x4096xf32> -> vector<12x4096xf32>
    %iota3A = tpu.iota {dimensions = array<i32: 0>} : vector<7x4096xi32>
    %slice3A = vector.extract_strided_slice %get3A_4 {offsets = [0, 0], sizes = [1, 4096], strides = [1, 1]} : vector<2x4096xi32> to vector<1x4096xi32>
    %eq3A = vector.broadcast %slice3A : vector<1x4096xi32> to vector<7x4096xi32>
    %eq3A_9 = arith.cmpi eq, %iota3A, %eq3A : vector<7x4096xi32>
    %convert_element_type3A = arith.extui %eq3A_9 : vector<7x4096xi1> to vector<7x4096xi32>
    %convert_element_type3A_10 = arith.sitofp %convert_element_type3A : vector<7x4096xi32> to vector<7x4096xf32>
    %iota3A_11 = tpu.iota {dimensions = array<i32: 0>} : vector<48x4096xi32>
    %slice3A_12 = vector.extract_strided_slice %get3A_4 {offsets = [1, 0], sizes = [1, 4096], strides = [1, 1]} : vector<2x4096xi32> to vector<1x4096xi32>
    %eq3A_13 = vector.broadcast %slice3A_12 : vector<1x4096xi32> to vector<48x4096xi32>
    %eq3A_14 = arith.cmpi eq, %iota3A_11, %eq3A_13 : vector<48x4096xi32>
    %convert_element_type3A_15 = arith.extui %eq3A_14 : vector<48x4096xi1> to vector<48x4096xi32>
    %convert_element_type3A_16 = arith.sitofp %convert_element_type3A_15 : vector<48x4096xi32> to vector<48x4096xf32>
    %get3A_17 = arith.constant 0 : index
    %get3A_18 = arith.constant 0 : index
    %get3A_19 = vector.load %arg3[%get3A_17, %get3A_18] : memref<12x7xf32, #tpu.memory_space<vmem>>, vector<12x7xf32>
    %dot_general3A_20 = arith.constant dense<0.000000e+00> : vector<12x4096xf32>
    %dot_general3A_21 = tpu.matmul %get3A_19, %convert_element_type3A_10, %dot_general3A_20 {dimension_numbers = #tpu.dot_dimension_numbers<[1], [0], [0], [1], [0, 0, 1, 1], [], []>, precision = #tpu.contract_precision<fp32>, transpose_lhs_hint = false} : vector<12x7xf32>, vector<7x4096xf32>, vector<12x4096xf32> -> vector<12x4096xf32>
    %add3A = arith.addf %dot_general3A_8, %dot_general3A_21 : vector<12x4096xf32>
    %get3A_22 = arith.constant 0 : index
    %get3A_23 = arith.constant 0 : index
    %get3A_24 = vector.load %arg4[%get3A_22, %get3A_23] : memref<12x48xf32, #tpu.memory_space<vmem>>, vector<12x48xf32>
    %dot_general3A_25 = arith.constant dense<0.000000e+00> : vector<12x4096xf32>
    %dot_general3A_26 = tpu.matmul %get3A_24, %convert_element_type3A_16, %dot_general3A_25 {dimension_numbers = #tpu.dot_dimension_numbers<[1], [0], [0], [1], [0, 0, 1, 1], [], []>, precision = #tpu.contract_precision<fp32>, transpose_lhs_hint = false} : vector<12x48xf32>, vector<48x4096xf32>, vector<12x4096xf32> -> vector<12x4096xf32>
    %add3A_27 = arith.addf %add3A, %dot_general3A_26 : vector<12x4096xf32>
    %swap3A = arith.constant 0 : index
    %swap3A_28 = arith.constant 0 : index
    %swap3A_29 = vector.load %arg5[%swap3A, %swap3A_28] : memref<12x4096xf32, #tpu.memory_space<vmem>>, vector<12x4096xf32>
    tpu.vector_store %arg5[%swap3A, %swap3A_28], %add3A_27 {strides = array<i32>} : memref<12x4096xf32, #tpu.memory_space<vmem>>, vector<12x4096xf32>,
    return
  }
}

module attributes {stable_mosaic.version = 14 : i64} {
  func.func @_score_body(%arg0: i32, %arg1: memref<1x40x4096xf32, #tpu.memory_space<vmem>>, %arg2: memref<1x40x4096xf32, #tpu.memory_space<vmem>>, %arg3: memref<1x40x4096xf32, #tpu.memory_space<vmem>>, %arg4: memref<3x40x4096xf32, #tpu.memory_space<vmem>>) attributes {dimension_semantics = [#tpu.dimension_semantics<arbitrary>], iteration_bounds = array<i64: 5>, scalar_prefetch = 0 : i64, scratch_operands = 0 : i64, tpu.core_type = #tpu.core_type<tc>, window_params = [{transform_indices = @transform_0, window_bounds = array<i64: 1, 40, 4096>}, {transform_indices = @transform_1, window_bounds = array<i64: 1, 40, 4096>}, {transform_indices = @transform_2, window_bounds = array<i64: 1, 40, 4096>}, {transform_indices = @transform_3, window_bounds = array<i64: 3, 40, 4096>}]} {
    %get3A = arith.constant 0 : index
    %get3A_0 = arith.constant 0 : index
    %get3A_1 = arith.constant 0 : index
    %get3A_2 = vector.load %arg1[%get3A, %get3A_0, %get3A_1] : memref<1x40x4096xf32, #tpu.memory_space<vmem>>, vector<1x40x4096xf32>
    %get3A_3 = vector.shape_cast %get3A_2 : vector<1x40x4096xf32> to vector<40x4096xf32>
    %add3A = arith.constant 1.000000e+00 : f32
    %add3A_4 = vector.broadcast %add3A : f32 to vector<40x4096xf32>
    %add3A_5 = arith.addf %get3A_3, %add3A_4 : vector<40x4096xf32>
    %div3A = arith.constant 1.000000e+00 : f32
    %div3A_6 = vector.broadcast %div3A : f32 to vector<40x4096xf32>
    %div3A_7 = arith.divf %div3A_6, %add3A_5 : vector<40x4096xf32>
    %swap3A = arith.constant 0 : index
    %swap3A_8 = arith.constant 0 : index
    %swap3A_9 = arith.constant 0 : index
    %swap3A_10 = vector.load %arg4[%swap3A, %swap3A_8, %swap3A_9] : memref<3x40x4096xf32, #tpu.memory_space<vmem>>, vector<1x40x4096xf32>
    %swap3A_11 = vector.shape_cast %swap3A_10 : vector<1x40x4096xf32> to vector<40x4096xf32>
    %swap3A_12 = vector.shape_cast %div3A_7 : vector<40x4096xf32> to vector<1x40x4096xf32>
    tpu.vector_store %arg4[%swap3A, %swap3A_8, %swap3A_9], %swap3A_12 {strides = array<i32>} : memref<3x40x4096xf32, #tpu.memory_space<vmem>>, vector<1x40x4096xf32>,
    %get3A_13 = arith.constant 0 : index
    %get3A_14 = arith.constant 0 : index
    %get3A_15 = arith.constant 0 : index
    %get3A_16 = vector.load %arg2[%get3A_13, %get3A_14, %get3A_15] : memref<1x40x4096xf32, #tpu.memory_space<vmem>>, vector<1x40x4096xf32>
    %get3A_17 = vector.shape_cast %get3A_16 : vector<1x40x4096xf32> to vector<40x4096xf32>
    %swap3A_18 = arith.constant 1 : index
    %swap3A_19 = arith.constant 0 : index
    %swap3A_20 = arith.constant 0 : index
    %swap3A_21 = vector.load %arg4[%swap3A_18, %swap3A_19, %swap3A_20] : memref<3x40x4096xf32, #tpu.memory_space<vmem>>, vector<1x40x4096xf32>
    %swap3A_22 = vector.shape_cast %swap3A_21 : vector<1x40x4096xf32> to vector<40x4096xf32>
    %swap3A_23 = vector.shape_cast %get3A_17 : vector<40x4096xf32> to vector<1x40x4096xf32>
    tpu.vector_store %arg4[%swap3A_18, %swap3A_19, %swap3A_20], %swap3A_23 {strides = array<i32>} : memref<3x40x4096xf32, #tpu.memory_space<vmem>>, vector<1x40x4096xf32>,
    %get3A_24 = arith.constant 0 : index
    %get3A_25 = arith.constant 0 : index
    %get3A_26 = arith.constant 0 : index
    %get3A_27 = vector.load %arg3[%get3A_24, %get3A_25, %get3A_26] : memref<1x40x4096xf32, #tpu.memory_space<vmem>>, vector<1x40x4096xf32>
    %get3A_28 = vector.shape_cast %get3A_27 : vector<1x40x4096xf32> to vector<40x4096xf32>
    %swap3A_29 = arith.constant 2 : index
    %swap3A_30 = arith.constant 0 : index
    %swap3A_31 = arith.constant 0 : index
    %swap3A_32 = vector.load %arg4[%swap3A_29, %swap3A_30, %swap3A_31] : memref<3x40x4096xf32, #tpu.memory_space<vmem>>, vector<1x40x4096xf32>
    %swap3A_33 = vector.shape_cast %swap3A_32 : vector<1x40x4096xf32> to vector<40x4096xf32>
    %swap3A_34 = vector.shape_cast %get3A_28 : vector<40x4096xf32> to vector<1x40x4096xf32>
    tpu.vector_store %arg4[%swap3A_29, %swap3A_30, %swap3A_31], %swap3A_34 {strides = array<i32>} : memref<3x40x4096xf32, #tpu.memory_space<vmem>>, vector<1x40x4096xf32>,
    return
  }
  func.func @transform_0(%arg0: i32) -> (i32, i32, i32) {
    %c2_i32 = arith.constant 2 : i32
    %c0_i32 = arith.constant 0 : i32
    %c0_i32_0 = arith.constant 0 : i32
    return %c2_i32, %arg0, %c0_i32 : i32, i32, i32
  }
  func.func @transform_1(%arg0: i32) -> (i32, i32, i32) {
    %c3_i32 = arith.constant 3 : i32
    %c0_i32 = arith.constant 0 : i32
    %c0_i32_0 = arith.constant 0 : i32
    return %c3_i32, %arg0, %c0_i32 : i32, i32, i32
  }
  func.func @transform_2(%arg0: i32) -> (i32, i32, i32) {
    %c4_i32 = arith.constant 4 : i32
    %c0_i32 = arith.constant 0 : i32
    %c0_i32_0 = arith.constant 0 : i32
    return %c4_i32, %arg0, %c0_i32 : i32, i32, i32
  }
  func.func @transform_3(%arg0: i32) -> (i32, i32, i32) {
    %c0_i32 = arith.constant 0 : i32
    %c0_i32_0 = arith.constant 0 : i32
    %c0_i32_1 = arith.constant 0 : i32
    return %c0_i32, %arg0, %c0_i32_0 : i32, i32, i32
  }
}

</mosaic_0001>

<sc_bundles>
// kernel: kernel.6.cloned.1.call-start
scs
__scs_entry_jumppad:
0x0: {  	(pc) =	sbr.rel $0x88, $3  }
0x1: {  	(tag) =	ssettag $0x0;
	lr =	simm.s32 $0x1  }
0x2: {  	[smem:$0x3F99] =	sst lr;
	_ =	strace $0xD0000000  }
0x3: {  	_ = 	snop  }
0x4: {  	_ = 	snop  }
0x5: {  	_ = 	snop  }
0x6: {  	_ = 	snop  }
0x7: {  	_ = 	snop  }
__scs_overlays_trampoline_lowered:
0x8: {  	[smem:$0x3FA8] =	sst s0  }
0x9: {  	[smem:$0x3FA9] =	sst s1  }
0xa: {  	[smem:$0x3FAA] =	sst s2  }
0xb: {  	[smem:$0x3FAB] =	sst s3  }
0xc: {  	[smem:$0x3FAC] =	sst s4  }
0xd: {  	[smem:$0x3FAD] =	sst s5  }
0xe: {  	[smem:$0x3FAE] =	sst s6  }
0xf: {  	[smem:$0x3FAF] =	sst s7  }
0x10: {  	[smem:$0x3FB0] =	sst s8  }
0x11: {  	[smem:$0x3FB1] =	sst s9;
	s0 =	simm.s32 @!p0 $0x0  }
0x12: {  	s1 =	sld [smem:$0x3F97];
	s0 =	simm.s32 @p0 $0x1  }
0x13: {  	[smem:$0x3FB2] =	sst s0;
	s0 =	simm.s32 @!p1 $0x0  }
0x14: {  	s2 =	sld [smem:$0x3F96];
	s0 =	simm.s32 @p1 $0x1  }
0x15: {  	[smem:$0x3FB3] =	sst s0;
	s0 =	simm.s32 @!p2 $0x0  }
0x16: {  	s3 =	sld [smem:$0x3FDB];
	s0 =	simm.s32 @p2 $0x1  }
0x17: {  	s4 =	simm.s32 $0x1BF5;
	[smem:$0x3FB5] =	sst s0  }
0x18: {  	s0 =	sld [smem:$0x3F98];
	_ =	swait.ge [sflag:s4], $0x0  }
0x19: {  	s7 =	sld [smem:$0x3F99]  }
0x1a: {  	s8 =	sadd.s32 $0xFFFFE003, lr  }
0x1b: {  	s9 =	sadd.s32 $0xFFFFFEF7, lr;
	s5 =	simm.s32 $0xFFFFFFFF;
	p2 =	slt.u32 s8, $0xFFFFF086  }
0x1c: {  	p1 =	slt.u32 s9, $0xF7A;
	s5 =	simm.s32 @!p2 $0x0  }
0x1d: {  	s5 =	simm.s32 @p1 $0x1;
	p0 =	seq.s32 s7, s2  }
0x1e: {  	s7 =	smul.u32 @!p0 $0xF7A, s2;
	p2 =	seq.s32 @!p0 s5, $0x0  }
0x1f: {  	s9 =	smul.u32 $0xF7A, s1;
	s8 =	simm.s32 @!p0 $0x1BF5;
	p2 =	por !p2, p0  }
0x20: {  	[sflag:s8] =	ssyncset.s32 @!p0 $0xFFFFF086;
	s6 =	sadd.s32 @!p0 s3, s7;
	s7 =	simm.s32 @!p0 $0x108  }
0x21: {  	s3 =	sadd.s32 s3, s9;
	s6 =	sadd.s32 @!p0 $0x88, s6;
	s7 =	simm.s32 @p2 $0x1082  }
0x22: {  	[simem:s7], [sflag:s8] =	dma.local @!p0 [hbm:s6], $0xF7A  }
0x23: {  	s9 =	sor.u32 $0xD0000000, s2;
	s6 =	simm.s32 $0x108;
	_ =	swait.ge @!p0 [sflag:s8], $0x0  }
0x24: {  	s3 =	sadd.s32 $0x88, s3;
	s6 =	simm.s32 @!p1 $0x1082;
	[sflag:s4] =	ssyncset.s32 $0xFFFFF086  }
0x25: {  	[simem:s6], [sflag:s4] =	dma.local [hbm:s3], $0xF7A  }
0x26: {  	[smem:$0x3F99] =	sst s1;
	(tag) =	ssettag s2;
	_ =	strace s9  }
0x27: {  	s1 =	sld [smem:$0x3FA9]  }
0x28: {  	s2 =	sld [smem:$0x3FAA]  }
0x29: {  	s4 =	sld [smem:$0x3FAC]  }
0x2a: {  	p0 =	seq.s32 s5, $0x0;
	s5 =	sld [smem:$0x3FAD]  }
0x2b: {  	s6 =	sld [smem:$0x3FAE]  }
0x2c: {  	s7 =	sld [smem:$0x3FAF]  }
0x2d: {  	s3 =	simm.s32 $0x108;
	s8 =	sld [smem:$0x3FB0]  }
0x2e: {  	s3 =	simm.s32 @!p0 $0x1082;
	s9 =	sld [smem:$0x3FB1]  }
0x2f: {  	lr =	sadd.s32 s0, s3;
	s0 =	sld [smem:$0x3FA8]  }
0x30: {  	s3 =	sld [smem:$0x3FAB]  }
0x31: {  	[smem:$0x3FB4] =	sst s10  }
0x32: {  	s10 =	sld [smem:$0x3FB2];
	_ =	sdelay $0x3  }
0x33: {  	p0 =	seq.s32 s10, $0x1;
	s10 =	sld [smem:$0x3FB4];
	_ =	sdelay $0x3  }
0x34: {  	[smem:$0x3FB4] =	sst s10  }
0x35: {  	s10 =	sld [smem:$0x3FB3];
	_ =	sdelay $0x3  }
0x36: {  	p1 =	seq.s32 s10, $0x1;
	s10 =	sld [smem:$0x3FB4];
	_ =	sdelay $0x3  }
0x37: {  	[smem:$0x3FB4] =	sst s10  }
0x38: {  	s10 =	sld [smem:$0x3FB5]  }
0x39: {  	_ = 	snop;
	(pc) =	sbr.ind lr, $3  }
0x3a: {  	_ = 	snop  }
0x3b: {  	_ = 	snop  }
0x3c: {  	p2 =	seq.s32 s10, $0x1;
	s10 =	sld [smem:$0x3FB4]  }
0x3d: {  	_ =	shalt  }
0x3e: {  	_ =	shalt  }
0x3f: {  	_ =	shalt  }
0x40: {  	_ =	shalt  }
0x41: {  	_ =	shalt  }
0x42: {  	_ =	shalt  }
0x43: {  	_ =	shalt  }
0x44: {  	_ =	shalt  }
0x45: {  	_ =	shalt  }
0x46: {  	_ =	shalt  }
0x47: {  	_ =	shalt  }
0x48: {  	_ =	shalt  }
0x49: {  	_ =	shalt  }
0x4a: {  	_ =	shalt  }
0x4b: {  	_ =	shalt  }
0x4c: {  	_ =	shalt  }
0x4d: {  	_ =	shalt  }
0x4e: {  	_ =	shalt  }
0x4f: {  	_ =	shalt  }
0x50: {  	_ =	shalt  }
0x51: {  	_ =	shalt  }
0x52: {  	_ =	shalt  }
0x53: {  	_ =	shalt  }
0x54: {  	_ =	shalt  }
0x55: {  	_ =	shalt  }
0x56: {  	_ =	shalt  }
0x57: {  	_ =	shalt  }
0x58: {  	_ =	shalt  }
0x59: {  	_ =	shalt  }
0x5a: {  	_ =	shalt  }
0x5b: {  	_ =	shalt  }
0x5c: {  	_ =	shalt  }
0x5d: {  	_ =	shalt  }
0x5e: {  	_ =	shalt  }
0x5f: {  	_ =	shalt  }
0x60: {  	_ =	shalt  }
0x61: {  	_ =	shalt  }
0x62: {  	_ =	shalt  }
0x63: {  	_ =	shalt  }
0x64: {  	_ =	shalt  }
0x65: {  	_ =	shalt  }
0x66: {  	_ =	shalt  }
0x67: {  	_ =	shalt  }
0x68: {  	_ =	shalt  }
0x69: {  	_ =	shalt  }
0x6a: {  	_ =	shalt  }
0x6b: {  	_ =	shalt  }
0x6c: {  	_ =	shalt  }
0x6d: {  	_ =	shalt  }
0x6e: {  	_ =	shalt  }
0x6f: {  	_ =	shalt  }
0x70: {  	_ =	shalt  }
0x71: {  	_ =	shalt  }
0x72: {  	_ =	shalt  }
0x73: {  	_ =	shalt  }
0x74: {  	_ =	shalt  }
0x75: {  	_ =	shalt  }
0x76: {  	_ =	shalt  }
0x77: {  	_ =	shalt  }
0x78: {  	_ =	shalt  }
0x79: {  	_ =	shalt  }
0x7a: {  	_ =	shalt  }
0x7b: {  	_ =	shalt  }
0x7c: {  	_ =	shalt  }
0x7d: {  	_ =	shalt  }
0x7e: {  	_ =	shalt  }
0x7f: {  	_ =	shalt  }
0x80: {  	_ =	shalt  }
0x81: {  	_ =	shalt  }
0x82: {  	_ =	shalt  }
0x83: {  	_ =	shalt  }
0x84: {  	_ =	shalt  }
0x85: {  	_ =	shalt  }
0x86: {  	_ =	shalt  }
0x87: {  	_ =	shalt  }
.Lfunc_end0:
.L_simem_size_0:
called_computation_lowered:
.L_overlay_start_0:
0x88: {  	s2 =	sld [smem:$0x3FD9]  }
0x89: {  	s3 =	sld [smem:$0x3FFE];
	_ =	sdelay $0x1  }
0x8a: {  	s1 =	srdreg.scid  }
0x8b: {  	s0 =	sand.u32 $0x1, s1  }
0x8c: {  	s15 =	sshll.u32 s0, $0xA;
	s2 =	sadd.s32 s3, s2  }
0x8d: {  	s2 =	sadd.s32 s2, s15  }
0x8e: {  	[smem:$0x3FC0] =	sst s2  }
0x8f: {  	_ = 	snop  }
0x90: {  	s2 =	sld [smem:$0x3FD0];
	_ =	sdelay $0x1  }
0x91: {  	s16 =	sld [smem:$0x3FC7]  }
0x92: {  	s5 =	simm.s32 $0xA;
	s6 =	simm.s32 $0x10;
	s4 =	sld [smem:$0x3FC2]  }
0x93: {  	[smem:s6], [sflag:s5] =	dma.local [hbm:s2], $0x1  }
0x94: {  	_ =	swait.eq [sflag:s5], $0x1  }
0x95: {  	[sflag:s5] =	ssyncset.done $0x0  }
0x96: {  	s17 =	sld [smem:$0x10];
	[sflag:s5] =	ssyncadd.s32 $0xFFFFFFFF  }
0x97: {  	s18 =	sld [smem:$0x11];
	(tm) =	ssettm $0x1  }
0x98: {  	s19 =	sld [smem:$0x3FFB];
	_ =	sdelay $0x3  }
0x99: {  	_ =	strace s19  }
0x9a: {  	s6 =	sld [smem:$0x3FFC];
	_ =	sdelay $0x3  }
0x9b: {  	_ =	strace s6  }
0x9c: {  	s6 =	sld [smem:$0x3FFD];
	_ =	sdelay $0x3  }
0x9d: {  	_ =	strace s6  }
0x9e: {  	_ =	strace $0x8FFFFFFF  }
0x9f: {  	s20 =	sld [smem:$0x3FDB];
	_ =	sdelay $0x1  }
0xa0: {  	s7 =	simm.s32 $_scs_section_size  }
0xa1: {  	s8 =	simm.s32 $_size__tile_overlayer_lowered;
	s9 =	simm.s32 $_tile_overlayer_lowered  }
0xa2: {  	s23 =	simm.s32 $0x1BFF;
	s22 =	sshll.u32 s9, $0x1;
	s6 =	sadd.s32 s7, s20  }
0xa3: {  	s10 =	simm.s32 $0x0;
	s21 =	sshll.u32 s8, $0x1;
	s8 =	sadd.s32 s22, s6  }
0xa4: {  	[timem:s10], [sflag:s23] =	dma.local [hbm:s8], s21  }
0xa5: {  	_ =	swait.ge [sflag:s23], s21  }
0xa6: {  	s7 =	ssub.s32 $0x0, s21;
	[sflag:s23] =	ssyncset.done $0x0  }
0xa7: {  	[sflag:s23] =	ssyncadd.s32 s7;
	_ =	sdelay $0x1  }
0xa8: {  	s24 =	simm.s32 $0x1B8B  }
0xa9: {  	_ =	swait.ge [sflag:s24], $0x1  }
0xaa: {  	[sflag:s24] =	ssyncset.done $0x0  }
0xab: {  	s25 =	simm.s32 $0x1B8E;
	[sflag:s24] =	ssyncadd.s32 $0xFFFFFFFF  }
0xac: {  	s26 =	simm.s32 $execute0_lowered;
	[smem:$0x3FD2] =	sst s25  }
0xad: {  	s7 =	sshll.u32 s26, $0x1;
	_ =	strace $0x80000046;
	[dreg:$0x1] =	wrdreg $0xFFFFFFFF  }
0xae: {  	s28 =	simm.s32 $_size_execute0_lowered;
	s6 =	sadd.s32 s6, s7;
	[dreg:$0x0] =	wrdreg $0x0  }
0xaf: {  	s7 =	sshll.u32 s28, $0x1;
	[dreg:$0x2] =	wrdreg s6  }
0xb0: {  	[dreg:$0x3] =	wrdreg s7  }
0xb1: {  	[dreg:$0x4] =	wrdreg $0xC0  }
0xb2: {  	_ =	task [dreg:s10], $0x5FFFF  }
0xb3: {  	[dreg:$0x1] =	wrdreg $0xFFFFFFFF  }
0xb4: {  	[dreg:$0x0] =	wrdreg $0x60  }
0xb5: {  	[dreg:$0x2] =	wrdreg s17  }
0xb6: {  	[dreg:$0x3] =	wrdreg s16  }
0xb7: {  	[dreg:$0x4] =	wrdreg s4  }
0xb8: {  	[dreg:$0x5] =	wrdreg s18  }
0xb9: {  	[dreg:$0x6] =	wrdreg $0x82000  }
0xba: {  	[dreg:$0x7] =	wrdreg $0x9  }
0xbb: {  	_ =	task.clear_ibuf [dreg:s10], $0x8FFFF;
	_ =	strace $0x90000046  }
0xbc: {  	s29 =	simm.s32 $0x9;
	_ =	strace $0x80000048  }
0xbd: {  	_ =	swait.ge [sflag:s29], $0x1  }
0xbe: {  	[sflag:s29] =	ssyncadd.s32 $0xFFFFFFFF  }
0xbf: {  	_ =	strace $0x90000048  }
0xc0: {  	_ =	sfence  }
0xc1: {  	s30 =	sld [smem:$0x0];
	_ =	sdelay $0x2  }
0xc2: {  	s31 =	sshll.u32 s1, $0xD;
	s1 =	sshrl.u32 s1, $0x2  }
0xc3: {  	s3 =	sand.u32 $0x4000, s31;
	s1 =	sadd.s32 s1, s30  }
0xc4: {  	s0 =	sor.u32 s3, s0;
	s1 =	sshll.u32 s1, $0x11  }
0xc5: {  	s0 =	sor.u32 s1, s0  }
0xc6: {  	s0 =	sadd.s32 $0x8F2B, s0  }
0xc7: {  	[sflag:s0] =	ssyncadd.remote.s32 $0x1  }
0xc8: {  	_ =	sfence.sel $0xFFFF  }
0xc9: {  	[dreg:$0x0] =	wrdreg $0xFFFFFFFF;
	(pc) =	sbr.abs _section_cstart, $3  }
0xca: {  	[dreg:$0x1] =	wrdreg $0xFFFFFFFF  }
0xcb: {  	_ =	task.clear_ibuf [dreg:s10], $0x2FFFF;
	_ =	strace $0x9FFFFFFF  }
0xcc: {  	(tm) =	ssettm $0x7FFFFFFF  }
0xcd: {  	_ =	shalt  }
tec
execute0_lowered:
.L_overlay_start_1:
0x0: {  	(tag) =	ssettag $0x1  }
0x1: {  	s0 =	rddreg [dreg:$0x0]  }
0x2: {  	s1 =	rddreg [dreg:$0x1]  }
0x3: {  	s3 =	rddreg [dreg:$0x3]  }
0x4: {  	s5 =	rddreg [dreg:$0x4]  }
0x5: {  	s2 =	srdreg.scid;
	s6 =	simm.s32 $0x0;
	s17 =	stileid.u32  }
0x6: {  	s28 =	simm.s32 $0x1;
	s29 =	simm.s32 $0x100;
	s30 =	simm.s32 $0x400  }
0x7: {  	s31 =	simm.s32 $0x4200;
	s2 =	sand.u32 $0x1, s2;
	[smem:$0x7FF] =	sst s6  }
0x8: {  	s7 =	sshll.u32 s17, $0x1;
	s24 =	sshll.u32 s17, $0x4;
	s25 =	sshll.u32 s17, $0x9  }
0x9: {  	s10 =	sshll.u32 s17, $0xF;
	p0 =	sgt.u32 s17, $0xB;
	s4 =	ssub.s32 $0x2, s2  }
0xa: {  	_ =	strace $0x80000047;
	s7 =	sor.u32 s2, s7;
	s10 =	sadd.s32 s10, s5  }
0xb: {  	s8 =	sshrl.u32 s4, $0x1;
	s23 =	ssub.s32 $0x14B, s7;
	s9 =	sshll.u32 s7, $0xA  }
0xc: {  	s14 =	sadd.s32 $0x200, s10;
	s15 =	sadd.s32 $0x280, s10;
	s16 =	sadd.s32 $0x300, s10  }
0xd: {  	s18 =	sadd.s32 $0x380, s10;
	s22 =	ssub.s32 s4, s8;
	s8 =	sshrl.u32 s23, $0x5  }
0xe: {  	s11 =	sadd.s32 s1, s9;
	s4 =	sand.u32 $0x70, s24;
	s9 =	sand.u32 $0x1000, s25  }
0xf: {  	s0 =	sadd.s32 s0, s4;
	[dreg:$0x6] =	wrdreg s11;
	s26 =	sadd.s32 $0x8000, s11  }
0x10: {  	s4 =	sadd.s32 $0x100, s10;
	s2 =	smax.u32 s22, $0x1;
	[dreg:$0x7] =	wrdreg s26  }
0x11: {  	s11 =	sadd.s32 s9, s0;
	[dreg:$0x8] =	wrdreg s2;
	s2 =	sshll.u32 @!p0 s17, $0x6  }
0x12: {  	s0 =	sadd.s32 $0x80, s10;
	s17 =	sor.u32 @!p0 $0x1C05, s2;
	s2 =	sshrl.u32 @!p0 s10, $0x3  }
0x13: {  	s12 =	sadd.s32 $0xFFFFFFFE, s8;
	s0 =	sshrl.u32 @!p0 s0, $0x3;
	[dreg:$0x9] =	wrdreg s2  }
0x14: {  	s9 =	sadd.s32 $0x180, s10;
	[dreg:$0xa] =	wrdreg s0;
	s0 =	sshrl.u32 @!p0 s4, $0x3  }
0x15: {  	s13 =	sadd.s32 $0xFFFFFFFD, s8;
	[dreg:$0xb] =	wrdreg s0;
	s0 =	sshrl.u32 @!p0 s9, $0x3  }
.Ltmp0:
0x16: {  	[dreg:$0xc] =	wrdreg s0;
	s0 =	sshrl.u32 @!p0 s14, $0x3;
	(pc) =	sbr.rel .LBB2_1-.Ltmp0, $4  }
0x17: {  	s26 =	simm.s32 $0x4;
	[dreg:$0xd] =	wrdreg s0;
	s0 =	sshrl.u32 @!p0 s15, $0x3  }
0x18: {  	s10 =	simm.s32 $0x0;
	[dreg:$0xe] =	wrdreg s0;
	s0 =	sshrl.u32 @!p0 s16, $0x3  }
0x19: {  	s2 =	simm.s32 $0x6200;
	[dreg:$0xf] =	wrdreg s0;
	s0 =	sshrl.u32 @!p0 s18, $0x3  }
0x1a: {  	s4 =	simm.s32 $0x5;
	[dreg:$0x10] =	wrdreg s0;
	s0 =	simm.s32 $0x2  }
.LBB2_16:
0x1b: {  	s9 =	simm.s32 $0x3  }
0x1c: {  	_ =	swait.ge [sflag:s9], $0x2000  }
0x1d: {  	[sflag:s9] =	ssyncset.done $0x0  }
0x1e: {  	[sflag:s9] =	ssyncadd.s32 $0xFFFFE000  }
0x1f: {  	_ =	swait.ge [sflag:s26], $0x2000  }
0x20: {  	[sflag:s26] =	ssyncset.done $0x0  }
0x21: {  	[sflag:s26] =	ssyncadd.s32 $0xFFFFE000  }
0x22: {  	_ =	swait.ge [sflag:s4], $0x1000  }
0x23: {  	[sflag:s4] =	ssyncset.done $0x0  }
0x24: {  	[sflag:s4] =	ssyncadd.s32 $0xFFFFF000  }
0x25: {  	_ =	swait.ge [sflag:s4], $0x1000  }
0x26: {  	[sflag:s4] =	ssyncset.done $0x0  }
0x27: {  	[sflag:s4] =	ssyncadd.s32 $0xFFFFF000  }
0x28: {  	_ =	swait.ge [sflag:s4], $0x1000  }
0x29: {  	[sflag:s4] =	ssyncset.done $0x0  }
0x2a: {  	[sflag:s4] =	ssyncadd.s32 $0xFFFFF000  }
0x2b: {  	_ =	swait.ge [sflag:s4], $0x1000  }
0x2c: {  	[sflag:s4] =	ssyncset.done $0x0  }
0x2d: {  	[sflag:s4] =	ssyncadd.s32 $0xFFFFF000  }
0x2e: {  	_ =	swait.ge [sflag:s4], $0x1000  }
0x2f: {  	[sflag:s4] =	ssyncset.done $0x0  }
0x30: {  	[sflag:s4] =	ssyncadd.s32 $0xFFFFF000  }
0x31: {  	_ =	swait.ge [sflag:s4], $0x1000  }
0x32: {  	s10 =	sadd.s32 $0x1, s10;
	s25 =	rddreg [dreg:$0x8]  }
0x33: {  	p1 =	sne.s32 s10, s25  }
.Ltmp1:
0x34: {  	_ = 	snop;
	(pc) =	sbr.rel @!p1 .LBB2_17-.Ltmp1, $3  }
0x35: {  	_ =	sdelay $0x1  }
0x36: {  	[sflag:s4] =	ssyncset.done $0x0  }
0x37: {  	[sflag:s4] =	ssyncadd.s32 $0xFFFFF000  }
.LBB2_1:
0x38: {  	s9 =	rddreg [dreg:$0x2];
	s18 =	simm.s32 $0x6  }
0x39: {  	[tilespmem:s6], [sflag:$0x6] =	stream.linear.gather [hbm4b:s9+s6], $0x180, $0x38;
	[tilespmem:$0xE200] =	vst v63  }
0x3a: {  	_ =	swait.ge [sflag:s18], $0x180  }
0x3b: {  	s14 =	simm.s32 $0x200;
	[sflag:s18] =	ssyncset.done $0x0;
	s19 =	rddreg [dreg:$0x6]  }
0x3c: {  	s21 =	simm.s32 $0x2200;
	s20 =	rddreg [dreg:$0x7];
	[sflag:s18] =	ssyncadd.s32 $0xFFFFFE80  }
0x3d: {  	[tilespmem:s14], [sflag:$0x1] =	stream.linear.gather [hbm4b:s19+s6], $0x2000, $0x38;
	[tilespmem:$0xE200] =	vst v63  }
0x3e: {  	s9 =	simm.s32 @!p0 $0x1;
	s15 =	rddreg [dreg:$0x9];
	s14 =	simm.s32 @!p0 $0x80  }
0x3f: {  	[tilespmem:s21], [sflag:$0x2] =	stream.linear.gather [hbm4b:s20+s6], $0x2000, $0x38;
	[tilespmem:$0xE200] =	vst v63  }
0x40: {  	[spmem:s15@s14], [sflag:s17] =	dma.strided @!p0 [hbm:s11@s14], $0x200, s9, $0x10   }
0x41: {  	s15 =	rddreg [dreg:$0xa]  }
0x42: {  	[spmem:s15@s14], [sflag:s17] =	dma.strided @!p0 [hbm:s11@s14], $0x200, s9, $0x10   }
0x43: {  	s15 =	rddreg [dreg:$0xb]  }
0x44: {  	[spmem:s15@s14], [sflag:s17] =	dma.strided @!p0 [hbm:s11@s14], $0x200, s9, $0x10   }
0x45: {  	s15 =	rddreg [dreg:$0xc]  }
0x46: {  	[spmem:s15@s14], [sflag:s17] =	dma.strided @!p0 [hbm:s11@s14], $0x200, s9, $0x10   }
0x47: {  	s15 =	rddreg [dreg:$0xd]  }
0x48: {  	[spmem:s15@s14], [sflag:s17] =	dma.strided @!p0 [hbm:s11@s14], $0x200, s9, $0x10   }
0x49: {  	s15 =	rddreg [dreg:$0xe]  }
0x4a: {  	[spmem:s15@s14], [sflag:s17] =	dma.strided @!p0 [hbm:s11@s14], $0x200, s9, $0x10   }
0x4b: {  	s15 =	rddreg [dreg:$0xf]  }
0x4c: {  	[spmem:s15@s14], [sflag:s17] =	dma.strided @!p0 [hbm:s11@s14], $0x200, s9, $0x10   }
0x4d: {  	s15 =	rddreg [dreg:$0x10]  }
0x4e: {  	[spmem:s15@s14], [sflag:s17] =	dma.strided @!p0 [hbm:s11@s14], $0x200, s9, $0x10   }
0x4f: {  	s9 =	simm.s32 @!p0 $0x5  }
0x50: {  	_ =	swait.ge @!p0 [sflag:s9], $0x200  }
0x51: {  	[sflag:s9] =	ssyncset.done @!p0 $0x0  }
0x52: {  	[sflag:s9] =	ssyncadd.s32 @!p0 $0xFFFFFE00  }
0x53: {  	_ =	swait.ge @!p0 [sflag:s9], $0x200  }
0x54: {  	[sflag:s9] =	ssyncset.done @!p0 $0x0  }
0x55: {  	[sflag:s9] =	ssyncadd.s32 @!p0 $0xFFFFFE00  }
0x56: {  	_ =	swait.ge @!p0 [sflag:s9], $0x200  }
0x57: {  	[sflag:s9] =	ssyncset.done @!p0 $0x0  }
0x58: {  	[sflag:s9] =	ssyncadd.s32 @!p0 $0xFFFFFE00  }
0x59: {  	_ =	swait.ge @!p0 [sflag:s9], $0x200  }
0x5a: {  	[sflag:s9] =	ssyncset.done @!p0 $0x0  }
0x5b: {  	[sflag:s9] =	ssyncadd.s32 @!p0 $0xFFFFFE00  }
0x5c: {  	_ =	swait.ge @!p0 [sflag:s9], $0x200  }
0x5d: {  	[sflag:s9] =	ssyncset.done @!p0 $0x0  }
0x5e: {  	[sflag:s9] =	ssyncadd.s32 @!p0 $0xFFFFFE00  }
0x5f: {  	_ =	swait.ge @!p0 [sflag:s9], $0x200  }
0x60: {  	[sflag:s9] =	ssyncset.done @!p0 $0x0  }
0x61: {  	s22 =	smulhi.u32 $0x51EB851F, s7;
	[sflag:s9] =	ssyncadd.s32 @!p0 $0xFFFFFE00  }
0x62: {  	s23 =	sshra.s32 s7, $0x1F;
	p1 =	por $0x1, $0x1;
	_ =	swait.ge @!p0 [sflag:s9], $0x200  }
0x63: {  	s16 =	simm.s32 $0x1;
	p2 =	sne.s32 s8, $0x1;
	[sflag:s9] =	ssyncset.done @!p0 $0x0  }
0x64: {  	s25 =	stileid.u32;
	s15 =	smul.u32 $0x51EB851F, s23;
	[sflag:s9] =	ssyncadd.s32 @!p0 $0xFFFFFE00  }
.Ltmp2:
0x65: {  	s18 =	sadd.s32 $0x20, s7;
	_ =	swait.ge @!p0 [sflag:s9], $0x200;
	(pc) =	sbr.rel @!p2 .LBB2_2-.Ltmp2, $4  }
0x66: {  	s20 =	smov.u32 s7;
	s24 =	sadd.s32 s15, s22;
	[sflag:s9] =	ssyncset.done @!p0 $0x0  }
0x67: {  	s14 =	sshrl.u32 s24, $0x1F;
	s15 =	sshra.s32 s24, $0x3;
	[sflag:s9] =	ssyncadd.s32 @!p0 $0xFFFFFE00  }
0x68: {  	s15 =	sadd.s32 s14, s15;
	s9 =	simm.s32 @!p1 $0x5;
	[bflag:$0x0] =	sbarrier.arrive $0xFFFF  }
0x69: {  	s14 =	sshll.u32 s25, $0x6;
	s19 =	smul.u32 $0xFFFFFFE7, s15;
	_ =	swait.ge @!p1 [sflag:s9], $0x1000  }
.LBB2_3:
0x6a: {  	s21 =	smulhi.u32 $0x51EB851F, s18;
	s22 =	sshra.s32 s18, $0x1F  }
0x6b: {  	s19 =	sadd.s32 s20, s19;
	p2 =	por p1, p1;
	p3 =	slt.s32 s20, $0x1  }
0x6c: {  	p1 =	slt.u32 s16, $0x6;
	s22 =	smul.u32 $0x51EB851F, s22;
	p4 =	sne.s32 s19, $0x0  }
0x6d: {  	s20 =	sor.u32 $0x1C05, s14;
	s24 =	simm.s32 $0x1;
	p3 =	por !p3, !p4  }
0x6e: {  	s21 =	sadd.s32 s22, s21;
	s22 =	simm.s32 @!p1 $0x5;
	p3 =	por !p3, !p3  }
0x6f: {  	s23 =	sshrl.u32 s21, $0x1F;
	s21 =	sshra.s32 s21, $0x3;
	s24 =	simm.s32 @!p3 $0x0  }
0x70: {  	p4 =	slt.s32 s19, $0x0;
	s15 =	ssub.s32 s15, s24;
	s24 =	sshll.u32 s19, $0xF  }
0x71: {  	s16 =	sadd.s32 $0x1, s16;
	s19 =	smul.u32 $0xC8000, s15;
	s25 =	sadd.s32 $0xC8000, s24  }
0x72: {  	p3 =	sne.s32 s8, s16;
	s24 =	smov.u32 @p4 s25;
	s25 =	sshll.u32 s15, $0x11  }
0x73: {  	s15 =	sadd.s32 s23, s21;
	s19 =	sadd.s32 s24, s19;
	s21 =	sshra.s32 s25, $0x2  }
0x74: {  	[sflag:s9] =	ssyncset.done @!p2 $0x0  }
.Ltmp3:
0x75: {  	s19 =	sshrl.u32 s19, $0x3;
	s21 =	sadd.s32 s21, s5;
	(pc) =	sbr.rel @p3 .LBB2_3-.Ltmp3, $4  }
0x76: {  	[sflag:s9] =	ssyncadd.s32 @!p2 $0xFFFFF000;
	s9 =	sadd.s32 s3, s19;
	s19 =	sshrl.u32 s21, $0x3  }
0x77: {  	[hbm:s9], [sflag:s20] =	dma.local [spmem:s19], $0x1000  }
0x78: {  	s19 =	smul.u32 $0xFFFFFFE7, s15;
	s9 =	smov.u32 s22;
	_ =	swait.ge @!p1 [sflag:s22], $0x1000  }
0x79: {  	s20 =	smov.u32 s18;
	s18 =	sadd.s32 $0x20, s18  }
.LBB2_4:
0x7a: {  	s16 =	sadd.s32 s20, s19  }
0x7b: {  	p2 =	slt.s32 s20, $0x1;
	p3 =	sne.s32 s16, $0x0  }
0x7c: {  	p2 =	por !p2, !p3  }
0x7d: {  	s18 =	simm.s32 $0x1;
	p2 =	por !p2, !p2  }
0x7e: {  	s18 =	simm.s32 @!p2 $0x0  }
0x7f: {  	p1 =	por p1, p1;
	s15 =	ssub.s32 s15, s18;
	s18 =	sshll.u32 s16, $0xF  }
0x80: {  	p2 =	slt.s32 s16, $0x0;
	s24 =	smul.u32 $0xC8000, s15;
	s19 =	sadd.s32 $0xC8000, s18  }
0x81: {  	s14 =	sor.u32 $0x1C05, s14;
	s15 =	sshll.u32 s15, $0x11;
	s18 =	smov.u32 @p2 s19  }
.Ltmp4:
0x82: {  	s15 =	sshra.s32 s15, $0x2;
	s16 =	sadd.s32 s18, s24;
	(pc) =	sbr.rel .LBB2_5-.Ltmp4, $4  }
0x83: {  	[sflag:s9] =	ssyncset.done @!p1 $0x0;
	s15 =	sadd.s32 s15, s5;
	s16 =	sshrl.u32 s16, $0x3  }
0x84: {  	[sflag:s9] =	ssyncadd.s32 @!p1 $0xFFFFF000;
	s15 =	sshrl.u32 s15, $0x3;
	s25 =	sadd.s32 s3, s16  }
0x85: {  	[hbm:s25], [sflag:s14] =	dma.local [spmem:s15], $0x1000  }
0x86: {  	s14 =	simm.s32 $0x0  }
.LBB2_15:
0x87: {  	s14 =	sadd.s32 $0x1, s14  }
0x88: {  	p1 =	sne.s32 s14, $0x5  }
.Ltmp5:
0x89: {  	_ = 	snop;
	(pc) =	sbr.rel @!p1 .LBB2_16-.Ltmp5, $1  }
0x8a: {  	_ =	sdelay $0x3  }
.LBB2_5:
0x8b: {  	_ =	swait.ge [sflag:s28], $0x2000  }
0x8c: {  	p1 =	seq.s32 s14, $0x0;
	[sflag:s28] =	ssyncset.done $0x0  }
0x8d: {  	s9 =	simm.s32 @!p1 $0x3;
	[sflag:s28] =	ssyncadd.s32 $0xFFFFE000  }
0x8e: {  	_ =	swait.ge @!p1 [sflag:s9], $0x2000  }
0x8f: {  	[sflag:s9] =	ssyncset.done @!p1 $0x0  }
0x90: {  	s24 =	simm.s32 $0x280;
	[sflag:s9] =	ssyncadd.s32 @!p1 $0xFFFFE000  }
0x91: {  	v1 =	vld [tilespmem:s24+$0x70]  }
0x92: {  	v2 =	vld [tilespmem:s24+$0xFFFFFF90]  }
0x93: {  	v3 =	vld [tilespmem:s24+$0xFFFFFFA0]  }
0x94: {  	v4 =	vld [tilespmem:s24+$0xFFFFFFB0]  }
0x95: {  	v5 =	vld [tilespmem:s24+$0xFFFFFFC0]  }
0x96: {  	v6 =	vld [tilespmem:s24+$0xFFFFFFD0]  }
0x97: {  	v7 =	vld [tilespmem:s24+$0xFFFFFFE0]  }
0x98: {  	s15 =	sshll.u32 s14, $0x6;
	v9 =	vld [tilespmem:s24+$0xFFFFFFF0]  }
0x99: {  	s19 =	sor.u32 s7, s15;
	v11 =	vld [tilespmem:s24+$0x0]  }
0x9a: {  	s15 =	smulhi.u32 $0x51EB851F, s19;
	v13 =	vld [tilespmem:s24+$0x10]  }
0x9b: {  	v14 =	vld [tilespmem:s24+$0x20]  }
0x9c: {  	s20 =	sshrl.u32 s15, $0x5;
	v17 =	vld [tilespmem:s24+$0x30]  }
0x9d: {  	v0 =	vmov s20;
	v19 =	vld [tilespmem:s24+$0x40]  }
0x9e: {  	v0 =	vshll.u32 v0, $0x7;
	v21 =	vld [tilespmem:s24+$0x50]  }
0x9f: {  	v24 =	vld [tilespmem:s24+$0x60];
	v0 =	vbroadcast v0, $0x0  }
0xa0: {  	v25 =	vld [tilespmem:s24+$0xFFFFFF80];
	v1 =	vadd.s32 $0x1, v1;
	v2 =	vadd.s32 $0x1, v2;
	v3 =	vadd.s32 $0x1, v3  }
0xa1: {  	v4 =	vadd.s32 $0x1, v4;
	v5 =	vadd.s32 $0x1, v5;
	v6 =	vadd.s32 $0x1, v6  }
0xa2: {  	v7 =	vadd.s32 $0x1, v7;
	v9 =	vadd.s32 $0x1, v9;
	v11 =	vadd.s32 $0x1, v11  }
0xa3: {  	v13 =	vadd.s32 $0x1, v13;
	v14 =	vadd.s32 $0x1, v14;
	v17 =	vadd.s32 $0x1, v17  }
0xa4: {  	v19 =	vadd.s32 $0x1, v19;
	v21 =	vadd.s32 $0x1, v21;
	v24 =	vadd.s32 $0x1, v24  }
0xa5: {  	v25 =	vadd.s32 $0x1, v25;
	v8 =	vand.u32 $0xFFFFFF80, v1;
	v1 =	vand.u32 $0x7F, v1  }
0xa6: {  	v10 =	vand.u32 $0xFFFFFF80, v2;
	v12 =	vand.u32 $0xFFFFFF80, v4;
	v15 =	vand.u32 $0xFFFFFF80, v5  }
0xa7: {  	v16 =	vand.u32 $0xFFFFFF80, v6;
	v18 =	vand.u32 $0xFFFFFF80, v7;
	v20 =	vand.u32 $0xFFFFFF80, v9  }
0xa8: {  	v22 =	vand.u32 $0xFFFFFF80, v11;
	v23 =	vand.u32 $0xFFFFFF80, v13;
	v26 =	vand.u32 $0xFFFFFF80, v14  }
0xa9: {  	v27 =	vand.u32 $0xFFFFFF80, v17;
	v28 =	vand.u32 $0xFFFFFF80, v19;
	v2 =	vand.u32 $0x7F, v2  }
0xaa: {  	v29 =	vand.u32 $0xFFFFFF80, v21;
	v30 =	vand.u32 $0xFFFFFF80, v24;
	v31 =	vand.u32 $0xFFFFFF80, v25  }
0xab: {  	v25 =	vand.u32 $0x7F, v25;
	v4 =	vand.u32 $0x7F, v4;
	v5 =	vand.u32 $0x7F, v5  }
0xac: {  	v6 =	vand.u32 $0x7F, v6;
	v7 =	vand.u32 $0x7F, v7;
	v9 =	vand.u32 $0x7F, v9  }
0xad: {  	v11 =	vand.u32 $0x7F, v11;
	v13 =	vand.u32 $0x7F, v13;
	v14 =	vand.u32 $0x7F, v14  }
0xae: {  	v17 =	vand.u32 $0x7F, v17;
	v19 =	vand.u32 $0x7F, v19;
	v21 =	vand.u32 $0x7F, v21  }
0xaf: {  	s25 =	simm.s32 $0x380;
	v24 =	vand.u32 $0x7F, v24;
	v8 =	vadd.s32 v0, v8;
	v31 =	vadd.s32 v0, v31  }
0xb0: {  	v10 =	vadd.s32 v0, v10;
	v12 =	vadd.s32 v0, v12;
	v25 =	vor.u32 v25, v31;
	v31 =	vld [tilespmem:s25+$0x70]  }
0xb1: {  	v15 =	vadd.s32 v0, v15;
	v16 =	vadd.s32 v0, v16;
	v2 =	vor.u32 v2, v10;
	v10 =	vld [tilespmem:s25+$0xFFFFFFA0]  }
0xb2: {  	v18 =	vadd.s32 v0, v18;
	v26 =	vadd.s32 v0, v26;
	v4 =	vor.u32 v4, v12;
	v12 =	vld [tilespmem:s25+$0xFFFFFFB0]  }
0xb3: {  	v20 =	vadd.s32 v0, v20;
	v5 =	vor.u32 v5, v15;
	v15 =	vor.u32 v14, v26;
	v14 =	vld [tilespmem:s25+$0xFFFFFFC0]  }
0xb4: {  	v22 =	vadd.s32 v0, v22;
	v27 =	vadd.s32 v0, v27;
	v6 =	vor.u32 v6, v16;
	v16 =	vld [tilespmem:s25+$0xFFFFFFD0]  }
0xb5: {  	v28 =	vadd.s32 v0, v28;
	v29 =	vadd.s32 v0, v29;
	v7 =	vor.u32 v7, v18;
	v18 =	vld [tilespmem:s25+$0xFFFFFFE0]  }
0xb6: {  	v30 =	vadd.s32 v0, v30;
	v1 =	vor.u32 v1, v8;
	v9 =	vor.u32 v9, v20;
	v20 =	vld [tilespmem:s25+$0xFFFFFFF0]  }
0xb7: {  	v8 =	vand.u32 $0xFFFFFF80, v3;
	v11 =	vor.u32 v11, v22;
	v26 =	vor.u32 v17, v27;
	v22 =	vld [tilespmem:s25+$0x0]  }
0xb8: {  	v27 =	vor.u32 v19, v28;
	v28 =	vor.u32 v21, v29;
	v29 =	vor.u32 v24, v30;
	v24 =	vld [tilespmem:s25+$0x10]  }
0xb9: {  	v23 =	vadd.s32 v0, v23;
	v3 =	vand.u32 $0x7F, v3;
	v8 =	vadd.s32 v0, v8  }
0xba: {  	v13 =	vor.u32 v13, v23;
	v3 =	vor.u32 v3, v8;
	v8 =	vld [tilespmem:s25+$0xFFFFFF90]  }
0xbb: {  	v17 =	vadd.s32 $0x1, v31;
	v10 =	vadd.s32 $0x1, v10;
	v12 =	vadd.s32 $0x1, v12  }
0xbc: {  	v14 =	vadd.s32 $0x1, v14;
	v31 =	vadd.s32 $0x1, v16;
	v33 =	vadd.s32 $0x1, v18  }
0xbd: {  	v38 =	vld [tilespmem:s25+$0x50];
	v35 =	vadd.s32 $0x1, v20;
	v22 =	vadd.s32 $0x1, v22;
	v24 =	vadd.s32 $0x1, v24  }
0xbe: {  	v41 =	vld [tilespmem:s25+$0xFFFFFF80];
	v19 =	vand.u32 $0xFFFFFF80, v17;
	v17 =	vand.u32 $0x7F, v17;
	v23 =	vand.u32 $0xFFFFFF80, v12  }
0xbf: {  	v1 =	vld.idx.msk [tilespmem:v1+s6+$0x0], $0xffff;
	v12 =	vand.u32 $0x7F, v12;
	v61 =	vand.u32 $0x7F, v24;
	v8 =	vadd.s32 $0x1, v8  }
0xc0: {  	v16 =	vld [tilespmem:s25+$0x20];
	v19 =	vadd.s32 v0, v19;
	v34 =	vadd.s32 v0, v23;
	v23 =	vand.u32 $0xFFFFFF80, v33  }
0xc1: {  	v18 =	vld [tilespmem:s25+$0x30];
	v33 =	vand.u32 $0x7F, v33;
	v21 =	vand.u32 $0xFFFFFF80, v8;
	v17 =	vor.u32 v17, v19  }
0xc2: {  	v20 =	vld [tilespmem:s25+$0x40];
	v19 =	vand.u32 $0xFFFFFF80, v10;
	v39 =	vadd.s32 v0, v23;
	v23 =	vand.u32 $0xFFFFFF80, v24  }
0xc3: {  	v2 =	vld.idx.msk [tilespmem:v2+s6+$0x0], $0xffff;
	v8 =	vand.u32 $0x7F, v8;
	v10 =	vand.u32 $0x7F, v10;
	v30 =	vadd.s32 v0, v21  }
0xc4: {  	v4 =	vld.idx.msk [tilespmem:v4+s6+$0x0], $0xffff;
	v21 =	vand.u32 $0xFFFFFF80, v14;
	v32 =	vadd.s32 v0, v19;
	v19 =	vand.u32 $0xFFFFFF80, v31  }
0xc5: {  	v5 =	vld.idx.msk [tilespmem:v5+s6+$0x0], $0xffff;
	v46 =	vadd.s32 v0, v23;
	v23 =	vadd.s32 $0x1, v38;
	v31 =	vand.u32 $0x7F, v31  }
0xc6: {  	s9 =	simm.s32 $0x4300;
	v26 =	vld.idx.msk [tilespmem:v26+s6+$0x0], $0xffff;
	v36 =	vadd.s32 v0, v21;
	v21 =	vand.u32 $0xFFFFFF80, v35;
	v37 =	vadd.s32 v0, v19  }
0xc7: {  	v3 =	vld.idx.msk [tilespmem:v3+s6+$0x0], $0xffff;
	v19 =	vand.u32 $0xFFFFFF80, v22;
	v40 =	vadd.s32 $0x1, v16;
	v43 =	vadd.s32 $0x1, v18;
	[tilespmem:s9+$0x70] =	vst v1  }
0xc8: {  	v16 =	vld [tilespmem:s25+$0x60];
	v45 =	vadd.s32 $0x1, v20;
	v1 =	vadd.s32 $0x1, v41;
	[tilespmem:s9+$0xFFFFFF10] =	vst v2;
	v2 =	vand.u32 $0x7F, v35  }
0xc9: {  	[tilespmem:s9+$0xFFFFFF30] =	vst v4;
	v24 =	vand.u32 $0x7F, v23;
	v4 =	vor.u32 v61, v46;
	v44 =	vadd.s32 v0, v19;
	v19 =	vld.idx.msk [tilespmem:v25+s6+$0x0], $0xffff  }
0xca: {  	v27 =	vld.idx.msk [tilespmem:v27+s6+$0x0], $0xffff;
	v42 =	vadd.s32 v0, v21;
	v21 =	vand.u32 $0xFFFFFF80, v40;
	v18 =	vand.u32 $0xFFFFFF80, v43  }
0xcb: {  	v20 =	vand.u32 $0xFFFFFF80, v45;
	v62 =	vand.u32 $0x7F, v43;
	v63 =	vand.u32 $0x7F, v45;
	v17 =	vld.idx.msk [tilespmem:v17+s6+$0x0], $0xffff  }
0xcc: {  	v28 =	vld.idx.msk [tilespmem:v28+s6+$0x0], $0xffff;
	v47 =	vadd.s32 v0, v21;
	v48 =	vadd.s32 v0, v18;
	v49 =	vadd.s32 v0, v20  }
0xcd: {  	v18 =	vand.u32 $0xFFFFFF80, v23;
	v20 =	vand.u32 $0xFFFFFF80, v1;
	v1 =	vand.u32 $0x7F, v1;
	[tilespmem:s9+$0xFFFFFF20] =	vst v3;
	v21 =	vld.idx.msk [tilespmem:v11+s6+$0x0], $0xffff  }
0xce: {  	v3 =	vand.u32 $0x7F, v40;
	v11 =	vor.u32 v12, v34;
	v25 =	vadd.s32 $0x1, v16;
	[tilespmem:s9+$0xFFFFFF00] =	vst v19;
	v19 =	vld.idx.msk [tilespmem:v7+s6+$0x0], $0xffff  }
0xcf: {  	s24 =	simm.s32 $0x4500;
	v16 =	vadd.s32 v0, v18;
	v18 =	vand.u32 $0xFFFFFF80, v25;
	v23 =	vand.u32 $0x7F, v25;
	v25 =	vld.idx.msk [tilespmem:v15+s6+$0x0], $0xffff  }
0xd0: {  	v3 =	vor.u32 v3, v47;
	v7 =	vand.u32 $0x7F, v14;
	[tilespmem:s24+$0x70] =	vst v17;
	v17 =	vadd.s32 v0, v18;
	v18 =	vld.idx.msk [tilespmem:v6+s6+$0x0], $0xffff  }
0xd1: {  	s15 =	smul.u32 $0x64, s20;
	v15 =	vor.u32 v8, v30;
	v8 =	vor.u32 v31, v37;
	v6 =	vadd.s32 v0, v20;
	v20 =	vld.idx.msk [tilespmem:v9+s6+$0x0], $0xffff  }
0xd2: {  	s18 =	sshll.u32 s14, $0x1;
	v9 =	vand.u32 $0x7F, v22;
	v22 =	vld.idx.msk [tilespmem:v13+s6+$0x0], $0xffff;
	v13 =	vor.u32 v10, v32;
	v10 =	vor.u32 v7, v36  }
0xd3: {  	s23 =	simm.s32 $0x4380;
	s16 =	simm.s32 $0x480;
	s22 =	ssub.s32 s19, s15;
	v29 =	vld.idx.msk [tilespmem:v29+s6+$0x0], $0xffff;
	v7 =	vor.u32 v2, v42;
	v2 =	vor.u32 v62, v48;
	v14 =	vor.u32 v1, v6  }
0xd4: {  	s15 =	simm.s32 $0x100;
	s21 =	sshll.u32 s22, $0x8;
	[tilespmem:s9+$0xFFFFFF40] =	vst v5;
	s25 =	simm.s32 $0x12F0;
	v6 =	vor.u32 v33, v39;
	v5 =	vor.u32 v9, v44;
	v1 =	vor.u32 v63, v49  }
.LBB2_6:
0xd5: {  	v30 =	vld [tilespmem:s16+$0x70];
	s15 =	sadd.s32 $0x100, s15;
	v12 =	vor.u32 v24, v16;
	v9 =	vor.u32 v23, v17;
	[tilespmem:s9+$0xFFFFFF50] =	vst v18  }
0xd6: {  	v16 =	vld [tilespmem:s16+$0xFFFFFF90];
	p2 =	slt.u32 s15, $0xF00;
	[tilespmem:s9+$0xFFFFFF60] =	vst v19  }
0xd7: {  	v17 =	vld [tilespmem:s16+$0xFFFFFFA0];
	[tilespmem:s9+$0xFFFFFF70] =	vst v20  }
0xd8: {  	v18 =	vld [tilespmem:s16+$0xFFFFFFB0];
	[tilespmem:s9+$0x0] =	vst v21  }
0xd9: {  	v19 =	vld [tilespmem:s16+$0xFFFFFFC0];
	[tilespmem:s9+$0x10] =	vst v22  }
0xda: {  	v20 =	vld [tilespmem:s16+$0xFFFFFFD0];
	v21 =	vadd.s32 $0x1, v30;
	[tilespmem:s9+$0x20] =	vst v25  }
0xdb: {  	v16 =	vadd.s32 $0x1, v16;
	v22 =	vld [tilespmem:s16+$0xFFFFFFE0];
	v23 =	vand.u32 $0xFFFFFF80, v21;
	[tilespmem:s9+$0x30] =	vst v26  }
0xdc: {  	v21 =	vand.u32 $0x7F, v21;
	v24 =	vadd.s32 $0x1, v17;
	v17 =	vld [tilespmem:s16+$0xFFFFFFF0];
	v23 =	vadd.s32 v0, v23;
	[tilespmem:s9+$0x40] =	vst v27  }
0xdd: {  	v25 =	vand.u32 $0xFFFFFF80, v16;
	v26 =	vadd.s32 $0x1, v18;
	v18 =	vld [tilespmem:s16+$0x0];
	v21 =	vor.u32 v21, v23;
	[tilespmem:s9+$0x50] =	vst v28  }
0xde: {  	v23 =	vand.u32 $0xFFFFFF80, v24;
	v27 =	vand.u32 $0xFFFFFF80, v26;
	v28 =	vadd.s32 $0x1, v19;
	v19 =	vld [tilespmem:s16+$0x10];
	[tilespmem:s9+$0x60] =	vst v29;
	s9 =	smov.u32 s24  }
0xdf: {  	v29 =	vadd.s32 v0, v25;
	v25 =	vand.u32 $0xFFFFFF80, v28;
	v20 =	vadd.s32 $0x1, v20;
	v30 =	vld [tilespmem:s16+$0x20]  }
0xe0: {  	v31 =	vadd.s32 v0, v23;
	v23 =	vand.u32 $0xFFFFFF80, v20;
	v22 =	vadd.s32 $0x1, v22;
	v32 =	vld [tilespmem:s16+$0x30]  }
0xe1: {  	v27 =	vadd.s32 v0, v27;
	v33 =	vand.u32 $0xFFFFFF80, v22;
	v34 =	vadd.s32 $0x1, v17;
	v17 =	vld [tilespmem:s16+$0x40]  }
0xe2: {  	v35 =	vadd.s32 v0, v25;
	v25 =	vand.u32 $0xFFFFFF80, v34;
	v36 =	vadd.s32 $0x1, v18;
	v18 =	vld.idx.msk [tilespmem:v21+s6+$0x0], $0xffff  }
0xe3: {  	v37 =	vadd.s32 v0, v23;
	v21 =	vand.u32 $0xFFFFFF80, v36;
	v23 =	vadd.s32 $0x1, v19;
	v19 =	vld [tilespmem:s16+$0x50]  }
0xe4: {  	v33 =	vadd.s32 v0, v33;
	v38 =	vand.u32 $0xFFFFFF80, v23;
	v30 =	vadd.s32 $0x1, v30;
	v39 =	vld [tilespmem:s16+$0x60]  }
0xe5: {  	v41 =	vadd.s32 v0, v25;
	v40 =	vld [tilespmem:s16+$0xFFFFFF80];
	v25 =	vand.u32 $0xFFFFFF80, v30;
	v32 =	vadd.s32 $0x1, v32  }
0xe6: {  	v42 =	vadd.s32 v0, v21;
	v21 =	vand.u32 $0xFFFFFF80, v32;
	v43 =	vadd.s32 $0x1, v17;
	v14 =	vld.idx.msk [tilespmem:v14+s6+$0x0], $0xffff  }
0xe7: {  	s24 =	sadd.s32 $0x200, s24;
	v38 =	vadd.s32 v0, v38;
	v44 =	vadd.s32 v0, v25;
	v17 =	vand.u32 $0xFFFFFF80, v43;
	v15 =	vld.idx.msk [tilespmem:v15+s6+$0x0], $0xffff  }
0xe8: {  	v45 =	vadd.s32 v0, v21;
	v46 =	vadd.s32 v0, v17;
	v25 =	vadd.s32 $0x1, v19;
	[tilespmem:s24+$0x70] =	vst v18;
	v13 =	vld.idx.msk [tilespmem:v13+s6+$0x0], $0xffff  }
0xe9: {  	v47 =	vand.u32 $0x7F, v16;
	v16 =	vand.u32 $0xFFFFFF80, v25;
	v39 =	vadd.s32 $0x1, v39;
	v11 =	vld.idx.msk [tilespmem:v11+s6+$0x0], $0xffff  }
0xea: {  	v17 =	vadd.s32 $0x1, v40;
	v16 =	vadd.s32 v0, v16;
	v18 =	vand.u32 $0xFFFFFF80, v39;
	v10 =	vld.idx.msk [tilespmem:v10+s6+$0x0], $0xffff  }
0xeb: {  	v19 =	vand.u32 $0xFFFFFF80, v17;
	v40 =	vand.u32 $0x7F, v17;
	v17 =	vadd.s32 v0, v18;
	v18 =	vld.idx.msk [tilespmem:v8+s6+$0x0], $0xffff  }
0xec: {  	v48 =	vand.u32 $0x7F, v24;
	v26 =	vand.u32 $0x7F, v26;
	v8 =	vadd.s32 v0, v19;
	[tilespmem:s9+$0xFFFFFF00] =	vst v14;
	v19 =	vld.idx.msk [tilespmem:v6+s6+$0x0], $0xffff  }
0xed: {  	v49 =	vand.u32 $0x7F, v22;
	v6 =	vand.u32 $0x7F, v28;
	v28 =	vand.u32 $0x7F, v20;
	[tilespmem:s9+$0xFFFFFF10] =	vst v15;
	v20 =	vld.idx.msk [tilespmem:v7+s6+$0x0], $0xffff  }
0xee: {  	v7 =	vand.u32 $0x7F, v34;
	v34 =	vand.u32 $0x7F, v36;
	v36 =	vand.u32 $0x7F, v23;
	[tilespmem:s9+$0xFFFFFF20] =	vst v13;
	v21 =	vld.idx.msk [tilespmem:v5+s6+$0x0], $0xffff  }
0xef: {  	v30 =	vand.u32 $0x7F, v30;
	v32 =	vand.u32 $0x7F, v32;
	v43 =	vand.u32 $0x7F, v43;
	[tilespmem:s9+$0xFFFFFF30] =	vst v11;
	v22 =	vld.idx.msk [tilespmem:v4+s6+$0x0], $0xffff  }
.Ltmp6:
0xf0: {  	v24 =	vand.u32 $0x7F, v25;
	v14 =	vor.u32 v40, v8;
	v23 =	vand.u32 $0x7F, v39;
	[tilespmem:s9+$0xFFFFFF40] =	vst v10;
	v25 =	vld.idx.msk [tilespmem:v3+s6+$0x0], $0xffff;
	(pc) =	sbr.rel @p2 .LBB2_6-.Ltmp6, $4  }
0xf1: {  	v15 =	vor.u32 v47, v29;
	v13 =	vor.u32 v48, v31;
	v11 =	vor.u32 v26, v27;
	v26 =	vld.idx.msk [tilespmem:v2+s6+$0x0], $0xffff  }
0xf2: {  	v8 =	vor.u32 v28, v37;
	v10 =	vor.u32 v6, v35;
	v6 =	vor.u32 v49, v33;
	v27 =	vld.idx.msk [tilespmem:v1+s6+$0x0], $0xffff  }
0xf3: {  	v7 =	vor.u32 v7, v41;
	v5 =	vor.u32 v34, v42;
	v4 =	vor.u32 v36, v38;
	v28 =	vld.idx.msk [tilespmem:v12+s6+$0x0], $0xffff  }
0xf4: {  	s16 =	sadd.s32 $0x100, s16;
	v3 =	vor.u32 v30, v44;
	v2 =	vor.u32 v32, v45;
	v1 =	vor.u32 v43, v46;
	v29 =	vld.idx.msk [tilespmem:v9+s6+$0x0], $0xffff  }
0xf5: {  	[tilespmem:s9+$0xFFFFFF50] =	vst v18  }
0xf6: {  	[tilespmem:s9+$0xFFFFFF60] =	vst v19  }
0xf7: {  	[tilespmem:s9+$0xFFFFFF70] =	vst v20  }
0xf8: {  	[tilespmem:s9+$0x0] =	vst v21  }
0xf9: {  	[tilespmem:s9+$0x10] =	vst v22  }
0xfa: {  	[tilespmem:s9+$0x20] =	vst v25;
	v9 =	vld.idx.msk [tilespmem:v14+s6+$0x0], $0xffff  }
0xfb: {  	v12 =	vld.idx.msk [tilespmem:v15+s6+$0x0], $0xffff;
	[tilespmem:s9+$0x30] =	vst v26  }
0xfc: {  	v13 =	vld.idx.msk [tilespmem:v13+s6+$0x0], $0xffff;
	[tilespmem:s9+$0x40] =	vst v27  }
0xfd: {  	v11 =	vld.idx.msk [tilespmem:v11+s6+$0x0], $0xffff;
	[tilespmem:s9+$0x50] =	vst v28  }
0xfe: {  	v10 =	vld.idx.msk [tilespmem:v10+s6+$0x0], $0xffff;
	[tilespmem:s9+$0x60] =	vst v29  }
0xff: {  	v8 =	vld.idx.msk [tilespmem:v8+s6+$0x0], $0xffff;
	[tilespmem:s24+$0xFFFFFF00] =	vst v9  }
0x100: {  	v6 =	vld.idx.msk [tilespmem:v6+s6+$0x0], $0xffff;
	[tilespmem:s24+$0xFFFFFF10] =	vst v12  }
0x101: {  	v7 =	vld.idx.msk [tilespmem:v7+s6+$0x0], $0xffff;
	[tilespmem:s24+$0xFFFFFF20] =	vst v13  }
0x102: {  	v5 =	vld.idx.msk [tilespmem:v5+s6+$0x0], $0xffff;
	v9 =	vor.u32 v24, v16;
	[tilespmem:s24+$0xFFFFFF30] =	vst v11  }
0x103: {  	v4 =	vld.idx.msk [tilespmem:v4+s6+$0x0], $0xffff;
	v11 =	vor.u32 v23, v17;
	[tilespmem:s24+$0xFFFFFF40] =	vst v10  }
0x104: {  	v3 =	vld.idx.msk [tilespmem:v3+s6+$0x0], $0xffff;
	[tilespmem:s24+$0xFFFFFF50] =	vst v8  }
0x105: {  	v2 =	vld.idx.msk [tilespmem:v2+s6+$0x0], $0xffff;
	[tilespmem:s24+$0xFFFFFF60] =	vst v6  }
0x106: {  	v1 =	vld.idx.msk [tilespmem:v1+s6+$0x0], $0xffff;
	[tilespmem:s24+$0xFFFFFF70] =	vst v7  }
0x107: {  	[tilespmem:s24+$0x0] =	vst v5;
	v6 =	vld.idx.msk [tilespmem:v9+s6+$0x0], $0xffff  }
0x108: {  	[tilespmem:s24+$0x10] =	vst v4;
	v5 =	vld.idx.msk [tilespmem:v11+s6+$0x0], $0xffff  }
0x109: {  	[tilespmem:s24+$0x20] =	vst v3  }
0x10a: {  	[tilespmem:s24+$0x30] =	vst v2  }
0x10b: {  	[tilespmem:s24+$0x40] =	vst v1  }
0x10c: {  	[tilespmem:s24+$0x50] =	vst v6  }
0x10d: {  	[tilespmem:s24+$0x60] =	vst v5  }
0x10e: {  	v1 =	vld [tilespmem:s25+$0x0]  }
0x10f: {  	v2 =	vld [tilespmem:s25+$0xFFFFFF20]  }
0x110: {  	v3 =	vld [tilespmem:s25+$0xFFFFFF30]  }
0x111: {  	v4 =	vld [tilespmem:s25+$0xFFFFFF40]  }
0x112: {  	v5 =	vld [tilespmem:s25+$0xFFFFFF50]  }
0x113: {  	v6 =	vld [tilespmem:s25+$0xFFFFFF60]  }
0x114: {  	v7 =	vld [tilespmem:s25+$0xFFFFFF70]  }
0x115: {  	v9 =	vld [tilespmem:s25+$0xFFFFFF80]  }
0x116: {  	v11 =	vld [tilespmem:s25+$0xFFFFFF90]  }
0x117: {  	v13 =	vld [tilespmem:s25+$0xFFFFFFA0]  }
0x118: {  	v14 =	vld [tilespmem:s25+$0xFFFFFFB0]  }
0x119: {  	v17 =	vld [tilespmem:s25+$0xFFFFFFC0]  }
0x11a: {  	v19 =	vld [tilespmem:s25+$0xFFFFFFD0]  }
0x11b: {  	v21 =	vld [tilespmem:s25+$0xFFFFFFE0]  }
0x11c: {  	v24 =	vld [tilespmem:s25+$0xFFFFFFF0]  }
0x11d: {  	v25 =	vld [tilespmem:s25+$0xFFFFFF10];
	v1 =	vadd.s32 $0x1, v1;
	v2 =	vadd.s32 $0x1, v2;
	v3 =	vadd.s32 $0x1, v3  }
0x11e: {  	v4 =	vadd.s32 $0x1, v4;
	v5 =	vadd.s32 $0x1, v5;
	v6 =	vadd.s32 $0x1, v6  }
0x11f: {  	v7 =	vadd.s32 $0x1, v7;
	v9 =	vadd.s32 $0x1, v9;
	v11 =	vadd.s32 $0x1, v11  }
0x120: {  	v13 =	vadd.s32 $0x1, v13;
	v14 =	vadd.s32 $0x1, v14;
	v17 =	vadd.s32 $0x1, v17  }
0x121: {  	v19 =	vadd.s32 $0x1, v19;
	v21 =	vadd.s32 $0x1, v21;
	v24 =	vadd.s32 $0x1, v24  }
0x122: {  	v25 =	vadd.s32 $0x1, v25;
	v8 =	vand.u32 $0xFFFFFF80, v1;
	v1 =	vand.u32 $0x7F, v1  }
0x123: {  	v10 =	vand.u32 $0xFFFFFF80, v2;
	v12 =	vand.u32 $0xFFFFFF80, v4;
	v15 =	vand.u32 $0xFFFFFF80, v5  }
0x124: {  	v16 =	vand.u32 $0xFFFFFF80, v6;
	v18 =	vand.u32 $0xFFFFFF80, v7;
	v20 =	vand.u32 $0xFFFFFF80, v9  }
0x125: {  	v22 =	vand.u32 $0xFFFFFF80, v11;
	v23 =	vand.u32 $0xFFFFFF80, v13;
	v26 =	vand.u32 $0xFFFFFF80, v14  }
0x126: {  	v27 =	vand.u32 $0xFFFFFF80, v17;
	v28 =	vand.u32 $0xFFFFFF80, v19;
	v2 =	vand.u32 $0x7F, v2  }
0x127: {  	v29 =	vand.u32 $0xFFFFFF80, v21;
	v30 =	vand.u32 $0xFFFFFF80, v24;
	v31 =	vand.u32 $0xFFFFFF80, v25  }
0x128: {  	v25 =	vand.u32 $0x7F, v25;
	v4 =	vand.u32 $0x7F, v4;
	v5 =	vand.u32 $0x7F, v5  }
0x129: {  	v6 =	vand.u32 $0x7F, v6;
	v7 =	vand.u32 $0x7F, v7;
	v9 =	vand.u32 $0x7F, v9  }
0x12a: {  	v11 =	vand.u32 $0x7F, v11;
	v13 =	vand.u32 $0x7F, v13;
	v14 =	vand.u32 $0x7F, v14  }
0x12b: {  	v17 =	vand.u32 $0x7F, v17;
	v19 =	vand.u32 $0x7F, v19;
	v21 =	vand.u32 $0x7F, v21  }
0x12c: {  	s25 =	simm.s32 $0x13F0;
	v24 =	vand.u32 $0x7F, v24;
	v8 =	vadd.s32 v0, v8;
	v31 =	vadd.s32 v0, v31  }
0x12d: {  	v10 =	vadd.s32 v0, v10;
	v12 =	vadd.s32 v0, v12;
	v25 =	vor.u32 v25, v31;
	v31 =	vld [tilespmem:s25+$0x0]  }
0x12e: {  	v15 =	vadd.s32 v0, v15;
	v16 =	vadd.s32 v0, v16;
	v2 =	vor.u32 v2, v10;
	v10 =	vld [tilespmem:s25+$0xFFFFFF30]  }
0x12f: {  	v18 =	vadd.s32 v0, v18;
	v26 =	vadd.s32 v0, v26;
	v4 =	vor.u32 v4, v12;
	v12 =	vld [tilespmem:s25+$0xFFFFFF40]  }
0x130: {  	v20 =	vadd.s32 v0, v20;
	v5 =	vor.u32 v5, v15;
	v15 =	vor.u32 v14, v26;
	v14 =	vld [tilespmem:s25+$0xFFFFFF50]  }
0x131: {  	v22 =	vadd.s32 v0, v22;
	v27 =	vadd.s32 v0, v27;
	v6 =	vor.u32 v6, v16;
	v16 =	vld [tilespmem:s25+$0xFFFFFF60]  }
0x132: {  	v28 =	vadd.s32 v0, v28;
	v29 =	vadd.s32 v0, v29;
	v7 =	vor.u32 v7, v18;
	v18 =	vld [tilespmem:s25+$0xFFFFFF70]  }
0x133: {  	v30 =	vadd.s32 v0, v30;
	v1 =	vor.u32 v1, v8;
	v9 =	vor.u32 v9, v20;
	v20 =	vld [tilespmem:s25+$0xFFFFFF80]  }
0x134: {  	v8 =	vand.u32 $0xFFFFFF80, v3;
	v11 =	vor.u32 v11, v22;
	v26 =	vor.u32 v17, v27;
	v22 =	vld [tilespmem:s25+$0xFFFFFF90]  }
0x135: {  	v27 =	vor.u32 v19, v28;
	v28 =	vor.u32 v21, v29;
	v29 =	vor.u32 v24, v30;
	v24 =	vld [tilespmem:s25+$0xFFFFFFA0]  }
0x136: {  	v23 =	vadd.s32 v0, v23;
	v3 =	vand.u32 $0x7F, v3;
	v8 =	vadd.s32 v0, v8  }
0x137: {  	v13 =	vor.u32 v13, v23;
	v3 =	vor.u32 v3, v8  }
0x138: {  	v8 =	vld [tilespmem:s25+$0xFFFFFF20];
	v17 =	vadd.s32 $0x1, v31;
	v10 =	vadd.s32 $0x1, v10;
	v12 =	vadd.s32 $0x1, v12  }
0x139: {  	v14 =	vadd.s32 $0x1, v14;
	v31 =	vadd.s32 $0x1, v16;
	v33 =	vadd.s32 $0x1, v18  }
0x13a: {  	v38 =	vld [tilespmem:s25+$0xFFFFFFE0];
	v35 =	vadd.s32 $0x1, v20;
	v22 =	vadd.s32 $0x1, v22;
	v24 =	vadd.s32 $0x1, v24  }
0x13b: {  	v41 =	vld [tilespmem:s25+$0xFFFFFF10];
	v19 =	vand.u32 $0xFFFFFF80, v17;
	v17 =	vand.u32 $0x7F, v17;
	v23 =	vand.u32 $0xFFFFFF80, v12  }
0x13c: {  	v1 =	vld.idx.msk [tilespmem:v1+s6+$0x0], $0xffff;
	v12 =	vand.u32 $0x7F, v12;
	v60 =	vand.u32 $0x7F, v22;
	v61 =	vand.u32 $0x7F, v24  }
0x13d: {  	v16 =	vld [tilespmem:s25+$0xFFFFFFB0];
	v8 =	vadd.s32 $0x1, v8;
	v19 =	vadd.s32 v0, v19;
	v34 =	vadd.s32 v0, v23  }
0x13e: {  	v18 =	vld [tilespmem:s25+$0xFFFFFFC0];
	v23 =	vand.u32 $0xFFFFFF80, v33;
	v33 =	vand.u32 $0x7F, v33;
	v21 =	vand.u32 $0xFFFFFF80, v8  }
0x13f: {  	v20 =	vld [tilespmem:s25+$0xFFFFFFD0];
	v17 =	vor.u32 v17, v19;
	v19 =	vand.u32 $0xFFFFFF80, v10;
	v39 =	vadd.s32 v0, v23  }
0x140: {  	v2 =	vld.idx.msk [tilespmem:v2+s6+$0x0], $0xffff;
	v23 =	vand.u32 $0xFFFFFF80, v24;
	v8 =	vand.u32 $0x7F, v8;
	v10 =	vand.u32 $0x7F, v10  }
0x141: {  	v4 =	vld.idx.msk [tilespmem:v4+s6+$0x0], $0xffff;
	v12 =	vor.u32 v12, v34;
	v30 =	vadd.s32 v0, v21;
	v21 =	vand.u32 $0xFFFFFF80, v14  }
0x142: {  	v5 =	vld.idx.msk [tilespmem:v5+s6+$0x0], $0xffff;
	v32 =	vadd.s32 v0, v19;
	v19 =	vand.u32 $0xFFFFFF80, v31;
	v46 =	vadd.s32 v0, v23  }
0x143: {  	v26 =	vld.idx.msk [tilespmem:v26+s6+$0x0], $0xffff;
	v23 =	vadd.s32 $0x1, v38;
	v31 =	vand.u32 $0x7F, v31;
	v36 =	vadd.s32 v0, v21  }
0x144: {  	v3 =	vld.idx.msk [tilespmem:v3+s6+$0x0], $0xffff;
	v21 =	vand.u32 $0xFFFFFF80, v35;
	v37 =	vadd.s32 v0, v19;
	v19 =	vand.u32 $0xFFFFFF80, v22;
	[tilespmem:s23+$0x70] =	vst v1  }
0x145: {  	v40 =	vadd.s32 $0x1, v16;
	v16 =	vld [tilespmem:s25+$0xFFFFFFF0];
	v43 =	vadd.s32 $0x1, v18;
	v45 =	vadd.s32 $0x1, v20;
	[tilespmem:s23+$0xFFFFFF10] =	vst v2  }
0x146: {  	v1 =	vadd.s32 $0x1, v41;
	v2 =	vand.u32 $0x7F, v35;
	[tilespmem:s23+$0xFFFFFF30] =	vst v4;
	v22 =	vld.idx.msk [tilespmem:v13+s6+$0x0], $0xffff;
	v24 =	vand.u32 $0x7F, v23  }
0x147: {  	v13 =	vor.u32 v10, v32;
	v4 =	vor.u32 v61, v46;
	v44 =	vadd.s32 v0, v19;
	v19 =	vld.idx.msk [tilespmem:v25+s6+$0x0], $0xffff  }
0x148: {  	v42 =	vadd.s32 v0, v21;
	v21 =	vand.u32 $0xFFFFFF80, v40;
	v18 =	vand.u32 $0xFFFFFF80, v43;
	v17 =	vld.idx.msk [tilespmem:v17+s6+$0x0], $0xffff  }
0x149: {  	v27 =	vld.idx.msk [tilespmem:v27+s6+$0x0], $0xffff;
	v20 =	vand.u32 $0xFFFFFF80, v45;
	v62 =	vand.u32 $0x7F, v43;
	v63 =	vand.u32 $0x7F, v45  }
0x14a: {  	[tilespmem:s23+$0xFFFFFF40] =	vst v5;
	v47 =	vadd.s32 v0, v21;
	v48 =	vadd.s32 v0, v18;
	v49 =	vadd.s32 v0, v20  }
0x14b: {  	v18 =	vand.u32 $0xFFFFFF80, v23;
	v20 =	vand.u32 $0xFFFFFF80, v1;
	[tilespmem:s23+$0xFFFFFF20] =	vst v3;
	v21 =	vld.idx.msk [tilespmem:v11+s6+$0x0], $0xffff;
	v25 =	vadd.s32 $0x1, v16  }
0x14c: {  	s24 =	simm.s32 $0x4580;
	v1 =	vand.u32 $0x7F, v1;
	v16 =	vadd.s32 v0, v18;
	v18 =	vand.u32 $0xFFFFFF80, v25;
	[tilespmem:s23+$0xFFFFFF00] =	vst v19;
	v19 =	vld.idx.msk [tilespmem:v7+s6+$0x0], $0xffff  }
0x14d: {  	v3 =	vand.u32 $0x7F, v40;
	v5 =	vor.u32 v60, v44;
	[tilespmem:s24+$0x70] =	vst v17;
	v17 =	vadd.s32 v0, v18;
	v18 =	vld.idx.msk [tilespmem:v6+s6+$0x0], $0xffff  }
0x14e: {  	v3 =	vor.u32 v3, v47;
	v7 =	vand.u32 $0x7F, v14;
	v23 =	vand.u32 $0x7F, v25;
	v25 =	vld.idx.msk [tilespmem:v15+s6+$0x0], $0xffff  }
0x14f: {  	v15 =	vor.u32 v8, v30;
	v11 =	vor.u32 v7, v36;
	v6 =	vadd.s32 v0, v20;
	v20 =	vld.idx.msk [tilespmem:v9+s6+$0x0], $0xffff  }
0x150: {  	v28 =	vld.idx.msk [tilespmem:v28+s6+$0x0], $0xffff;
	v7 =	vor.u32 v33, v39;
	v9 =	vor.u32 v31, v37;
	v14 =	vor.u32 v1, v6  }
0x151: {  	s15 =	simm.s32 $0x14F0;
	s9 =	simm.s32 $0x100;
	v29 =	vld.idx.msk [tilespmem:v29+s6+$0x0], $0xffff;
	v6 =	vor.u32 v2, v42;
	v2 =	vor.u32 v62, v48;
	v1 =	vor.u32 v63, v49  }
.LBB2_8:
0x152: {  	v30 =	vld [tilespmem:s15+$0x0];
	s9 =	sadd.s32 $0x100, s9;
	v10 =	vor.u32 v24, v16;
	v8 =	vor.u32 v23, v17;
	[tilespmem:s23+$0xFFFFFF50] =	vst v18  }
0x153: {  	v16 =	vld [tilespmem:s15+$0xFFFFFF20];
	p2 =	slt.u32 s9, $0xF00;
	[tilespmem:s23+$0xFFFFFF60] =	vst v19  }
0x154: {  	v17 =	vld [tilespmem:s15+$0xFFFFFF30];
	[tilespmem:s23+$0xFFFFFF70] =	vst v20  }
0x155: {  	v18 =	vld [tilespmem:s15+$0xFFFFFF40];
	[tilespmem:s23+$0x0] =	vst v21  }
0x156: {  	v19 =	vld [tilespmem:s15+$0xFFFFFF50];
	[tilespmem:s23+$0x10] =	vst v22  }
0x157: {  	v20 =	vld [tilespmem:s15+$0xFFFFFF60];
	v21 =	vadd.s32 $0x1, v30;
	[tilespmem:s23+$0x20] =	vst v25  }
0x158: {  	v16 =	vadd.s32 $0x1, v16;
	v22 =	vld [tilespmem:s15+$0xFFFFFF70];
	v23 =	vand.u32 $0xFFFFFF80, v21;
	[tilespmem:s23+$0x30] =	vst v26  }
0x159: {  	v21 =	vand.u32 $0x7F, v21;
	v24 =	vadd.s32 $0x1, v17;
	v17 =	vld [tilespmem:s15+$0xFFFFFF80];
	v23 =	vadd.s32 v0, v23;
	[tilespmem:s23+$0x40] =	vst v27  }
0x15a: {  	v25 =	vand.u32 $0xFFFFFF80, v16;
	v26 =	vadd.s32 $0x1, v18;
	v18 =	vld [tilespmem:s15+$0xFFFFFF90];
	v21 =	vor.u32 v21, v23;
	[tilespmem:s23+$0x50] =	vst v28  }
0x15b: {  	v23 =	vand.u32 $0xFFFFFF80, v24;
	v27 =	vand.u32 $0xFFFFFF80, v26;
	v28 =	vadd.s32 $0x1, v19;
	v19 =	vld [tilespmem:s15+$0xFFFFFFA0];
	[tilespmem:s23+$0x60] =	vst v29;
	s23 =	smov.u32 s24  }
0x15c: {  	v29 =	vadd.s32 v0, v25;
	v25 =	vand.u32 $0xFFFFFF80, v28;
	v20 =	vadd.s32 $0x1, v20;
	v30 =	vld [tilespmem:s15+$0xFFFFFFB0]  }
0x15d: {  	v31 =	vadd.s32 v0, v23;
	v23 =	vand.u32 $0xFFFFFF80, v20;
	v22 =	vadd.s32 $0x1, v22;
	v32 =	vld [tilespmem:s15+$0xFFFFFFC0]  }
0x15e: {  	v27 =	vadd.s32 v0, v27;
	v33 =	vand.u32 $0xFFFFFF80, v22;
	v34 =	vadd.s32 $0x1, v17;
	v17 =	vld [tilespmem:s15+$0xFFFFFFD0]  }
0x15f: {  	v35 =	vadd.s32 v0, v25;
	v25 =	vand.u32 $0xFFFFFF80, v34;
	v36 =	vadd.s32 $0x1, v18;
	v18 =	vld.idx.msk [tilespmem:v21+s6+$0x0], $0xffff  }
0x160: {  	v37 =	vadd.s32 v0, v23;
	v21 =	vand.u32 $0xFFFFFF80, v36;
	v23 =	vadd.s32 $0x1, v19;
	v19 =	vld [tilespmem:s15+$0xFFFFFFE0]  }
0x161: {  	v33 =	vadd.s32 v0, v33;
	v38 =	vand.u32 $0xFFFFFF80, v23;
	v30 =	vadd.s32 $0x1, v30;
	v39 =	vld [tilespmem:s15+$0xFFFFFFF0]  }
0x162: {  	v41 =	vadd.s32 v0, v25;
	v40 =	vld [tilespmem:s15+$0xFFFFFF10];
	v25 =	vand.u32 $0xFFFFFF80, v30;
	v32 =	vadd.s32 $0x1, v32  }
0x163: {  	v42 =	vadd.s32 v0, v21;
	v21 =	vand.u32 $0xFFFFFF80, v32;
	v43 =	vadd.s32 $0x1, v17;
	v14 =	vld.idx.msk [tilespmem:v14+s6+$0x0], $0xffff  }
0x164: {  	s24 =	sadd.s32 $0x200, s24;
	v38 =	vadd.s32 v0, v38;
	v44 =	vadd.s32 v0, v25;
	v17 =	vand.u32 $0xFFFFFF80, v43;
	v15 =	vld.idx.msk [tilespmem:v15+s6+$0x0], $0xffff  }
0x165: {  	v45 =	vadd.s32 v0, v21;
	v46 =	vadd.s32 v0, v17;
	v25 =	vadd.s32 $0x1, v19;
	[tilespmem:s24+$0x70] =	vst v18;
	v13 =	vld.idx.msk [tilespmem:v13+s6+$0x0], $0xffff  }
0x166: {  	v47 =	vand.u32 $0x7F, v16;
	v16 =	vand.u32 $0xFFFFFF80, v25;
	v39 =	vadd.s32 $0x1, v39;
	v12 =	vld.idx.msk [tilespmem:v12+s6+$0x0], $0xffff  }
0x167: {  	v17 =	vadd.s32 $0x1, v40;
	v16 =	vadd.s32 v0, v16;
	v18 =	vand.u32 $0xFFFFFF80, v39;
	v11 =	vld.idx.msk [tilespmem:v11+s6+$0x0], $0xffff  }
0x168: {  	v19 =	vand.u32 $0xFFFFFF80, v17;
	v40 =	vand.u32 $0x7F, v17;
	v17 =	vadd.s32 v0, v18;
	v18 =	vld.idx.msk [tilespmem:v9+s6+$0x0], $0xffff  }
0x169: {  	v48 =	vand.u32 $0x7F, v24;
	v26 =	vand.u32 $0x7F, v26;
	v9 =	vadd.s32 v0, v19;
	[tilespmem:s23+$0xFFFFFF00] =	vst v14;
	v19 =	vld.idx.msk [tilespmem:v7+s6+$0x0], $0xffff  }
0x16a: {  	v49 =	vand.u32 $0x7F, v22;
	v7 =	vand.u32 $0x7F, v28;
	v28 =	vand.u32 $0x7F, v20;
	[tilespmem:s23+$0xFFFFFF10] =	vst v15;
	v20 =	vld.idx.msk [tilespmem:v6+s6+$0x0], $0xffff  }
0x16b: {  	v6 =	vand.u32 $0x7F, v34;
	v34 =	vand.u32 $0x7F, v36;
	v36 =	vand.u32 $0x7F, v23;
	[tilespmem:s23+$0xFFFFFF20] =	vst v13;
	v21 =	vld.idx.msk [tilespmem:v5+s6+$0x0], $0xffff  }
0x16c: {  	v30 =	vand.u32 $0x7F, v30;
	v32 =	vand.u32 $0x7F, v32;
	v43 =	vand.u32 $0x7F, v43;
	[tilespmem:s23+$0xFFFFFF30] =	vst v12;
	v22 =	vld.idx.msk [tilespmem:v4+s6+$0x0], $0xffff  }
.Ltmp7:
0x16d: {  	v24 =	vand.u32 $0x7F, v25;
	v14 =	vor.u32 v40, v9;
	v23 =	vand.u32 $0x7F, v39;
	[tilespmem:s23+$0xFFFFFF40] =	vst v11;
	v25 =	vld.idx.msk [tilespmem:v3+s6+$0x0], $0xffff;
	(pc) =	sbr.rel @p2 .LBB2_8-.Ltmp7, $4  }
0x16e: {  	v15 =	vor.u32 v47, v29;
	v13 =	vor.u32 v48, v31;
	v12 =	vor.u32 v26, v27;
	v26 =	vld.idx.msk [tilespmem:v2+s6+$0x0], $0xffff  }
0x16f: {  	v9 =	vor.u32 v28, v37;
	v11 =	vor.u32 v7, v35;
	v7 =	vor.u32 v49, v33;
	v27 =	vld.idx.msk [tilespmem:v1+s6+$0x0], $0xffff  }
0x170: {  	v6 =	vor.u32 v6, v41;
	v5 =	vor.u32 v34, v42;
	v4 =	vor.u32 v36, v38;
	v28 =	vld.idx.msk [tilespmem:v10+s6+$0x0], $0xffff  }
0x171: {  	s15 =	sadd.s32 $0x100, s15;
	v3 =	vor.u32 v30, v44;
	v2 =	vor.u32 v32, v45;
	v1 =	vor.u32 v43, v46;
	v29 =	vld.idx.msk [tilespmem:v8+s6+$0x0], $0xffff  }
0x172: {  	[tilespmem:s23+$0xFFFFFF50] =	vst v18  }
0x173: {  	[tilespmem:s23+$0xFFFFFF60] =	vst v19  }
0x174: {  	[tilespmem:s23+$0xFFFFFF70] =	vst v20  }
0x175: {  	[tilespmem:s23+$0x0] =	vst v21  }
0x176: {  	[tilespmem:s23+$0x10] =	vst v22  }
0x177: {  	[tilespmem:s23+$0x20] =	vst v25;
	v0 =	vld.idx.msk [tilespmem:v14+s6+$0x0], $0xffff  }
0x178: {  	v8 =	vld.idx.msk [tilespmem:v15+s6+$0x0], $0xffff;
	[tilespmem:s23+$0x30] =	vst v26  }
0x179: {  	v10 =	vld.idx.msk [tilespmem:v13+s6+$0x0], $0xffff;
	[tilespmem:s23+$0x40] =	vst v27  }
0x17a: {  	v12 =	vld.idx.msk [tilespmem:v12+s6+$0x0], $0xffff;
	[tilespmem:s23+$0x50] =	vst v28  }
0x17b: {  	v11 =	vld.idx.msk [tilespmem:v11+s6+$0x0], $0xffff;
	[tilespmem:s23+$0x60] =	vst v29  }
0x17c: {  	v9 =	vld.idx.msk [tilespmem:v9+s6+$0x0], $0xffff;
	[tilespmem:s24+$0xFFFFFF00] =	vst v0  }
0x17d: {  	v58 =	vld.idx.msk [tilespmem:v7+s6+$0x0], $0xffff;
	[tilespmem:s24+$0xFFFFFF10] =	vst v8  }
0x17e: {  	v6 =	vld.idx.msk [tilespmem:v6+s6+$0x0], $0xffff;
	[tilespmem:s24+$0xFFFFFF20] =	vst v10  }
0x17f: {  	v59 =	vor.u32 v24, v16;
	v5 =	vld.idx.msk [tilespmem:v5+s6+$0x0], $0xffff;
	[tilespmem:s24+$0xFFFFFF30] =	vst v12  }
0x180: {  	v60 =	vor.u32 v23, v17;
	v4 =	vld.idx.msk [tilespmem:v4+s6+$0x0], $0xffff;
	[tilespmem:s24+$0xFFFFFF40] =	vst v11  }
0x181: {  	v3 =	vld.idx.msk [tilespmem:v3+s6+$0x0], $0xffff;
	[tilespmem:s24+$0xFFFFFF50] =	vst v9  }
0x182: {  	v2 =	vld.idx.msk [tilespmem:v2+s6+$0x0], $0xffff;
	[tilespmem:s24+$0xFFFFFF60] =	vst v58  }
0x183: {  	v61 =	vld.idx.msk [tilespmem:v1+s6+$0x0], $0xffff;
	[tilespmem:s24+$0xFFFFFF70] =	vst v6  }
0x184: {  	s9 =	smul.u32 $0xC8000, s20;
	s15 =	sshll.u32 s22, $0xD;
	v62 =	vld.idx.msk [tilespmem:v59+s6+$0x0], $0xffff;
	[tilespmem:s24+$0x0] =	vst v5  }
0x185: {  	p2 =	sge.u32 s18, s12;
	s15 =	sand.u32 $0xF8000, s15;
	v63 =	vld.idx.msk [tilespmem:v60+s6+$0x0], $0xffff;
	[tilespmem:s24+$0x10] =	vst v4  }
0x186: {  	s25 =	sand.u32 $0x300, s21;
	s16 =	sadd.s32 @!p2 $0x40, s19;
	s9 =	sadd.s32 s15, s9;
	[tilespmem:s24+$0x20] =	vst v3  }
0x187: {  	s15 =	smulhi.u32 @!p2 $0x51EB851F, s16;
	s9 =	sor.u32 s25, s9;
	[tilespmem:s24+$0x30] =	vst v2  }
0x188: {  	s9 =	sadd.s32 $0x960000, s9;
	[tilespmem:s24+$0x40] =	vst v61  }
0x189: {  	s15 =	sshrl.u32 @!p2 s15, $0x5;
	s9 =	sshrl.u32 s9, $0x3;
	[tilespmem:s24+$0x50] =	vst v62  }
0x18a: {  	s15 =	smul.u32 @!p2 $0x64, s15;
	s9 =	sadd.s32 s3, s9;
	[tilespmem:s24+$0x60] =	vst v63  }
0x18b: {  	[hbm4b:s9+s29] =	stream.strided.scatter [tilespmem:s31], [sflag:$0x3], $0x2000, s30, s29, $0x38;
	[tilespmem:$0xE200] =	vst v63  }
0x18c: {  	s9 =	ssub.s32 @!p2 s16, s15  }
0x18d: {  	s9 =	sshll.u32 @!p2 s9, $0xA  }
0x18e: {  	s15 =	simm.s32 @!p2 $0x0;
	s16 =	simm.s32 @!p2 $0x200;
	s9 =	sadd.s32 @!p2 s1, s9  }
0x18f: {  	[tilespmem:s16], [sflag:$0x1] =	stream.linear.gather @!p2 [hbm4b:s9+s15], $0x2000, $0x38;
	[tilespmem:$0xE200] =	vst v63  }
0x190: {  	s9 =	sor.u32 $0x1, s18  }
0x191: {  	p2 =	sge.u32 s9, s8  }
.Ltmp8:
0x192: {  	_ = 	snop;
	(pc) =	sbr.rel @p2 .LBB2_15-.Ltmp8, $1  }
0x193: {  	_ =	sdelay $0x3  }
0x194: {  	_ =	swait.ge [sflag:s0], $0x2000  }
0x195: {  	[sflag:s0] =	ssyncset.done $0x0  }
0x196: {  	s15 =	simm.s32 @!p1 $0x4;
	[sflag:s0] =	ssyncadd.s32 $0xFFFFE000  }
0x197: {  	_ =	swait.ge @!p1 [sflag:s15], $0x2000  }
0x198: {  	[sflag:s15] =	ssyncset.done @!p1 $0x0  }
0x199: {  	s22 =	simm.s32 $0x2280;
	[sflag:s15] =	ssyncadd.s32 @!p1 $0xFFFFE000  }
0x19a: {  	v1 =	vld [tilespmem:s22+$0x70]  }
0x19b: {  	v2 =	vld [tilespmem:s22+$0xFFFFFF90]  }
0x19c: {  	v3 =	vld [tilespmem:s22+$0xFFFFFFA0]  }
0x19d: {  	v4 =	vld [tilespmem:s22+$0xFFFFFFB0]  }
0x19e: {  	v5 =	vld [tilespmem:s22+$0xFFFFFFC0]  }
0x19f: {  	v6 =	vld [tilespmem:s22+$0xFFFFFFD0]  }
0x1a0: {  	v7 =	vld [tilespmem:s22+$0xFFFFFFE0]  }
0x1a1: {  	s9 =	sshll.u32 s9, $0x5;
	v9 =	vld [tilespmem:s22+$0xFFFFFFF0]  }
0x1a2: {  	s19 =	sor.u32 s7, s9;
	v11 =	vld [tilespmem:s22+$0x0]  }
0x1a3: {  	s9 =	smulhi.u32 $0x51EB851F, s19;
	v13 =	vld [tilespmem:s22+$0x10]  }
0x1a4: {  	v14 =	vld [tilespmem:s22+$0x20]  }
0x1a5: {  	s20 =	sshrl.u32 s9, $0x5;
	v17 =	vld [tilespmem:s22+$0x30]  }
0x1a6: {  	v0 =	vmov s20;
	v19 =	vld [tilespmem:s22+$0x40]  }
0x1a7: {  	v0 =	vshll.u32 v0, $0x7;
	v21 =	vld [tilespmem:s22+$0x50]  }
0x1a8: {  	v24 =	vld [tilespmem:s22+$0x60];
	v0 =	vbroadcast v0, $0x0  }
0x1a9: {  	v25 =	vld [tilespmem:s22+$0xFFFFFF80];
	v1 =	vadd.s32 $0x1, v1;
	v2 =	vadd.s32 $0x1, v2;
	v3 =	vadd.s32 $0x1, v3  }
0x1aa: {  	v4 =	vadd.s32 $0x1, v4;
	v5 =	vadd.s32 $0x1, v5;
	v6 =	vadd.s32 $0x1, v6  }
0x1ab: {  	v7 =	vadd.s32 $0x1, v7;
	v9 =	vadd.s32 $0x1, v9;
	v11 =	vadd.s32 $0x1, v11  }
0x1ac: {  	v13 =	vadd.s32 $0x1, v13;
	v14 =	vadd.s32 $0x1, v14;
	v17 =	vadd.s32 $0x1, v17  }
0x1ad: {  	v19 =	vadd.s32 $0x1, v19;
	v21 =	vadd.s32 $0x1, v21;
	v24 =	vadd.s32 $0x1, v24  }
0x1ae: {  	v25 =	vadd.s32 $0x1, v25;
	v8 =	vand.u32 $0xFFFFFF80, v1;
	v1 =	vand.u32 $0x7F, v1  }
0x1af: {  	v10 =	vand.u32 $0xFFFFFF80, v2;
	v12 =	vand.u32 $0xFFFFFF80, v4;
	v15 =	vand.u32 $0xFFFFFF80, v5  }
0x1b0: {  	v16 =	vand.u32 $0xFFFFFF80, v6;
	v18 =	vand.u32 $0xFFFFFF80, v7;
	v20 =	vand.u32 $0xFFFFFF80, v9  }
0x1b1: {  	v22 =	vand.u32 $0xFFFFFF80, v11;
	v23 =	vand.u32 $0xFFFFFF80, v13;
	v26 =	vand.u32 $0xFFFFFF80, v14  }
0x1b2: {  	v27 =	vand.u32 $0xFFFFFF80, v17;
	v28 =	vand.u32 $0xFFFFFF80, v19;
	v2 =	vand.u32 $0x7F, v2  }
0x1b3: {  	v29 =	vand.u32 $0xFFFFFF80, v21;
	v30 =	vand.u32 $0xFFFFFF80, v24;
	v31 =	vand.u32 $0xFFFFFF80, v25  }
0x1b4: {  	v25 =	vand.u32 $0x7F, v25;
	v4 =	vand.u32 $0x7F, v4;
	v5 =	vand.u32 $0x7F, v5  }
0x1b5: {  	v6 =	vand.u32 $0x7F, v6;
	v7 =	vand.u32 $0x7F, v7;
	v9 =	vand.u32 $0x7F, v9  }
0x1b6: {  	v11 =	vand.u32 $0x7F, v11;
	v13 =	vand.u32 $0x7F, v13;
	v14 =	vand.u32 $0x7F, v14  }
0x1b7: {  	v17 =	vand.u32 $0x7F, v17;
	v19 =	vand.u32 $0x7F, v19;
	v21 =	vand.u32 $0x7F, v21  }
0x1b8: {  	s23 =	simm.s32 $0x2380;
	v24 =	vand.u32 $0x7F, v24;
	v8 =	vadd.s32 v0, v8;
	v31 =	vadd.s32 v0, v31  }
0x1b9: {  	v10 =	vadd.s32 v0, v10;
	v12 =	vadd.s32 v0, v12;
	v25 =	vor.u32 v25, v31;
	v31 =	vld [tilespmem:s23+$0x70]  }
0x1ba: {  	v15 =	vadd.s32 v0, v15;
	v16 =	vadd.s32 v0, v16;
	v2 =	vor.u32 v2, v10;
	v10 =	vld [tilespmem:s23+$0xFFFFFFA0]  }
0x1bb: {  	v18 =	vadd.s32 v0, v18;
	v26 =	vadd.s32 v0, v26;
	v4 =	vor.u32 v4, v12;
	v12 =	vld [tilespmem:s23+$0xFFFFFFB0]  }
0x1bc: {  	v20 =	vadd.s32 v0, v20;
	v5 =	vor.u32 v5, v15;
	v15 =	vor.u32 v14, v26;
	v14 =	vld [tilespmem:s23+$0xFFFFFFC0]  }
0x1bd: {  	v22 =	vadd.s32 v0, v22;
	v27 =	vadd.s32 v0, v27;
	v6 =	vor.u32 v6, v16;
	v16 =	vld [tilespmem:s23+$0xFFFFFFD0]  }
0x1be: {  	v28 =	vadd.s32 v0, v28;
	v29 =	vadd.s32 v0, v29;
	v7 =	vor.u32 v7, v18;
	v18 =	vld [tilespmem:s23+$0xFFFFFFE0]  }
0x1bf: {  	v30 =	vadd.s32 v0, v30;
	v1 =	vor.u32 v1, v8;
	v9 =	vor.u32 v9, v20;
	v20 =	vld [tilespmem:s23+$0xFFFFFFF0]  }
0x1c0: {  	v8 =	vand.u32 $0xFFFFFF80, v3;
	v11 =	vor.u32 v11, v22;
	v26 =	vor.u32 v17, v27;
	v22 =	vld [tilespmem:s23+$0x0]  }
0x1c1: {  	v27 =	vor.u32 v19, v28;
	v28 =	vor.u32 v21, v29;
	v29 =	vor.u32 v24, v30;
	v24 =	vld [tilespmem:s23+$0x10]  }
0x1c2: {  	v23 =	vadd.s32 v0, v23;
	v3 =	vand.u32 $0x7F, v3;
	v8 =	vadd.s32 v0, v8  }
0x1c3: {  	v13 =	vor.u32 v13, v23;
	v3 =	vor.u32 v3, v8;
	v8 =	vld [tilespmem:s23+$0xFFFFFF90]  }
0x1c4: {  	v17 =	vadd.s32 $0x1, v31;
	v10 =	vadd.s32 $0x1, v10;
	v12 =	vadd.s32 $0x1, v12  }
0x1c5: {  	v14 =	vadd.s32 $0x1, v14;
	v31 =	vadd.s32 $0x1, v16;
	v33 =	vadd.s32 $0x1, v18  }
0x1c6: {  	v38 =	vld [tilespmem:s23+$0x50];
	v35 =	vadd.s32 $0x1, v20;
	v22 =	vadd.s32 $0x1, v22;
	v24 =	vadd.s32 $0x1, v24  }
0x1c7: {  	v41 =	vld [tilespmem:s23+$0xFFFFFF80];
	v19 =	vand.u32 $0xFFFFFF80, v17;
	v17 =	vand.u32 $0x7F, v17;
	v23 =	vand.u32 $0xFFFFFF80, v12  }
0x1c8: {  	v1 =	vld.idx.msk [tilespmem:v1+s6+$0x0], $0xffff;
	v12 =	vand.u32 $0x7F, v12;
	v61 =	vand.u32 $0x7F, v24;
	v8 =	vadd.s32 $0x1, v8  }
0x1c9: {  	v16 =	vld [tilespmem:s23+$0x20];
	v19 =	vadd.s32 v0, v19;
	v34 =	vadd.s32 v0, v23;
	v23 =	vand.u32 $0xFFFFFF80, v33  }
0x1ca: {  	v18 =	vld [tilespmem:s23+$0x30];
	v33 =	vand.u32 $0x7F, v33;
	v21 =	vand.u32 $0xFFFFFF80, v8;
	v17 =	vor.u32 v17, v19  }
0x1cb: {  	v20 =	vld [tilespmem:s23+$0x40];
	v19 =	vand.u32 $0xFFFFFF80, v10;
	v39 =	vadd.s32 v0, v23;
	v23 =	vand.u32 $0xFFFFFF80, v24  }
0x1cc: {  	v2 =	vld.idx.msk [tilespmem:v2+s6+$0x0], $0xffff;
	v8 =	vand.u32 $0x7F, v8;
	v10 =	vand.u32 $0x7F, v10;
	v30 =	vadd.s32 v0, v21  }
0x1cd: {  	v4 =	vld.idx.msk [tilespmem:v4+s6+$0x0], $0xffff;
	v21 =	vand.u32 $0xFFFFFF80, v14;
	v32 =	vadd.s32 v0, v19;
	v19 =	vand.u32 $0xFFFFFF80, v31  }
0x1ce: {  	v5 =	vld.idx.msk [tilespmem:v5+s6+$0x0], $0xffff;
	v46 =	vadd.s32 v0, v23;
	v23 =	vadd.s32 $0x1, v38;
	v31 =	vand.u32 $0x7F, v31  }
0x1cf: {  	s9 =	simm.s32 $0x6300;
	v26 =	vld.idx.msk [tilespmem:v26+s6+$0x0], $0xffff;
	v36 =	vadd.s32 v0, v21;
	v21 =	vand.u32 $0xFFFFFF80, v35;
	v37 =	vadd.s32 v0, v19  }
0x1d0: {  	v3 =	vld.idx.msk [tilespmem:v3+s6+$0x0], $0xffff;
	v19 =	vand.u32 $0xFFFFFF80, v22;
	v40 =	vadd.s32 $0x1, v16;
	v43 =	vadd.s32 $0x1, v18;
	[tilespmem:s9+$0x70] =	vst v1  }
0x1d1: {  	v16 =	vld [tilespmem:s23+$0x60];
	v45 =	vadd.s32 $0x1, v20;
	v1 =	vadd.s32 $0x1, v41;
	[tilespmem:s9+$0xFFFFFF10] =	vst v2;
	v2 =	vand.u32 $0x7F, v35  }
0x1d2: {  	[tilespmem:s9+$0xFFFFFF30] =	vst v4;
	v24 =	vand.u32 $0x7F, v23;
	v4 =	vor.u32 v61, v46;
	v44 =	vadd.s32 v0, v19;
	v19 =	vld.idx.msk [tilespmem:v25+s6+$0x0], $0xffff  }
0x1d3: {  	v27 =	vld.idx.msk [tilespmem:v27+s6+$0x0], $0xffff;
	v42 =	vadd.s32 v0, v21;
	v21 =	vand.u32 $0xFFFFFF80, v40;
	v18 =	vand.u32 $0xFFFFFF80, v43  }
0x1d4: {  	v20 =	vand.u32 $0xFFFFFF80, v45;
	v62 =	vand.u32 $0x7F, v43;
	v63 =	vand.u32 $0x7F, v45;
	v17 =	vld.idx.msk [tilespmem:v17+s6+$0x0], $0xffff  }
0x1d5: {  	v28 =	vld.idx.msk [tilespmem:v28+s6+$0x0], $0xffff;
	v47 =	vadd.s32 v0, v21;
	v48 =	vadd.s32 v0, v18;
	v49 =	vadd.s32 v0, v20  }
0x1d6: {  	v18 =	vand.u32 $0xFFFFFF80, v23;
	v20 =	vand.u32 $0xFFFFFF80, v1;
	v1 =	vand.u32 $0x7F, v1;
	[tilespmem:s9+$0xFFFFFF20] =	vst v3;
	v21 =	vld.idx.msk [tilespmem:v11+s6+$0x0], $0xffff  }
0x1d7: {  	v3 =	vand.u32 $0x7F, v40;
	v11 =	vor.u32 v12, v34;
	v25 =	vadd.s32 $0x1, v16;
	[tilespmem:s9+$0xFFFFFF00] =	vst v19;
	v19 =	vld.idx.msk [tilespmem:v7+s6+$0x0], $0xffff  }
0x1d8: {  	s25 =	simm.s32 $0x6500;
	v16 =	vadd.s32 v0, v18;
	v18 =	vand.u32 $0xFFFFFF80, v25;
	v23 =	vand.u32 $0x7F, v25;
	v25 =	vld.idx.msk [tilespmem:v15+s6+$0x0], $0xffff  }
0x1d9: {  	v3 =	vor.u32 v3, v47;
	v7 =	vand.u32 $0x7F, v14;
	[tilespmem:s25+$0x70] =	vst v17;
	v17 =	vadd.s32 v0, v18;
	v18 =	vld.idx.msk [tilespmem:v6+s6+$0x0], $0xffff  }
0x1da: {  	s24 =	smul.u32 $0x64, s20;
	v15 =	vor.u32 v8, v30;
	v8 =	vor.u32 v31, v37;
	v6 =	vadd.s32 v0, v20;
	v20 =	vld.idx.msk [tilespmem:v9+s6+$0x0], $0xffff  }
0x1db: {  	v9 =	vand.u32 $0x7F, v22;
	v22 =	vld.idx.msk [tilespmem:v13+s6+$0x0], $0xffff;
	v13 =	vor.u32 v10, v32;
	v10 =	vor.u32 v7, v36  }
0x1dc: {  	s16 =	simm.s32 $0x2480;
	s15 =	simm.s32 $0x100;
	s22 =	ssub.s32 s19, s24;
	v29 =	vld.idx.msk [tilespmem:v29+s6+$0x0], $0xffff;
	v7 =	vor.u32 v33, v39;
	v14 =	vor.u32 v1, v6;
	v6 =	vor.u32 v2, v42  }
0x1dd: {  	s24 =	simm.s32 $0x32F0;
	s21 =	sshll.u32 s22, $0x8;
	[tilespmem:s9+$0xFFFFFF40] =	vst v5;
	s23 =	simm.s32 $0x6380;
	v5 =	vor.u32 v9, v44;
	v2 =	vor.u32 v62, v48;
	v1 =	vor.u32 v63, v49  }
.LBB2_11:
0x1de: {  	v30 =	vld [tilespmem:s16+$0x70];
	s15 =	sadd.s32 $0x100, s15;
	v12 =	vor.u32 v24, v16;
	v9 =	vor.u32 v23, v17;
	[tilespmem:s9+$0xFFFFFF50] =	vst v18  }
0x1df: {  	v16 =	vld [tilespmem:s16+$0xFFFFFF90];
	p1 =	slt.u32 s15, $0xF00;
	[tilespmem:s9+$0xFFFFFF60] =	vst v19  }
0x1e0: {  	v17 =	vld [tilespmem:s16+$0xFFFFFFA0];
	[tilespmem:s9+$0xFFFFFF70] =	vst v20  }
0x1e1: {  	v18 =	vld [tilespmem:s16+$0xFFFFFFB0];
	[tilespmem:s9+$0x0] =	vst v21  }
0x1e2: {  	v19 =	vld [tilespmem:s16+$0xFFFFFFC0];
	[tilespmem:s9+$0x10] =	vst v22  }
0x1e3: {  	v20 =	vld [tilespmem:s16+$0xFFFFFFD0];
	v21 =	vadd.s32 $0x1, v30;
	[tilespmem:s9+$0x20] =	vst v25  }
0x1e4: {  	v16 =	vadd.s32 $0x1, v16;
	v22 =	vld [tilespmem:s16+$0xFFFFFFE0];
	v23 =	vand.u32 $0xFFFFFF80, v21;
	[tilespmem:s9+$0x30] =	vst v26  }
0x1e5: {  	v21 =	vand.u32 $0x7F, v21;
	v24 =	vadd.s32 $0x1, v17;
	v17 =	vld [tilespmem:s16+$0xFFFFFFF0];
	v23 =	vadd.s32 v0, v23;
	[tilespmem:s9+$0x40] =	vst v27  }
0x1e6: {  	v25 =	vand.u32 $0xFFFFFF80, v16;
	v26 =	vadd.s32 $0x1, v18;
	v18 =	vld [tilespmem:s16+$0x0];
	v21 =	vor.u32 v21, v23;
	[tilespmem:s9+$0x50] =	vst v28  }
0x1e7: {  	v23 =	vand.u32 $0xFFFFFF80, v24;
	v27 =	vand.u32 $0xFFFFFF80, v26;
	v28 =	vadd.s32 $0x1, v19;
	v19 =	vld [tilespmem:s16+$0x10];
	[tilespmem:s9+$0x60] =	vst v29;
	s9 =	smov.u32 s25  }
0x1e8: {  	v29 =	vadd.s32 v0, v25;
	v25 =	vand.u32 $0xFFFFFF80, v28;
	v20 =	vadd.s32 $0x1, v20;
	v30 =	vld [tilespmem:s16+$0x20]  }
0x1e9: {  	v31 =	vadd.s32 v0, v23;
	v23 =	vand.u32 $0xFFFFFF80, v20;
	v22 =	vadd.s32 $0x1, v22;
	v32 =	vld [tilespmem:s16+$0x30]  }
0x1ea: {  	v27 =	vadd.s32 v0, v27;
	v33 =	vand.u32 $0xFFFFFF80, v22;
	v34 =	vadd.s32 $0x1, v17;
	v17 =	vld [tilespmem:s16+$0x40]  }
0x1eb: {  	v35 =	vadd.s32 v0, v25;
	v25 =	vand.u32 $0xFFFFFF80, v34;
	v36 =	vadd.s32 $0x1, v18;
	v18 =	vld.idx.msk [tilespmem:v21+s6+$0x0], $0xffff  }
0x1ec: {  	v37 =	vadd.s32 v0, v23;
	v21 =	vand.u32 $0xFFFFFF80, v36;
	v23 =	vadd.s32 $0x1, v19;
	v19 =	vld [tilespmem:s16+$0x50]  }
0x1ed: {  	v33 =	vadd.s32 v0, v33;
	v38 =	vand.u32 $0xFFFFFF80, v23;
	v30 =	vadd.s32 $0x1, v30;
	v39 =	vld [tilespmem:s16+$0x60]  }
0x1ee: {  	v41 =	vadd.s32 v0, v25;
	v40 =	vld [tilespmem:s16+$0xFFFFFF80];
	v25 =	vand.u32 $0xFFFFFF80, v30;
	v32 =	vadd.s32 $0x1, v32  }
0x1ef: {  	v42 =	vadd.s32 v0, v21;
	v21 =	vand.u32 $0xFFFFFF80, v32;
	v43 =	vadd.s32 $0x1, v17;
	v14 =	vld.idx.msk [tilespmem:v14+s6+$0x0], $0xffff  }
0x1f0: {  	s25 =	sadd.s32 $0x200, s25;
	v38 =	vadd.s32 v0, v38;
	v44 =	vadd.s32 v0, v25;
	v17 =	vand.u32 $0xFFFFFF80, v43;
	v15 =	vld.idx.msk [tilespmem:v15+s6+$0x0], $0xffff  }
0x1f1: {  	v45 =	vadd.s32 v0, v21;
	v46 =	vadd.s32 v0, v17;
	v25 =	vadd.s32 $0x1, v19;
	[tilespmem:s25+$0x70] =	vst v18;
	v13 =	vld.idx.msk [tilespmem:v13+s6+$0x0], $0xffff  }
0x1f2: {  	v47 =	vand.u32 $0x7F, v16;
	v16 =	vand.u32 $0xFFFFFF80, v25;
	v39 =	vadd.s32 $0x1, v39;
	v11 =	vld.idx.msk [tilespmem:v11+s6+$0x0], $0xffff  }
0x1f3: {  	v17 =	vadd.s32 $0x1, v40;
	v16 =	vadd.s32 v0, v16;
	v18 =	vand.u32 $0xFFFFFF80, v39;
	v10 =	vld.idx.msk [tilespmem:v10+s6+$0x0], $0xffff  }
0x1f4: {  	v19 =	vand.u32 $0xFFFFFF80, v17;
	v40 =	vand.u32 $0x7F, v17;
	v17 =	vadd.s32 v0, v18;
	v18 =	vld.idx.msk [tilespmem:v8+s6+$0x0], $0xffff  }
0x1f5: {  	v48 =	vand.u32 $0x7F, v24;
	v26 =	vand.u32 $0x7F, v26;
	v8 =	vadd.s32 v0, v19;
	[tilespmem:s9+$0xFFFFFF00] =	vst v14;
	v19 =	vld.idx.msk [tilespmem:v7+s6+$0x0], $0xffff  }
0x1f6: {  	v49 =	vand.u32 $0x7F, v22;
	v7 =	vand.u32 $0x7F, v28;
	v28 =	vand.u32 $0x7F, v20;
	[tilespmem:s9+$0xFFFFFF10] =	vst v15;
	v20 =	vld.idx.msk [tilespmem:v6+s6+$0x0], $0xffff  }
0x1f7: {  	v6 =	vand.u32 $0x7F, v34;
	v34 =	vand.u32 $0x7F, v36;
	v36 =	vand.u32 $0x7F, v23;
	[tilespmem:s9+$0xFFFFFF20] =	vst v13;
	v21 =	vld.idx.msk [tilespmem:v5+s6+$0x0], $0xffff  }
0x1f8: {  	v30 =	vand.u32 $0x7F, v30;
	v32 =	vand.u32 $0x7F, v32;
	v43 =	vand.u32 $0x7F, v43;
	[tilespmem:s9+$0xFFFFFF30] =	vst v11;
	v22 =	vld.idx.msk [tilespmem:v4+s6+$0x0], $0xffff  }
.Ltmp9:
0x1f9: {  	v24 =	vand.u32 $0x7F, v25;
	v14 =	vor.u32 v40, v8;
	v23 =	vand.u32 $0x7F, v39;
	[tilespmem:s9+$0xFFFFFF40] =	vst v10;
	v25 =	vld.idx.msk [tilespmem:v3+s6+$0x0], $0xffff;
	(pc) =	sbr.rel @p1 .LBB2_11-.Ltmp9, $4  }
0x1fa: {  	v15 =	vor.u32 v47, v29;
	v13 =	vor.u32 v48, v31;
	v11 =	vor.u32 v26, v27;
	v26 =	vld.idx.msk [tilespmem:v2+s6+$0x0], $0xffff  }
0x1fb: {  	v8 =	vor.u32 v28, v37;
	v10 =	vor.u32 v7, v35;
	v7 =	vor.u32 v49, v33;
	v27 =	vld.idx.msk [tilespmem:v1+s6+$0x0], $0xffff  }
0x1fc: {  	v6 =	vor.u32 v6, v41;
	v5 =	vor.u32 v34, v42;
	v4 =	vor.u32 v36, v38;
	v28 =	vld.idx.msk [tilespmem:v12+s6+$0x0], $0xffff  }
0x1fd: {  	s16 =	sadd.s32 $0x100, s16;
	v3 =	vor.u32 v30, v44;
	v2 =	vor.u32 v32, v45;
	v1 =	vor.u32 v43, v46;
	v29 =	vld.idx.msk [tilespmem:v9+s6+$0x0], $0xffff  }
0x1fe: {  	[tilespmem:s9+$0xFFFFFF50] =	vst v18  }
0x1ff: {  	[tilespmem:s9+$0xFFFFFF60] =	vst v19  }
0x200: {  	[tilespmem:s9+$0xFFFFFF70] =	vst v20  }
0x201: {  	[tilespmem:s9+$0x0] =	vst v21  }
0x202: {  	[tilespmem:s9+$0x10] =	vst v22  }
0x203: {  	[tilespmem:s9+$0x20] =	vst v25;
	v9 =	vld.idx.msk [tilespmem:v14+s6+$0x0], $0xffff  }
0x204: {  	v12 =	vld.idx.msk [tilespmem:v15+s6+$0x0], $0xffff;
	[tilespmem:s9+$0x30] =	vst v26  }
0x205: {  	v13 =	vld.idx.msk [tilespmem:v13+s6+$0x0], $0xffff;
	[tilespmem:s9+$0x40] =	vst v27  }
0x206: {  	v11 =	vld.idx.msk [tilespmem:v11+s6+$0x0], $0xffff;
	[tilespmem:s9+$0x50] =	vst v28  }
0x207: {  	v10 =	vld.idx.msk [tilespmem:v10+s6+$0x0], $0xffff;
	[tilespmem:s9+$0x60] =	vst v29  }
0x208: {  	v8 =	vld.idx.msk [tilespmem:v8+s6+$0x0], $0xffff;
	[tilespmem:s25+$0xFFFFFF00] =	vst v9  }
0x209: {  	v7 =	vld.idx.msk [tilespmem:v7+s6+$0x0], $0xffff;
	[tilespmem:s25+$0xFFFFFF10] =	vst v12  }
0x20a: {  	v6 =	vld.idx.msk [tilespmem:v6+s6+$0x0], $0xffff;
	[tilespmem:s25+$0xFFFFFF20] =	vst v13  }
0x20b: {  	v5 =	vld.idx.msk [tilespmem:v5+s6+$0x0], $0xffff;
	v9 =	vor.u32 v24, v16;
	[tilespmem:s25+$0xFFFFFF30] =	vst v11  }
0x20c: {  	v4 =	vld.idx.msk [tilespmem:v4+s6+$0x0], $0xffff;
	v11 =	vor.u32 v23, v17;
	[tilespmem:s25+$0xFFFFFF40] =	vst v10  }
0x20d: {  	v3 =	vld.idx.msk [tilespmem:v3+s6+$0x0], $0xffff;
	[tilespmem:s25+$0xFFFFFF50] =	vst v8  }
0x20e: {  	v2 =	vld.idx.msk [tilespmem:v2+s6+$0x0], $0xffff;
	[tilespmem:s25+$0xFFFFFF60] =	vst v7  }
0x20f: {  	v1 =	vld.idx.msk [tilespmem:v1+s6+$0x0], $0xffff;
	[tilespmem:s25+$0xFFFFFF70] =	vst v6  }
0x210: {  	[tilespmem:s25+$0x0] =	vst v5;
	v6 =	vld.idx.msk [tilespmem:v9+s6+$0x0], $0xffff  }
0x211: {  	[tilespmem:s25+$0x10] =	vst v4;
	v5 =	vld.idx.msk [tilespmem:v11+s6+$0x0], $0xffff  }
0x212: {  	[tilespmem:s25+$0x20] =	vst v3  }
0x213: {  	[tilespmem:s25+$0x30] =	vst v2  }
0x214: {  	[tilespmem:s25+$0x40] =	vst v1  }
0x215: {  	[tilespmem:s25+$0x50] =	vst v6  }
0x216: {  	[tilespmem:s25+$0x60] =	vst v5  }
0x217: {  	v1 =	vld [tilespmem:s24+$0x0]  }
0x218: {  	v2 =	vld [tilespmem:s24+$0xFFFFFF20]  }
0x219: {  	v3 =	vld [tilespmem:s24+$0xFFFFFF30]  }
0x21a: {  	v4 =	vld [tilespmem:s24+$0xFFFFFF40]  }
0x21b: {  	v5 =	vld [tilespmem:s24+$0xFFFFFF50]  }
0x21c: {  	v6 =	vld [tilespmem:s24+$0xFFFFFF60]  }
0x21d: {  	v7 =	vld [tilespmem:s24+$0xFFFFFF70]  }
0x21e: {  	v9 =	vld [tilespmem:s24+$0xFFFFFF80]  }
0x21f: {  	v11 =	vld [tilespmem:s24+$0xFFFFFF90]  }
0x220: {  	v13 =	vld [tilespmem:s24+$0xFFFFFFA0]  }
0x221: {  	v14 =	vld [tilespmem:s24+$0xFFFFFFB0]  }
0x222: {  	v17 =	vld [tilespmem:s24+$0xFFFFFFC0]  }
0x223: {  	v19 =	vld [tilespmem:s24+$0xFFFFFFD0]  }
0x224: {  	v21 =	vld [tilespmem:s24+$0xFFFFFFE0]  }
0x225: {  	v24 =	vld [tilespmem:s24+$0xFFFFFFF0]  }
0x226: {  	v25 =	vld [tilespmem:s24+$0xFFFFFF10];
	v1 =	vadd.s32 $0x1, v1;
	v2 =	vadd.s32 $0x1, v2;
	v3 =	vadd.s32 $0x1, v3  }
0x227: {  	v4 =	vadd.s32 $0x1, v4;
	v5 =	vadd.s32 $0x1, v5;
	v6 =	vadd.s32 $0x1, v6  }
0x228: {  	v7 =	vadd.s32 $0x1, v7;
	v9 =	vadd.s32 $0x1, v9;
	v11 =	vadd.s32 $0x1, v11  }
0x229: {  	v13 =	vadd.s32 $0x1, v13;
	v14 =	vadd.s32 $0x1, v14;
	v17 =	vadd.s32 $0x1, v17  }
0x22a: {  	v19 =	vadd.s32 $0x1, v19;
	v21 =	vadd.s32 $0x1, v21;
	v24 =	vadd.s32 $0x1, v24  }
0x22b: {  	v25 =	vadd.s32 $0x1, v25;
	v8 =	vand.u32 $0xFFFFFF80, v1;
	v1 =	vand.u32 $0x7F, v1  }
0x22c: {  	v10 =	vand.u32 $0xFFFFFF80, v2;
	v12 =	vand.u32 $0xFFFFFF80, v4;
	v15 =	vand.u32 $0xFFFFFF80, v5  }
0x22d: {  	v16 =	vand.u32 $0xFFFFFF80, v6;
	v18 =	vand.u32 $0xFFFFFF80, v7;
	v20 =	vand.u32 $0xFFFFFF80, v9  }
0x22e: {  	v22 =	vand.u32 $0xFFFFFF80, v11;
	v23 =	vand.u32 $0xFFFFFF80, v13;
	v26 =	vand.u32 $0xFFFFFF80, v14  }
0x22f: {  	v27 =	vand.u32 $0xFFFFFF80, v17;
	v28 =	vand.u32 $0xFFFFFF80, v19;
	v2 =	vand.u32 $0x7F, v2  }
0x230: {  	v29 =	vand.u32 $0xFFFFFF80, v21;
	v30 =	vand.u32 $0xFFFFFF80, v24;
	v31 =	vand.u32 $0xFFFFFF80, v25  }
0x231: {  	v25 =	vand.u32 $0x7F, v25;
	v4 =	vand.u32 $0x7F, v4;
	v5 =	vand.u32 $0x7F, v5  }
0x232: {  	v6 =	vand.u32 $0x7F, v6;
	v7 =	vand.u32 $0x7F, v7;
	v9 =	vand.u32 $0x7F, v9  }
0x233: {  	v11 =	vand.u32 $0x7F, v11;
	v13 =	vand.u32 $0x7F, v13;
	v14 =	vand.u32 $0x7F, v14  }
0x234: {  	v17 =	vand.u32 $0x7F, v17;
	v19 =	vand.u32 $0x7F, v19;
	v21 =	vand.u32 $0x7F, v21  }
0x235: {  	s25 =	simm.s32 $0x33F0;
	v24 =	vand.u32 $0x7F, v24;
	v8 =	vadd.s32 v0, v8;
	v31 =	vadd.s32 v0, v31  }
0x236: {  	v10 =	vadd.s32 v0, v10;
	v12 =	vadd.s32 v0, v12;
	v25 =	vor.u32 v25, v31;
	v31 =	vld [tilespmem:s25+$0x0]  }
0x237: {  	v15 =	vadd.s32 v0, v15;
	v16 =	vadd.s32 v0, v16;
	v2 =	vor.u32 v2, v10;
	v10 =	vld [tilespmem:s25+$0xFFFFFF30]  }
0x238: {  	v18 =	vadd.s32 v0, v18;
	v26 =	vadd.s32 v0, v26;
	v4 =	vor.u32 v4, v12;
	v12 =	vld [tilespmem:s25+$0xFFFFFF40]  }
0x239: {  	v20 =	vadd.s32 v0, v20;
	v5 =	vor.u32 v5, v15;
	v15 =	vor.u32 v14, v26;
	v14 =	vld [tilespmem:s25+$0xFFFFFF50]  }
0x23a: {  	v22 =	vadd.s32 v0, v22;
	v27 =	vadd.s32 v0, v27;
	v6 =	vor.u32 v6, v16;
	v16 =	vld [tilespmem:s25+$0xFFFFFF60]  }
0x23b: {  	v28 =	vadd.s32 v0, v28;
	v29 =	vadd.s32 v0, v29;
	v7 =	vor.u32 v7, v18;
	v18 =	vld [tilespmem:s25+$0xFFFFFF70]  }
0x23c: {  	v30 =	vadd.s32 v0, v30;
	v1 =	vor.u32 v1, v8;
	v9 =	vor.u32 v9, v20;
	v20 =	vld [tilespmem:s25+$0xFFFFFF80]  }
0x23d: {  	v8 =	vand.u32 $0xFFFFFF80, v3;
	v11 =	vor.u32 v11, v22;
	v26 =	vor.u32 v17, v27;
	v22 =	vld [tilespmem:s25+$0xFFFFFF90]  }
0x23e: {  	v27 =	vor.u32 v19, v28;
	v28 =	vor.u32 v21, v29;
	v29 =	vor.u32 v24, v30;
	v24 =	vld [tilespmem:s25+$0xFFFFFFA0]  }
0x23f: {  	v23 =	vadd.s32 v0, v23;
	v3 =	vand.u32 $0x7F, v3;
	v8 =	vadd.s32 v0, v8  }
0x240: {  	v13 =	vor.u32 v13, v23;
	v3 =	vor.u32 v3, v8  }
0x241: {  	v8 =	vld [tilespmem:s25+$0xFFFFFF20];
	v17 =	vadd.s32 $0x1, v31;
	v10 =	vadd.s32 $0x1, v10;
	v12 =	vadd.s32 $0x1, v12  }
0x242: {  	v14 =	vadd.s32 $0x1, v14;
	v31 =	vadd.s32 $0x1, v16;
	v33 =	vadd.s32 $0x1, v18  }
0x243: {  	v38 =	vld [tilespmem:s25+$0xFFFFFFE0];
	v35 =	vadd.s32 $0x1, v20;
	v22 =	vadd.s32 $0x1, v22;
	v24 =	vadd.s32 $0x1, v24  }
0x244: {  	v41 =	vld [tilespmem:s25+$0xFFFFFF10];
	v19 =	vand.u32 $0xFFFFFF80, v17;
	v17 =	vand.u32 $0x7F, v17;
	v23 =	vand.u32 $0xFFFFFF80, v12  }
0x245: {  	v1 =	vld.idx.msk [tilespmem:v1+s6+$0x0], $0xffff;
	v12 =	vand.u32 $0x7F, v12;
	v60 =	vand.u32 $0x7F, v22;
	v61 =	vand.u32 $0x7F, v24  }
0x246: {  	v16 =	vld [tilespmem:s25+$0xFFFFFFB0];
	v8 =	vadd.s32 $0x1, v8;
	v19 =	vadd.s32 v0, v19;
	v34 =	vadd.s32 v0, v23  }
0x247: {  	v18 =	vld [tilespmem:s25+$0xFFFFFFC0];
	v23 =	vand.u32 $0xFFFFFF80, v33;
	v33 =	vand.u32 $0x7F, v33;
	v21 =	vand.u32 $0xFFFFFF80, v8  }
0x248: {  	v20 =	vld [tilespmem:s25+$0xFFFFFFD0];
	v17 =	vor.u32 v17, v19;
	v19 =	vand.u32 $0xFFFFFF80, v10;
	v39 =	vadd.s32 v0, v23  }
0x249: {  	v2 =	vld.idx.msk [tilespmem:v2+s6+$0x0], $0xffff;
	v23 =	vand.u32 $0xFFFFFF80, v24;
	v8 =	vand.u32 $0x7F, v8;
	v10 =	vand.u32 $0x7F, v10  }
0x24a: {  	v4 =	vld.idx.msk [tilespmem:v4+s6+$0x0], $0xffff;
	v12 =	vor.u32 v12, v34;
	v30 =	vadd.s32 v0, v21;
	v21 =	vand.u32 $0xFFFFFF80, v14  }
0x24b: {  	v5 =	vld.idx.msk [tilespmem:v5+s6+$0x0], $0xffff;
	v32 =	vadd.s32 v0, v19;
	v19 =	vand.u32 $0xFFFFFF80, v31;
	v46 =	vadd.s32 v0, v23  }
0x24c: {  	v26 =	vld.idx.msk [tilespmem:v26+s6+$0x0], $0xffff;
	v23 =	vadd.s32 $0x1, v38;
	v31 =	vand.u32 $0x7F, v31;
	v36 =	vadd.s32 v0, v21  }
0x24d: {  	v3 =	vld.idx.msk [tilespmem:v3+s6+$0x0], $0xffff;
	v21 =	vand.u32 $0xFFFFFF80, v35;
	v37 =	vadd.s32 v0, v19;
	v19 =	vand.u32 $0xFFFFFF80, v22;
	[tilespmem:s23+$0x70] =	vst v1  }
0x24e: {  	v40 =	vadd.s32 $0x1, v16;
	v16 =	vld [tilespmem:s25+$0xFFFFFFF0];
	v43 =	vadd.s32 $0x1, v18;
	v45 =	vadd.s32 $0x1, v20;
	[tilespmem:s23+$0xFFFFFF10] =	vst v2  }
0x24f: {  	v1 =	vadd.s32 $0x1, v41;
	v2 =	vand.u32 $0x7F, v35;
	[tilespmem:s23+$0xFFFFFF30] =	vst v4;
	v22 =	vld.idx.msk [tilespmem:v13+s6+$0x0], $0xffff;
	v24 =	vand.u32 $0x7F, v23  }
0x250: {  	v13 =	vor.u32 v10, v32;
	v4 =	vor.u32 v61, v46;
	v44 =	vadd.s32 v0, v19;
	v19 =	vld.idx.msk [tilespmem:v25+s6+$0x0], $0xffff  }
0x251: {  	v42 =	vadd.s32 v0, v21;
	v21 =	vand.u32 $0xFFFFFF80, v40;
	v18 =	vand.u32 $0xFFFFFF80, v43;
	v17 =	vld.idx.msk [tilespmem:v17+s6+$0x0], $0xffff  }
0x252: {  	v27 =	vld.idx.msk [tilespmem:v27+s6+$0x0], $0xffff;
	v20 =	vand.u32 $0xFFFFFF80, v45;
	v62 =	vand.u32 $0x7F, v43;
	v63 =	vand.u32 $0x7F, v45  }
0x253: {  	[tilespmem:s23+$0xFFFFFF40] =	vst v5;
	v47 =	vadd.s32 v0, v21;
	v48 =	vadd.s32 v0, v18;
	v49 =	vadd.s32 v0, v20  }
0x254: {  	v18 =	vand.u32 $0xFFFFFF80, v23;
	v20 =	vand.u32 $0xFFFFFF80, v1;
	[tilespmem:s23+$0xFFFFFF20] =	vst v3;
	v21 =	vld.idx.msk [tilespmem:v11+s6+$0x0], $0xffff;
	v25 =	vadd.s32 $0x1, v16  }
0x255: {  	s24 =	simm.s32 $0x6580;
	v1 =	vand.u32 $0x7F, v1;
	v16 =	vadd.s32 v0, v18;
	v18 =	vand.u32 $0xFFFFFF80, v25;
	[tilespmem:s23+$0xFFFFFF00] =	vst v19;
	v19 =	vld.idx.msk [tilespmem:v7+s6+$0x0], $0xffff  }
0x256: {  	v3 =	vand.u32 $0x7F, v40;
	v5 =	vor.u32 v60, v44;
	[tilespmem:s24+$0x70] =	vst v17;
	v17 =	vadd.s32 v0, v18;
	v18 =	vld.idx.msk [tilespmem:v6+s6+$0x0], $0xffff  }
0x257: {  	v3 =	vor.u32 v3, v47;
	v7 =	vand.u32 $0x7F, v14;
	v23 =	vand.u32 $0x7F, v25;
	v25 =	vld.idx.msk [tilespmem:v15+s6+$0x0], $0xffff  }
0x258: {  	v15 =	vor.u32 v8, v30;
	v11 =	vor.u32 v7, v36;
	v6 =	vadd.s32 v0, v20;
	v20 =	vld.idx.msk [tilespmem:v9+s6+$0x0], $0xffff  }
0x259: {  	v28 =	vld.idx.msk [tilespmem:v28+s6+$0x0], $0xffff;
	v7 =	vor.u32 v33, v39;
	v9 =	vor.u32 v31, v37;
	v14 =	vor.u32 v1, v6  }
0x25a: {  	s15 =	simm.s32 $0x34F0;
	s9 =	simm.s32 $0x100;
	v29 =	vld.idx.msk [tilespmem:v29+s6+$0x0], $0xffff;
	v6 =	vor.u32 v2, v42;
	v2 =	vor.u32 v62, v48;
	v1 =	vor.u32 v63, v49  }
.LBB2_13:
0x25b: {  	v30 =	vld [tilespmem:s15+$0x0];
	s9 =	sadd.s32 $0x100, s9;
	v10 =	vor.u32 v24, v16;
	v8 =	vor.u32 v23, v17;
	[tilespmem:s23+$0xFFFFFF50] =	vst v18  }
0x25c: {  	v16 =	vld [tilespmem:s15+$0xFFFFFF20];
	p1 =	slt.u32 s9, $0xF00;
	[tilespmem:s23+$0xFFFFFF60] =	vst v19  }
0x25d: {  	v17 =	vld [tilespmem:s15+$0xFFFFFF30];
	[tilespmem:s23+$0xFFFFFF70] =	vst v20  }
0x25e: {  	v18 =	vld [tilespmem:s15+$0xFFFFFF40];
	[tilespmem:s23+$0x0] =	vst v21  }
0x25f: {  	v19 =	vld [tilespmem:s15+$0xFFFFFF50];
	[tilespmem:s23+$0x10] =	vst v22  }
0x260: {  	v20 =	vld [tilespmem:s15+$0xFFFFFF60];
	v21 =	vadd.s32 $0x1, v30;
	[tilespmem:s23+$0x20] =	vst v25  }
0x261: {  	v16 =	vadd.s32 $0x1, v16;
	v22 =	vld [tilespmem:s15+$0xFFFFFF70];
	v23 =	vand.u32 $0xFFFFFF80, v21;
	[tilespmem:s23+$0x30] =	vst v26  }
0x262: {  	v21 =	vand.u32 $0x7F, v21;
	v24 =	vadd.s32 $0x1, v17;
	v17 =	vld [tilespmem:s15+$0xFFFFFF80];
	v23 =	vadd.s32 v0, v23;
	[tilespmem:s23+$0x40] =	vst v27  }
0x263: {  	v25 =	vand.u32 $0xFFFFFF80, v16;
	v26 =	vadd.s32 $0x1, v18;
	v18 =	vld [tilespmem:s15+$0xFFFFFF90];
	v21 =	vor.u32 v21, v23;
	[tilespmem:s23+$0x50] =	vst v28  }
0x264: {  	v23 =	vand.u32 $0xFFFFFF80, v24;
	v27 =	vand.u32 $0xFFFFFF80, v26;
	v28 =	vadd.s32 $0x1, v19;
	v19 =	vld [tilespmem:s15+$0xFFFFFFA0];
	[tilespmem:s23+$0x60] =	vst v29;
	s23 =	smov.u32 s24  }
0x265: {  	v29 =	vadd.s32 v0, v25;
	v25 =	vand.u32 $0xFFFFFF80, v28;
	v20 =	vadd.s32 $0x1, v20;
	v30 =	vld [tilespmem:s15+$0xFFFFFFB0]  }
0x266: {  	v31 =	vadd.s32 v0, v23;
	v23 =	vand.u32 $0xFFFFFF80, v20;
	v22 =	vadd.s32 $0x1, v22;
	v32 =	vld [tilespmem:s15+$0xFFFFFFC0]  }
0x267: {  	v27 =	vadd.s32 v0, v27;
	v33 =	vand.u32 $0xFFFFFF80, v22;
	v34 =	vadd.s32 $0x1, v17;
	v17 =	vld [tilespmem:s15+$0xFFFFFFD0]  }
0x268: {  	v35 =	vadd.s32 v0, v25;
	v25 =	vand.u32 $0xFFFFFF80, v34;
	v36 =	vadd.s32 $0x1, v18;
	v18 =	vld.idx.msk [tilespmem:v21+s6+$0x0], $0xffff  }
0x269: {  	v37 =	vadd.s32 v0, v23;
	v21 =	vand.u32 $0xFFFFFF80, v36;
	v23 =	vadd.s32 $0x1, v19;
	v19 =	vld [tilespmem:s15+$0xFFFFFFE0]  }
0x26a: {  	v33 =	vadd.s32 v0, v33;
	v38 =	vand.u32 $0xFFFFFF80, v23;
	v30 =	vadd.s32 $0x1, v30;
	v39 =	vld [tilespmem:s15+$0xFFFFFFF0]  }
0x26b: {  	v41 =	vadd.s32 v0, v25;
	v40 =	vld [tilespmem:s15+$0xFFFFFF10];
	v25 =	vand.u32 $0xFFFFFF80, v30;
	v32 =	vadd.s32 $0x1, v32  }
0x26c: {  	v42 =	vadd.s32 v0, v21;
	v21 =	vand.u32 $0xFFFFFF80, v32;
	v43 =	vadd.s32 $0x1, v17;
	v14 =	vld.idx.msk [tilespmem:v14+s6+$0x0], $0xffff  }
0x26d: {  	s24 =	sadd.s32 $0x200, s24;
	v38 =	vadd.s32 v0, v38;
	v44 =	vadd.s32 v0, v25;
	v17 =	vand.u32 $0xFFFFFF80, v43;
	v15 =	vld.idx.msk [tilespmem:v15+s6+$0x0], $0xffff  }
0x26e: {  	v45 =	vadd.s32 v0, v21;
	v46 =	vadd.s32 v0, v17;
	v25 =	vadd.s32 $0x1, v19;
	[tilespmem:s24+$0x70] =	vst v18;
	v13 =	vld.idx.msk [tilespmem:v13+s6+$0x0], $0xffff  }
0x26f: {  	v47 =	vand.u32 $0x7F, v16;
	v16 =	vand.u32 $0xFFFFFF80, v25;
	v39 =	vadd.s32 $0x1, v39;
	v12 =	vld.idx.msk [tilespmem:v12+s6+$0x0], $0xffff  }
0x270: {  	v17 =	vadd.s32 $0x1, v40;
	v16 =	vadd.s32 v0, v16;
	v18 =	vand.u32 $0xFFFFFF80, v39;
	v11 =	vld.idx.msk [tilespmem:v11+s6+$0x0], $0xffff  }
0x271: {  	v19 =	vand.u32 $0xFFFFFF80, v17;
	v40 =	vand.u32 $0x7F, v17;
	v17 =	vadd.s32 v0, v18;
	v18 =	vld.idx.msk [tilespmem:v9+s6+$0x0], $0xffff  }
0x272: {  	v48 =	vand.u32 $0x7F, v24;
	v26 =	vand.u32 $0x7F, v26;
	v9 =	vadd.s32 v0, v19;
	[tilespmem:s23+$0xFFFFFF00] =	vst v14;
	v19 =	vld.idx.msk [tilespmem:v7+s6+$0x0], $0xffff  }
0x273: {  	v49 =	vand.u32 $0x7F, v22;
	v7 =	vand.u32 $0x7F, v28;
	v28 =	vand.u32 $0x7F, v20;
	[tilespmem:s23+$0xFFFFFF10] =	vst v15;
	v20 =	vld.idx.msk [tilespmem:v6+s6+$0x0], $0xffff  }
0x274: {  	v6 =	vand.u32 $0x7F, v34;
	v34 =	vand.u32 $0x7F, v36;
	v36 =	vand.u32 $0x7F, v23;
	[tilespmem:s23+$0xFFFFFF20] =	vst v13;
	v21 =	vld.idx.msk [tilespmem:v5+s6+$0x0], $0xffff  }
0x275: {  	v30 =	vand.u32 $0x7F, v30;
	v32 =	vand.u32 $0x7F, v32;
	v43 =	vand.u32 $0x7F, v43;
	[tilespmem:s23+$0xFFFFFF30] =	vst v12;
	v22 =	vld.idx.msk [tilespmem:v4+s6+$0x0], $0xffff  }
.Ltmp10:
0x276: {  	v24 =	vand.u32 $0x7F, v25;
	v14 =	vor.u32 v40, v9;
	v23 =	vand.u32 $0x7F, v39;
	[tilespmem:s23+$0xFFFFFF40] =	vst v11;
	v25 =	vld.idx.msk [tilespmem:v3+s6+$0x0], $0xffff;
	(pc) =	sbr.rel @p1 .LBB2_13-.Ltmp10, $4  }
0x277: {  	v15 =	vor.u32 v47, v29;
	v13 =	vor.u32 v48, v31;
	v12 =	vor.u32 v26, v27;
	v26 =	vld.idx.msk [tilespmem:v2+s6+$0x0], $0xffff  }
0x278: {  	v9 =	vor.u32 v28, v37;
	v11 =	vor.u32 v7, v35;
	v7 =	vor.u32 v49, v33;
	v27 =	vld.idx.msk [tilespmem:v1+s6+$0x0], $0xffff  }
0x279: {  	v6 =	vor.u32 v6, v41;
	v5 =	vor.u32 v34, v42;
	v4 =	vor.u32 v36, v38;
	v28 =	vld.idx.msk [tilespmem:v10+s6+$0x0], $0xffff  }
0x27a: {  	s15 =	sadd.s32 $0x100, s15;
	v3 =	vor.u32 v30, v44;
	v2 =	vor.u32 v32, v45;
	v1 =	vor.u32 v43, v46;
	v29 =	vld.idx.msk [tilespmem:v8+s6+$0x0], $0xffff  }
0x27b: {  	[tilespmem:s23+$0xFFFFFF50] =	vst v18  }
0x27c: {  	[tilespmem:s23+$0xFFFFFF60] =	vst v19  }
0x27d: {  	[tilespmem:s23+$0xFFFFFF70] =	vst v20  }
0x27e: {  	[tilespmem:s23+$0x0] =	vst v21  }
0x27f: {  	[tilespmem:s23+$0x10] =	vst v22  }
0x280: {  	[tilespmem:s23+$0x20] =	vst v25;
	v0 =	vld.idx.msk [tilespmem:v14+s6+$0x0], $0xffff  }
0x281: {  	v8 =	vld.idx.msk [tilespmem:v15+s6+$0x0], $0xffff;
	[tilespmem:s23+$0x30] =	vst v26  }
0x282: {  	v10 =	vld.idx.msk [tilespmem:v13+s6+$0x0], $0xffff;
	[tilespmem:s23+$0x40] =	vst v27  }
0x283: {  	v12 =	vld.idx.msk [tilespmem:v12+s6+$0x0], $0xffff;
	[tilespmem:s23+$0x50] =	vst v28  }
0x284: {  	v11 =	vld.idx.msk [tilespmem:v11+s6+$0x0], $0xffff;
	[tilespmem:s23+$0x60] =	vst v29  }
0x285: {  	v9 =	vld.idx.msk [tilespmem:v9+s6+$0x0], $0xffff;
	[tilespmem:s24+$0xFFFFFF00] =	vst v0  }
0x286: {  	v58 =	vld.idx.msk [tilespmem:v7+s6+$0x0], $0xffff;
	[tilespmem:s24+$0xFFFFFF10] =	vst v8  }
0x287: {  	v6 =	vld.idx.msk [tilespmem:v6+s6+$0x0], $0xffff;
	[tilespmem:s24+$0xFFFFFF20] =	vst v10  }
0x288: {  	v59 =	vor.u32 v24, v16;
	v5 =	vld.idx.msk [tilespmem:v5+s6+$0x0], $0xffff;
	[tilespmem:s24+$0xFFFFFF30] =	vst v12  }
0x289: {  	v60 =	vor.u32 v23, v17;
	v4 =	vld.idx.msk [tilespmem:v4+s6+$0x0], $0xffff;
	[tilespmem:s24+$0xFFFFFF40] =	vst v11  }
0x28a: {  	v3 =	vld.idx.msk [tilespmem:v3+s6+$0x0], $0xffff;
	[tilespmem:s24+$0xFFFFFF50] =	vst v9  }
0x28b: {  	v2 =	vld.idx.msk [tilespmem:v2+s6+$0x0], $0xffff;
	[tilespmem:s24+$0xFFFFFF60] =	vst v58  }
0x28c: {  	v61 =	vld.idx.msk [tilespmem:v1+s6+$0x0], $0xffff;
	[tilespmem:s24+$0xFFFFFF70] =	vst v6  }
0x28d: {  	s9 =	smul.u32 $0xC8000, s20;
	s15 =	sshll.u32 s22, $0xD;
	v62 =	vld.idx.msk [tilespmem:v59+s6+$0x0], $0xffff;
	[tilespmem:s24+$0x0] =	vst v5  }
0x28e: {  	p1 =	sge.u32 s18, s13;
	s15 =	sand.u32 $0xF8000, s15;
	v63 =	vld.idx.msk [tilespmem:v60+s6+$0x0], $0xffff;
	[tilespmem:s24+$0x10] =	vst v4  }
0x28f: {  	s25 =	sand.u32 $0x300, s21;
	s16 =	sadd.s32 @!p1 $0x40, s19;
	s9 =	sadd.s32 s15, s9;
	[tilespmem:s24+$0x20] =	vst v3  }
0x290: {  	s15 =	smulhi.u32 @!p1 $0x51EB851F, s16;
	s9 =	sor.u32 s25, s9;
	[tilespmem:s24+$0x30] =	vst v2  }
0x291: {  	s9 =	sadd.s32 $0x960000, s9;
	[tilespmem:s24+$0x40] =	vst v61  }
0x292: {  	s15 =	sshrl.u32 @!p1 s15, $0x5;
	s9 =	sshrl.u32 s9, $0x3;
	[tilespmem:s24+$0x50] =	vst v62  }
0x293: {  	s15 =	smul.u32 @!p1 $0x64, s15;
	s9 =	sadd.s32 s3, s9;
	[tilespmem:s24+$0x60] =	vst v63  }
0x294: {  	[hbm4b:s9+s29] =	stream.strided.scatter [tilespmem:s2], [sflag:$0x4], $0x2000, s30, s29, $0x38;
	[tilespmem:$0xE200] =	vst v63  }
.Ltmp11:
0x295: {  	_ = 	snop;
	(pc) =	sbr.rel .LBB2_15-.Ltmp11, $4  }
0x296: {  	s9 =	ssub.s32 @!p1 s16, s15  }
0x297: {  	s9 =	sshll.u32 @!p1 s9, $0xA  }
0x298: {  	s15 =	simm.s32 @!p1 $0x0;
	s16 =	simm.s32 @!p1 $0x2200;
	s9 =	sadd.s32 @!p1 s1, s9  }
0x299: {  	[tilespmem:s16], [sflag:$0x2] =	stream.linear.gather @!p1 [hbm4b:s9+s15], $0x2000, $0x38;
	[tilespmem:$0xE200] =	vst v63  }
.LBB2_2:
.Ltmp12:
0x29a: {  	(pc) =	sbr.rel .LBB2_4-.Ltmp12, $2  }
0x29b: {  	_ =	sdelay $0x2  }
0x29c: {  	s20 =	smov.u32 s7  }
.LBB2_17:
0x29d: {  	_ =	sfence.sel $0x180000  }
0x29e: {  	[bflag:$0x0] =	sbarrier.arrive $0xFFFF  }
0x29f: {  	_ =	strace $0x90000047  }
0x2a0: {  	s0 =	stileid.u32;
	[bflag:$0x2] =	sbarrier.arrive $0xFFFF  }
0x2a1: {  	p0 =	sne.s32 s0, $0x0;
	s0 =	rddreg [dreg:$0x5]  }
0x2a2: {  	s0 =	sadd.s32 @!p0 $0x100000, s0  }
0x2a3: {  	[sflag:s0] =	ssyncadd.tile.s32 @!p0 $0x1;
	_ =	shalt  }
.Lfunc_end2:
_tile_overlayer_lowered:
.L_overlay_start_2:
0x2a4: {  	(tag) =	ssettag $0x2  }
0x2a5: {  	s0 =	rddreg [dreg:$0x0];
	s2 =	stileid.u32  }
0x2a6: {  	s1 =	rddreg [dreg:$0x1];
	p0 =	sne.s32 s2, $0x0  }
0x2a7: {  	s3 =	rddreg [dreg:$0x2];
	[bflag:$0x3] =	sbarrier.arrive $0xFFFF;
	s2 =	simm.s32 @!p0 $0x1C06  }
0x2a8: {  	[timem:s3], [sflag:s2] =	dma.local @!p0 [hbm:s0], s1  }
0x2a9: {  	s0 =	simm.s32 @!p0 $0x6  }
0x2aa: {  	_ =	swait.ge @!p0 [sflag:s0], s1  }
0x2ab: {  	s1 =	ssub.s32 @!p0 $0x0, s1;
	[sflag:s0] =	ssyncset.done @!p0 $0x0  }
0x2ac: {  	[sflag:s0] =	ssyncadd.s32 @!p0 s1  }
0x2ad: {  	[bflag:$0x3] =	sbarrier.arrive $0xFFFF  }
0x2ae: {  	_ =	shalt  }

</sc_bundles>
